<compile_context>
chip_gen: v7x
topology: tpu7x:2x2x1
jax: 0.10.2.dev20260603
libtpu: 0.0.44.dev20260713+nightly
codegen_flags: <defaults>
</compile_context>

<pallas_src>
import functools

import jax
import jax.numpy as jnp
from jax import lax
from jax.experimental import pallas as pl
from jax.experimental.pallas import tpu as pltpu
from jax.experimental.pallas import tpu_sc as plsc

_NC = 2
_NS = 16
_NW = _NC * _NS
_CHUNK = 32
_LANES = 16


def _rsqrt16(s):
    i = lax.bitcast_convert_type(s, jnp.int32)
    i = jnp.full((_LANES,), 0x5F3759DF, jnp.int32) - (i >> 1)
    y = lax.bitcast_convert_type(i, jnp.float32)
    for _ in range(3):
        y = y * (1.5 - 0.5 * s * y * y)
    return y


@functools.cache
def _make_sc_kernel(B, E, D, dtype):
    b_per_w = B // _NW
    n_chunks = b_per_w // _CHUNK
    rows_per_sub = E // _NS
    col_chunks = D // _LANES
    mesh = plsc.VectorSubcoreMesh(
        core_axis_name="c", subcore_axis_name="s",
        num_cores=_NC, num_subcores=_NS)

    @functools.partial(
        pl.kernel,
        out_type=jax.ShapeDtypeStruct((B, D), dtype),
        mesh=mesh,
        scratch_types=[
            pltpu.VMEM((n_chunks, _CHUNK), jnp.int32),
            pltpu.VMEM((b_per_w, D), dtype),
            pltpu.VMEM((rows_per_sub, D), dtype),
            pltpu.VMEM_SHARED((E, D), dtype),
            pltpu.SemaphoreType.DMA((n_chunks,)),
            pltpu.SemaphoreType.DMA,
            pltpu.SemaphoreType.DMA,
        ],
    )
    def body(table_hbm, idx_hbm, out_hbm, idx_v, rows_v, traw_v, table_sh,
             gsems, wsem, isem):
        sid = lax.axis_index("s")
        wid = sid * _NC + lax.axis_index("c")
        base = wid * b_per_w

        idx_copy = pltpu.async_copy(idx_hbm.at[wid], idx_v, isem)
        pltpu.sync_copy(table_hbm.at[pl.ds(sid * rows_per_sub, rows_per_sub)],
                        traw_v)
        for r in range(rows_per_sub):
            row = traw_v.at[r]
            chunks = [row[pl.ds(c * _LANES, _LANES)] for c in range(col_chunks)]
            acc = chunks[0] * chunks[0]
            for c in range(1, col_chunks):
                acc = acc + chunks[c] * chunks[c]
            lanes = lax.iota(jnp.int32, _LANES)
            dnums = lax.GatherDimensionNumbers(
                offset_dims=(), collapsed_slice_dims=(0,),
                start_index_map=(0,))
            s16 = acc
            for sh in (8, 4, 2, 1):
                perm = lax.reshape(lanes ^ sh, (_LANES, 1))
                s16 = s16 + lax.gather(
                    s16, perm, dnums, slice_sizes=(1,),
                    mode=lax.GatherScatterMode.PROMISE_IN_BOUNDS)
            inv = jnp.minimum(_rsqrt16(s16), 1e12)
            for c in range(col_chunks):
                row[pl.ds(c * _LANES, _LANES)] = chunks[c] * inv
        pltpu.sync_copy(traw_v,
                        table_sh.at[pl.ds(sid * rows_per_sub, rows_per_sub)])
        plsc.subcore_barrier()
        idx_copy.wait()

        gathers = [
            pltpu.async_copy(
                table_sh.at[idx_v.at[j]],
                rows_v.at[pl.ds(j * _CHUNK, _CHUNK)],
                gsems.at[j],
            )
            for j in range(n_chunks)
        ]
        writes = []
        for j in range(n_chunks):
            gathers[j].wait()
            writes.append(pltpu.async_copy(
                rows_v.at[pl.ds(j * _CHUNK, _CHUNK)],
                out_hbm.at[pl.ds(base + j * _CHUNK, _CHUNK)],
                wsem,
            ))
        for w in writes:
            w.wait()

    return body


def kernel(expert_indices, table):
    B = expert_indices.shape[0]
    E, D = table.shape
    idx = expert_indices.astype(jnp.int32).reshape(_NW, B // _NW // _CHUNK, _CHUNK)
    return _make_sc_kernel(B, E, D, table.dtype)(table, idx)

# --- scband reference (transcript-rebuilt; emitter-appended) ---
"""Pipeline reference for scband-expert-embeddings-64304250356130 (READ-ONLY COPY).

The authoritative reference and input builder live on the scoring server;
editing this copy changes nothing except your own understanding.
"""

import jax, jax.numpy as jnp
import numpy as np

NUM_EXPERTS = 64
EMBED_DIM = 128
BATCH = 16384


def setup_inputs(seed: int = 0) -> dict:
    key = jax.random.key(seed)
    k1, k2 = jax.random.split(key)
    expert_indices = jax.random.randint(k1, (BATCH,), 0, NUM_EXPERTS, dtype=jnp.int64) if jax.config.read('jax_enable_x64') else jax.random.randint(k1, (BATCH,), 0, NUM_EXPERTS).astype(jnp.int32)
    table = jax.random.normal(k2, (NUM_EXPERTS, EMBED_DIM), dtype=jnp.float32)
    return {"expert_indices": expert_indices, "table": table}


def reference(expert_indices, table):
    # nn.Embedding lookup: gather rows of the table
    emb = jnp.take(table, expert_indices, axis=0)
    # F.normalize(emb, p=2, dim=1): divide by max(l2_norm, eps), eps=1e-12
    norm = jnp.sqrt(jnp.sum(emb * emb, axis=1, keepdims=True))
    emb = emb / jnp.maximum(norm, 1e-12)
    return emb

if __name__ == "__main__":
    import jax
    _d = setup_inputs()
    print(jax.jit(kernel)(*tuple(_d.values())))

</pallas_src>

<mosaic_0001>
#map = affine_map<(d0, d1) -> (0, 0)>
#map1 = affine_map<(d0, d1) -> (0, 0, 0)>
module attributes {stable_mosaic.version = 14 : i64} {
  func.func @body(%arg0: i32, %arg1: i32, %arg2: memref<64x128xf32, #tpu.memory_space<hbm>>, %arg3: memref<32x16x32xi32, #tpu.memory_space<hbm>>, %arg4: memref<16384x128xf32, #tpu.memory_space<hbm>>, %arg5: memref<16x32xi32, #tpu.memory_space<vmem>>, %arg6: memref<512x128xf32, #tpu.memory_space<vmem>>, %arg7: memref<4x128xf32, #tpu.memory_space<vmem>>, %arg8: memref<64x128xf32, #tpu.memory_space<vmem_shared>>, %arg9: memref<16x!tpu.dma_semaphore, #tpu.memory_space<semaphore_mem>>, %arg10: memref<!tpu.dma_semaphore, #tpu.memory_space<semaphore_mem>>, %arg11: memref<!tpu.dma_semaphore, #tpu.memory_space<semaphore_mem>>) attributes {dimension_semantics = [#tpu.dimension_semantics<core_parallel>, #tpu.dimension_semantics<subcore_parallel>], iteration_bounds = array<i64: 2, 16>, scalar_prefetch = 0 : i64, scratch_operands = 7 : i64, tpu.core_type = #tpu.core_type<sc_vector_subcore>, window_params = [{transform_indices = #map}, {transform_indices = #map1}, {transform_indices = #map}]} {
    %mul3A = arith.constant 2 : i32
    %mul3A_0 = arith.muli %arg1, %mul3A : i32
    %add3A = arith.addi %mul3A_0, %arg0 : i32
    %mul3A_1 = arith.constant 512 : i32
    %mul3A_2 = arith.muli %add3A, %mul3A_1 : i32
    %dma_start3A = arith.constant 0 : i32
    %dma_start3A_3 = arith.constant 0 : i32
    %dma_start3A_4 = tpu.memref_slice %arg3[%add3A, %dma_start3A, %dma_start3A_3] : memref<32x16x32xi32, #tpu.memory_space<hbm>> -> memref<1x16x32xi32, #tpu.memory_space<hbm>>
    %dma_start3A_5 = tpu.memref_squeeze %dma_start3A_4 : memref<1x16x32xi32, #tpu.memory_space<hbm>> -> memref<16x32xi32, #tpu.memory_space<hbm>>
    %dma_start3A_6 = arith.constant 0 : i32
    %dma_start3A_7 = arith.constant 0 : i32
    %dma_start3A_8 = tpu.memref_slice %arg3[%add3A, %dma_start3A_6, %dma_start3A_7] : memref<32x16x32xi32, #tpu.memory_space<hbm>> -> memref<1x16x32xi32, #tpu.memory_space<hbm>>
    %dma_start3A_9 = tpu.memref_squeeze %dma_start3A_8 : memref<1x16x32xi32, #tpu.memory_space<hbm>> -> memref<16x32xi32, #tpu.memory_space<hbm>>
    tpu.enqueue_dma source(%dma_start3A_9 : memref<16x32xi32, #tpu.memory_space<hbm>>) target(%arg5 : memref<16x32xi32, #tpu.memory_space<vmem>>) target_semaphore(%arg11 : memref<!tpu.dma_semaphore, #tpu.memory_space<semaphore_mem>>)
    %mul3A_10 = arith.constant 4 : i32
    %mul3A_11 = arith.muli %arg1, %mul3A_10 : i32
    "tpu.region"() ({
      %run_scoped3A = tpu.sem_alloc : memref<!tpu.dma_semaphore, #tpu.memory_space<semaphore_mem>>
      %dma_start3A_1618 = arith.constant 0 : i32
      %dma_start3A_1619 = tpu.memref_slice %arg2[%mul3A_11, %dma_start3A_1618] : memref<64x128xf32, #tpu.memory_space<hbm>> -> memref<4x128xf32, #tpu.memory_space<hbm>>
      %dma_start3A_1620 = arith.constant 0 : i32
      %dma_start3A_1621 = tpu.memref_slice %arg2[%mul3A_11, %dma_start3A_1620] : memref<64x128xf32, #tpu.memory_space<hbm>> -> memref<4x128xf32, #tpu.memory_space<hbm>>
      tpu.enqueue_dma source(%dma_start3A_1621 : memref<4x128xf32, #tpu.memory_space<hbm>>) target(%arg7 : memref<4x128xf32, #tpu.memory_space<vmem>>) target_semaphore(%run_scoped3A : memref<!tpu.dma_semaphore, #tpu.memory_space<semaphore_mem>>)
      %dma_wait3A_1622 = arith.constant 0 : i32
      %dma_wait3A_1623 = tpu.memref_slice %arg2[%mul3A_11, %dma_wait3A_1622] : memref<64x128xf32, #tpu.memory_space<hbm>> -> memref<4x128xf32, #tpu.memory_space<hbm>>
      %dma_wait3A_1624 = arith.constant 0 : i32
      %dma_wait3A_1625 = tpu.memref_slice %arg2[%mul3A_11, %dma_wait3A_1624] : memref<64x128xf32, #tpu.memory_space<hbm>> -> memref<4x128xf32, #tpu.memory_space<hbm>>
      tpu.wait_dma2 semaphore(%run_scoped3A : memref<!tpu.dma_semaphore, #tpu.memory_space<semaphore_mem>>) src(%dma_wait3A_1625 : memref<4x128xf32, #tpu.memory_space<hbm>>) dst(%arg7 : memref<4x128xf32, #tpu.memory_space<vmem>>)
      tpu.yield
    }) : () -> ()
    %get3A = arith.constant 0 : i32
    %get3A_12 = arith.constant 0 : i32
    %get3A_13 = tpu.memref_slice %arg7[%get3A, %get3A_12] : memref<4x128xf32, #tpu.memory_space<vmem>> -> memref<1x128xf32, #tpu.memory_space<vmem>>
    %get3A_14 = tpu.memref_squeeze %get3A_13 : memref<1x128xf32, #tpu.memory_space<vmem>> -> memref<128xf32, #tpu.memory_space<vmem>>
    %get3A_15 = arith.constant 0 : index
    %get3A_16 = tpu.vector_load %get3A_14[%get3A_15] {strides = array<i32>} : memref<128xf32, #tpu.memory_space<vmem>>, vector<16xf32>,
    %get3A_17 = vector.shape_cast %get3A_16 : vector<16xf32> to vector<16xf32>
    %get3A_18 = arith.constant 0 : i32
    %get3A_19 = arith.constant 0 : i32
    %get3A_20 = tpu.memref_slice %arg7[%get3A_18, %get3A_19] : memref<4x128xf32, #tpu.memory_space<vmem>> -> memref<1x128xf32, #tpu.memory_space<vmem>>
    %get3A_21 = tpu.memref_squeeze %get3A_20 : memref<1x128xf32, #tpu.memory_space<vmem>> -> memref<128xf32, #tpu.memory_space<vmem>>
    %get3A_22 = arith.constant 16 : index
    %get3A_23 = tpu.vector_load %get3A_21[%get3A_22] {strides = array<i32>} : memref<128xf32, #tpu.memory_space<vmem>>, vector<16xf32>,
    %get3A_24 = vector.shape_cast %get3A_23 : vector<16xf32> to vector<16xf32>
    %get3A_25 = arith.constant 0 : i32
    %get3A_26 = arith.constant 0 : i32
    %get3A_27 = tpu.memref_slice %arg7[%get3A_25, %get3A_26] : memref<4x128xf32, #tpu.memory_space<vmem>> -> memref<1x128xf32, #tpu.memory_space<vmem>>
    %get3A_28 = tpu.memref_squeeze %get3A_27 : memref<1x128xf32, #tpu.memory_space<vmem>> -> memref<128xf32, #tpu.memory_space<vmem>>
    %get3A_29 = arith.constant 32 : index
    %get3A_30 = tpu.vector_load %get3A_28[%get3A_29] {strides = array<i32>} : memref<128xf32, #tpu.memory_space<vmem>>, vector<16xf32>,
    %get3A_31 = vector.shape_cast %get3A_30 : vector<16xf32> to vector<16xf32>
    %get3A_32 = arith.constant 0 : i32
    %get3A_33 = arith.constant 0 : i32
    %get3A_34 = tpu.memref_slice %arg7[%get3A_32, %get3A_33] : memref<4x128xf32, #tpu.memory_space<vmem>> -> memref<1x128xf32, #tpu.memory_space<vmem>>
    %get3A_35 = tpu.memref_squeeze %get3A_34 : memref<1x128xf32, #tpu.memory_space<vmem>> -> memref<128xf32, #tpu.memory_space<vmem>>
    %get3A_36 = arith.constant 48 : index
    %get3A_37 = tpu.vector_load %get3A_35[%get3A_36] {strides = array<i32>} : memref<128xf32, #tpu.memory_space<vmem>>, vector<16xf32>,
    %get3A_38 = vector.shape_cast %get3A_37 : vector<16xf32> to vector<16xf32>
    %get3A_39 = arith.constant 0 : i32
    %get3A_40 = arith.constant 0 : i32
    %get3A_41 = tpu.memref_slice %arg7[%get3A_39, %get3A_40] : memref<4x128xf32, #tpu.memory_space<vmem>> -> memref<1x128xf32, #tpu.memory_space<vmem>>
    %get3A_42 = tpu.memref_squeeze %get3A_41 : memref<1x128xf32, #tpu.memory_space<vmem>> -> memref<128xf32, #tpu.memory_space<vmem>>
    %get3A_43 = arith.constant 64 : index
    %get3A_44 = tpu.vector_load %get3A_42[%get3A_43] {strides = array<i32>} : memref<128xf32, #tpu.memory_space<vmem>>, vector<16xf32>,
    %get3A_45 = vector.shape_cast %get3A_44 : vector<16xf32> to vector<16xf32>
    %get3A_46 = arith.constant 0 : i32
    %get3A_47 = arith.constant 0 : i32
    %get3A_48 = tpu.memref_slice %arg7[%get3A_46, %get3A_47] : memref<4x128xf32, #tpu.memory_space<vmem>> -> memref<1x128xf32, #tpu.memory_space<vmem>>
    %get3A_49 = tpu.memref_squeeze %get3A_48 : memref<1x128xf32, #tpu.memory_space<vmem>> -> memref<128xf32, #tpu.memory_space<vmem>>
    %get3A_50 = arith.constant 80 : index
    %get3A_51 = tpu.vector_load %get3A_49[%get3A_50] {strides = array<i32>} : memref<128xf32, #tpu.memory_space<vmem>>, vector<16xf32>,
    %get3A_52 = vector.shape_cast %get3A_51 : vector<16xf32> to vector<16xf32>
    %get3A_53 = arith.constant 0 : i32
    %get3A_54 = arith.constant 0 : i32
    %get3A_55 = tpu.memref_slice %arg7[%get3A_53, %get3A_54] : memref<4x128xf32, #tpu.memory_space<vmem>> -> memref<1x128xf32, #tpu.memory_space<vmem>>
    %get3A_56 = tpu.memref_squeeze %get3A_55 : memref<1x128xf32, #tpu.memory_space<vmem>> -> memref<128xf32, #tpu.memory_space<vmem>>
    %get3A_57 = arith.constant 96 : index
    %get3A_58 = tpu.vector_load %get3A_56[%get3A_57] {strides = array<i32>} : memref<128xf32, #tpu.memory_space<vmem>>, vector<16xf32>,
    %get3A_59 = vector.shape_cast %get3A_58 : vector<16xf32> to vector<16xf32>
    %get3A_60 = arith.constant 0 : i32
    %get3A_61 = arith.constant 0 : i32
    %get3A_62 = tpu.memref_slice %arg7[%get3A_60, %get3A_61] : memref<4x128xf32, #tpu.memory_space<vmem>> -> memref<1x128xf32, #tpu.memory_space<vmem>>
    %get3A_63 = tpu.memref_squeeze %get3A_62 : memref<1x128xf32, #tpu.memory_space<vmem>> -> memref<128xf32, #tpu.memory_space<vmem>>
    %get3A_64 = arith.constant 112 : index
    %get3A_65 = tpu.vector_load %get3A_63[%get3A_64] {strides = array<i32>} : memref<128xf32, #tpu.memory_space<vmem>>, vector<16xf32>,
    %get3A_66 = vector.shape_cast %get3A_65 : vector<16xf32> to vector<16xf32>
    %mul3A_67 = arith.mulf %get3A_17, %get3A_17 : vector<16xf32>
    %mul3A_68 = arith.mulf %get3A_24, %get3A_24 : vector<16xf32>
    %add3A_69 = arith.addf %mul3A_67, %mul3A_68 : vector<16xf32>
    %mul3A_70 = arith.mulf %get3A_31, %get3A_31 : vector<16xf32>
    %add3A_71 = arith.addf %add3A_69, %mul3A_70 : vector<16xf32>
    %mul3A_72 = arith.mulf %get3A_38, %get3A_38 : vector<16xf32>
    %add3A_73 = arith.addf %add3A_71, %mul3A_72 : vector<16xf32>
    %mul3A_74 = arith.mulf %get3A_45, %get3A_45 : vector<16xf32>
    %add3A_75 = arith.addf %add3A_73, %mul3A_74 : vector<16xf32>
    %mul3A_76 = arith.mulf %get3A_52, %get3A_52 : vector<16xf32>
    %add3A_77 = arith.addf %add3A_75, %mul3A_76 : vector<16xf32>
    %mul3A_78 = arith.mulf %get3A_59, %get3A_59 : vector<16xf32>
    %add3A_79 = arith.addf %add3A_77, %mul3A_78 : vector<16xf32>
    %mul3A_80 = arith.mulf %get3A_66, %get3A_66 : vector<16xf32>
    %add3A_81 = arith.addf %add3A_79, %mul3A_80 : vector<16xf32>
    %iota3A = tpu.iota {dimensions = array<i32: 0>} : vector<16xi32>
    %xor3A = arith.constant 8 : i32
    %xor3A_82 = vector.broadcast %xor3A : i32 to vector<16xi32>
    %xor3A_83 = arith.xori %iota3A, %xor3A_82 : vector<16xi32>
    %reshape3A = vector.shape_cast %xor3A_83 : vector<16xi32> to vector<16x1xi32>
    %gather3A = vector.shape_cast %reshape3A : vector<16x1xi32> to vector<16xi32>
    %gather3A_84 = tpu.dynamic_gather %add3A_81[%gather3A] in [0] : vector<16xf32>, vector<16xi32> -> vector<16xf32>
    %add3A_85 = arith.addf %add3A_81, %gather3A_84 : vector<16xf32>
    %xor3A_86 = arith.constant 4 : i32
    %xor3A_87 = vector.broadcast %xor3A_86 : i32 to vector<16xi32>
    %xor3A_88 = arith.xori %iota3A, %xor3A_87 : vector<16xi32>
    %reshape3A_89 = vector.shape_cast %xor3A_88 : vector<16xi32> to vector<16x1xi32>
    %gather3A_90 = vector.shape_cast %reshape3A_89 : vector<16x1xi32> to vector<16xi32>
    %gather3A_91 = tpu.dynamic_gather %add3A_85[%gather3A_90] in [0] : vector<16xf32>, vector<16xi32> -> vector<16xf32>
    %add3A_92 = arith.addf %add3A_85, %gather3A_91 : vector<16xf32>
    %xor3A_93 = arith.constant 2 : i32
    %xor3A_94 = vector.broadcast %xor3A_93 : i32 to vector<16xi32>
    %xor3A_95 = arith.xori %iota3A, %xor3A_94 : vector<16xi32>
    %reshape3A_96 = vector.shape_cast %xor3A_95 : vector<16xi32> to vector<16x1xi32>
    %gather3A_97 = vector.shape_cast %reshape3A_96 : vector<16x1xi32> to vector<16xi32>
    %gather3A_98 = tpu.dynamic_gather %add3A_92[%gather3A_97] in [0] : vector<16xf32>, vector<16xi32> -> vector<16xf32>
    %add3A_99 = arith.addf %add3A_92, %gather3A_98 : vector<16xf32>
    %xor3A_100 = arith.constant 1 : i32
    %xor3A_101 = vector.broadcast %xor3A_100 : i32 to vector<16xi32>
    %xor3A_102 = arith.xori %iota3A, %xor3A_101 : vector<16xi32>
    %reshape3A_103 = vector.shape_cast %xor3A_102 : vector<16xi32> to vector<16x1xi32>
    %gather3A_104 = vector.shape_cast %reshape3A_103 : vector<16x1xi32> to vector<16xi32>
    %gather3A_105 = tpu.dynamic_gather %add3A_99[%gather3A_104] in [0] : vector<16xf32>, vector<16xi32> -> vector<16xf32>
    %add3A_106 = arith.addf %add3A_99, %gather3A_105 : vector<16xf32>
    %bitcast_convert_type3A = tpu.bitcast %add3A_106 : vector<16xf32> -> vector<16xi32>
    %broadcast_in_dim3A = arith.constant 1597463007 : i32
    %broadcast_in_dim3A_107 = vector.broadcast %broadcast_in_dim3A : i32 to vector<16xi32>
    %shift_right_arithmetic3A = arith.constant 1 : i32
    %shift_right_arithmetic3A_108 = vector.broadcast %shift_right_arithmetic3A : i32 to vector<16xi32>
    %shift_right_arithmetic3A_109 = arith.shrsi %bitcast_convert_type3A, %shift_right_arithmetic3A_108 : vector<16xi32>
    %sub3A = arith.subi %broadcast_in_dim3A_107, %shift_right_arithmetic3A_109 : vector<16xi32>
    %bitcast_convert_type3A_110 = tpu.bitcast %sub3A : vector<16xi32> -> vector<16xf32>
    %mul3A_111 = arith.constant 5.000000e-01 : f32
    %mul3A_112 = vector.broadcast %mul3A_111 : f32 to vector<16xf32>
    %mul3A_113 = arith.mulf %mul3A_112, %add3A_106 : vector<16xf32>
    %mul3A_114 = arith.mulf %mul3A_113, %bitcast_convert_type3A_110 : vector<16xf32>
    %mul3A_115 = arith.mulf %mul3A_114, %bitcast_convert_type3A_110 : vector<16xf32>
    %sub3A_116 = arith.constant 1.500000e+00 : f32
    %sub3A_117 = vector.broadcast %sub3A_116 : f32 to vector<16xf32>
    %sub3A_118 = arith.subf %sub3A_117, %mul3A_115 : vector<16xf32>
    %mul3A_119 = arith.mulf %bitcast_convert_type3A_110, %sub3A_118 : vector<16xf32>
    %mul3A_120 = arith.constant 5.000000e-01 : f32
    %mul3A_121 = vector.broadcast %mul3A_120 : f32 to vector<16xf32>
    %mul3A_122 = arith.mulf %mul3A_121, %add3A_106 : vector<16xf32>
    %mul3A_123 = arith.mulf %mul3A_122, %mul3A_119 : vector<16xf32>
    %mul3A_124 = arith.mulf %mul3A_123, %mul3A_119 : vector<16xf32>
    %sub3A_125 = arith.constant 1.500000e+00 : f32
    %sub3A_126 = vector.broadcast %sub3A_125 : f32 to vector<16xf32>
    %sub3A_127 = arith.subf %sub3A_126, %mul3A_124 : vector<16xf32>
    %mul3A_128 = arith.mulf %mul3A_119, %sub3A_127 : vector<16xf32>
    %mul3A_129 = arith.constant 5.000000e-01 : f32
    %mul3A_130 = vector.broadcast %mul3A_129 : f32 to vector<16xf32>
    %mul3A_131 = arith.mulf %mul3A_130, %add3A_106 : vector<16xf32>
    %mul3A_132 = arith.mulf %mul3A_131, %mul3A_128 : vector<16xf32>
    %mul3A_133 = arith.mulf %mul3A_132, %mul3A_128 : vector<16xf32>
    %sub3A_134 = arith.constant 1.500000e+00 : f32
    %sub3A_135 = vector.broadcast %sub3A_134 : f32 to vector<16xf32>
    %sub3A_136 = arith.subf %sub3A_135, %mul3A_133 : vector<16xf32>
    %mul3A_137 = arith.mulf %mul3A_128, %sub3A_136 : vector<16xf32>
    %min3A = arith.constant 9.99999995E+11 : f32
    %min3A_138 = vector.broadcast %min3A : f32 to vector<16xf32>
    %min3A_139 = arith.minimumf %mul3A_137, %min3A_138 : vector<16xf32>
    %mul3A_140 = arith.mulf %get3A_17, %min3A_139 : vector<16xf32>
    %swap3A = arith.constant 0 : i32
    %swap3A_141 = arith.constant 0 : i32
    %swap3A_142 = tpu.memref_slice %arg7[%swap3A, %swap3A_141] : memref<4x128xf32, #tpu.memory_space<vmem>> -> memref<1x128xf32, #tpu.memory_space<vmem>>
    %swap3A_143 = tpu.memref_squeeze %swap3A_142 : memref<1x128xf32, #tpu.memory_space<vmem>> -> memref<128xf32, #tpu.memory_space<vmem>>
    %swap3A_144 = arith.constant 0 : index
    %swap3A_145 = tpu.vector_load %swap3A_143[%swap3A_144] {strides = array<i32>} : memref<128xf32, #tpu.memory_space<vmem>>, vector<16xf32>,
    %swap3A_146 = vector.shape_cast %swap3A_145 : vector<16xf32> to vector<16xf32>
    %swap3A_147 = vector.shape_cast %mul3A_140 : vector<16xf32> to vector<16xf32>
    tpu.vector_store %swap3A_143[%swap3A_144], %swap3A_147 {strides = array<i32>} : memref<128xf32, #tpu.memory_space<vmem>>, vector<16xf32>,
    %mul3A_148 = arith.mulf %get3A_24, %min3A_139 : vector<16xf32>
    %swap3A_149 = arith.constant 0 : i32
    %swap3A_150 = arith.constant 0 : i32
    %swap3A_151 = tpu.memref_slice %arg7[%swap3A_149, %swap3A_150] : memref<4x128xf32, #tpu.memory_space<vmem>> -> memref<1x128xf32, #tpu.memory_space<vmem>>
    %swap3A_152 = tpu.memref_squeeze %swap3A_151 : memref<1x128xf32, #tpu.memory_space<vmem>> -> memref<128xf32, #tpu.memory_space<vmem>>
    %swap3A_153 = arith.constant 16 : index
    %swap3A_154 = tpu.vector_load %swap3A_152[%swap3A_153] {strides = array<i32>} : memref<128xf32, #tpu.memory_space<vmem>>, vector<16xf32>,
    %swap3A_155 = vector.shape_cast %swap3A_154 : vector<16xf32> to vector<16xf32>
    %swap3A_156 = vector.shape_cast %mul3A_148 : vector<16xf32> to vector<16xf32>
    tpu.vector_store %swap3A_152[%swap3A_153], %swap3A_156 {strides = array<i32>} : memref<128xf32, #tpu.memory_space<vmem>>, vector<16xf32>,
    %mul3A_157 = arith.mulf %get3A_31, %min3A_139 : vector<16xf32>
    %swap3A_158 = arith.constant 0 : i32
    %swap3A_159 = arith.constant 0 : i32
    %swap3A_160 = tpu.memref_slice %arg7[%swap3A_158, %swap3A_159] : memref<4x128xf32, #tpu.memory_space<vmem>> -> memref<1x128xf32, #tpu.memory_space<vmem>>
    %swap3A_161 = tpu.memref_squeeze %swap3A_160 : memref<1x128xf32, #tpu.memory_space<vmem>> -> memref<128xf32, #tpu.memory_space<vmem>>
    %swap3A_162 = arith.constant 32 : index
    %swap3A_163 = tpu.vector_load %swap3A_161[%swap3A_162] {strides = array<i32>} : memref<128xf32, #tpu.memory_space<vmem>>, vector<16xf32>,
    %swap3A_164 = vector.shape_cast %swap3A_163 : vector<16xf32> to vector<16xf32>
    %swap3A_165 = vector.shape_cast %mul3A_157 : vector<16xf32> to vector<16xf32>
    tpu.vector_store %swap3A_161[%swap3A_162], %swap3A_165 {strides = array<i32>} : memref<128xf32, #tpu.memory_space<vmem>>, vector<16xf32>,
    %mul3A_166 = arith.mulf %get3A_38, %min3A_139 : vector<16xf32>
    %swap3A_167 = arith.constant 0 : i32
    %swap3A_168 = arith.constant 0 : i32
    %swap3A_169 = tpu.memref_slice %arg7[%swap3A_167, %swap3A_168] : memref<4x128xf32, #tpu.memory_space<vmem>> -> memref<1x128xf32, #tpu.memory_space<vmem>>
    %swap3A_170 = tpu.memref_squeeze %swap3A_169 : memref<1x128xf32, #tpu.memory_space<vmem>> -> memref<128xf32, #tpu.memory_space<vmem>>
    %swap3A_171 = arith.constant 48 : index
    %swap3A_172 = tpu.vector_load %swap3A_170[%swap3A_171] {strides = array<i32>} : memref<128xf32, #tpu.memory_space<vmem>>, vector<16xf32>,
    %swap3A_173 = vector.shape_cast %swap3A_172 : vector<16xf32> to vector<16xf32>
    %swap3A_174 = vector.shape_cast %mul3A_166 : vector<16xf32> to vector<16xf32>
    tpu.vector_store %swap3A_170[%swap3A_171], %swap3A_174 {strides = array<i32>} : memref<128xf32, #tpu.memory_space<vmem>>, vector<16xf32>,
    %mul3A_175 = arith.mulf %get3A_45, %min3A_139 : vector<16xf32>
    %swap3A_176 = arith.constant 0 : i32
    %swap3A_177 = arith.constant 0 : i32
    %swap3A_178 = tpu.memref_slice %arg7[%swap3A_176, %swap3A_177] : memref<4x128xf32, #tpu.memory_space<vmem>> -> memref<1x128xf32, #tpu.memory_space<vmem>>
    %swap3A_179 = tpu.memref_squeeze %swap3A_178 : memref<1x128xf32, #tpu.memory_space<vmem>> -> memref<128xf32, #tpu.memory_space<vmem>>
    %swap3A_180 = arith.constant 64 : index
    %swap3A_181 = tpu.vector_load %swap3A_179[%swap3A_180] {strides = array<i32>} : memref<128xf32, #tpu.memory_space<vmem>>, vector<16xf32>,
    %swap3A_182 = vector.shape_cast %swap3A_181 : vector<16xf32> to vector<16xf32>
    %swap3A_183 = vector.shape_cast %mul3A_175 : vector<16xf32> to vector<16xf32>
    tpu.vector_store %swap3A_179[%swap3A_180], %swap3A_183 {strides = array<i32>} : memref<128xf32, #tpu.memory_space<vmem>>, vector<16xf32>,
    %mul3A_184 = arith.mulf %get3A_52, %min3A_139 : vector<16xf32>
    %swap3A_185 = arith.constant 0 : i32
    %swap3A_186 = arith.constant 0 : i32
    %swap3A_187 = tpu.memref_slice %arg7[%swap3A_185, %swap3A_186] : memref<4x128xf32, #tpu.memory_space<vmem>> -> memref<1x128xf32, #tpu.memory_space<vmem>>
    %swap3A_188 = tpu.memref_squeeze %swap3A_187 : memref<1x128xf32, #tpu.memory_space<vmem>> -> memref<128xf32, #tpu.memory_space<vmem>>
    %swap3A_189 = arith.constant 80 : index
    %swap3A_190 = tpu.vector_load %swap3A_188[%swap3A_189] {strides = array<i32>} : memref<128xf32, #tpu.memory_space<vmem>>, vector<16xf32>,
    %swap3A_191 = vector.shape_cast %swap3A_190 : vector<16xf32> to vector<16xf32>
    %swap3A_192 = vector.shape_cast %mul3A_184 : vector<16xf32> to vector<16xf32>
    tpu.vector_store %swap3A_188[%swap3A_189], %swap3A_192 {strides = array<i32>} : memref<128xf32, #tpu.memory_space<vmem>>, vector<16xf32>,
    %mul3A_193 = arith.mulf %get3A_59, %min3A_139 : vector<16xf32>
    %swap3A_194 = arith.constant 0 : i32
    %swap3A_195 = arith.constant 0 : i32
    %swap3A_196 = tpu.memref_slice %arg7[%swap3A_194, %swap3A_195] : memref<4x128xf32, #tpu.memory_space<vmem>> -> memref<1x128xf32, #tpu.memory_space<vmem>>
    %swap3A_197 = tpu.memref_squeeze %swap3A_196 : memref<1x128xf32, #tpu.memory_space<vmem>> -> memref<128xf32, #tpu.memory_space<vmem>>
    %swap3A_198 = arith.constant 96 : index
    %swap3A_199 = tpu.vector_load %swap3A_197[%swap3A_198] {strides = array<i32>} : memref<128xf32, #tpu.memory_space<vmem>>, vector<16xf32>,
    %swap3A_200 = vector.shape_cast %swap3A_199 : vector<16xf32> to vector<16xf32>
    %swap3A_201 = vector.shape_cast %mul3A_193 : vector<16xf32> to vector<16xf32>
    tpu.vector_store %swap3A_197[%swap3A_198], %swap3A_201 {strides = array<i32>} : memref<128xf32, #tpu.memory_space<vmem>>, vector<16xf32>,
    %mul3A_202 = arith.mulf %get3A_66, %min3A_139 : vector<16xf32>
    %swap3A_203 = arith.constant 0 : i32
    %swap3A_204 = arith.constant 0 : i32
    %swap3A_205 = tpu.memref_slice %arg7[%swap3A_203, %swap3A_204] : memref<4x128xf32, #tpu.memory_space<vmem>> -> memref<1x128xf32, #tpu.memory_space<vmem>>
    %swap3A_206 = tpu.memref_squeeze %swap3A_205 : memref<1x128xf32, #tpu.memory_space<vmem>> -> memref<128xf32, #tpu.memory_space<vmem>>
    %swap3A_207 = arith.constant 112 : index
    %swap3A_208 = tpu.vector_load %swap3A_206[%swap3A_207] {strides = array<i32>} : memref<128xf32, #tpu.memory_space<vmem>>, vector<16xf32>,
    %swap3A_209 = vector.shape_cast %swap3A_208 : vector<16xf32> to vector<16xf32>
    %swap3A_210 = vector.shape_cast %mul3A_202 : vector<16xf32> to vector<16xf32>
    tpu.vector_store %swap3A_206[%swap3A_207], %swap3A_210 {strides = array<i32>} : memref<128xf32, #tpu.memory_space<vmem>>, vector<16xf32>,
    %get3A_211 = arith.constant 1 : i32
    %get3A_212 = arith.constant 0 : i32
    %get3A_213 = tpu.memref_slice %arg7[%get3A_211, %get3A_212] : memref<4x128xf32, #tpu.memory_space<vmem>> -> memref<1x128xf32, #tpu.memory_space<vmem>>
    %get3A_214 = tpu.memref_squeeze %get3A_213 : memref<1x128xf32, #tpu.memory_space<vmem>> -> memref<128xf32, #tpu.memory_space<vmem>>
    %get3A_215 = arith.constant 0 : index
    %get3A_216 = tpu.vector_load %get3A_214[%get3A_215] {strides = array<i32>} : memref<128xf32, #tpu.memory_space<vmem>>, vector<16xf32>,
    %get3A_217 = vector.shape_cast %get3A_216 : vector<16xf32> to vector<16xf32>
    %get3A_218 = arith.constant 1 : i32
    %get3A_219 = arith.constant 0 : i32
    %get3A_220 = tpu.memref_slice %arg7[%get3A_218, %get3A_219] : memref<4x128xf32, #tpu.memory_space<vmem>> -> memref<1x128xf32, #tpu.memory_space<vmem>>
    %get3A_221 = tpu.memref_squeeze %get3A_220 : memref<1x128xf32, #tpu.memory_space<vmem>> -> memref<128xf32, #tpu.memory_space<vmem>>
    %get3A_222 = arith.constant 16 : index
    %get3A_223 = tpu.vector_load %get3A_221[%get3A_222] {strides = array<i32>} : memref<128xf32, #tpu.memory_space<vmem>>, vector<16xf32>,
    %get3A_224 = vector.shape_cast %get3A_223 : vector<16xf32> to vector<16xf32>
    %get3A_225 = arith.constant 1 : i32
    %get3A_226 = arith.constant 0 : i32
    %get3A_227 = tpu.memref_slice %arg7[%get3A_225, %get3A_226] : memref<4x128xf32, #tpu.memory_space<vmem>> -> memref<1x128xf32, #tpu.memory_space<vmem>>
    %get3A_228 = tpu.memref_squeeze %get3A_227 : memref<1x128xf32, #tpu.memory_space<vmem>> -> memref<128xf32, #tpu.memory_space<vmem>>
    %get3A_229 = arith.constant 32 : index
    %get3A_230 = tpu.vector_load %get3A_228[%get3A_229] {strides = array<i32>} : memref<128xf32, #tpu.memory_space<vmem>>, vector<16xf32>,
    %get3A_231 = vector.shape_cast %get3A_230 : vector<16xf32> to vector<16xf32>
    %get3A_232 = arith.constant 1 : i32
    %get3A_233 = arith.constant 0 : i32
    %get3A_234 = tpu.memref_slice %arg7[%get3A_232, %get3A_233] : memref<4x128xf32, #tpu.memory_space<vmem>> -> memref<1x128xf32, #tpu.memory_space<vmem>>
    %get3A_235 = tpu.memref_squeeze %get3A_234 : memref<1x128xf32, #tpu.memory_space<vmem>> -> memref<128xf32, #tpu.memory_space<vmem>>
    %get3A_236 = arith.constant 48 : index
    %get3A_237 = tpu.vector_load %get3A_235[%get3A_236] {strides = array<i32>} : memref<128xf32, #tpu.memory_space<vmem>>, vector<16xf32>,
    %get3A_238 = vector.shape_cast %get3A_237 : vector<16xf32> to vector<16xf32>
    %get3A_239 = arith.constant 1 : i32
    %get3A_240 = arith.constant 0 : i32
    %get3A_241 = tpu.memref_slice %arg7[%get3A_239, %get3A_240] : memref<4x128xf32, #tpu.memory_space<vmem>> -> memref<1x128xf32, #tpu.memory_space<vmem>>
    %get3A_242 = tpu.memref_squeeze %get3A_241 : memref<1x128xf32, #tpu.memory_space<vmem>> -> memref<128xf32, #tpu.memory_space<vmem>>
    %get3A_243 = arith.constant 64 : index
    %get3A_244 = tpu.vector_load %get3A_242[%get3A_243] {strides = array<i32>} : memref<128xf32, #tpu.memory_space<vmem>>, vector<16xf32>,
    %get3A_245 = vector.shape_cast %get3A_244 : vector<16xf32> to vector<16xf32>
    %get3A_246 = arith.constant 1 : i32
    %get3A_247 = arith.constant 0 : i32
    %get3A_248 = tpu.memref_slice %arg7[%get3A_246, %get3A_247] : memref<4x128xf32, #tpu.memory_space<vmem>> -> memref<1x128xf32, #tpu.memory_space<vmem>>
    %get3A_249 = tpu.memref_squeeze %get3A_248 : memref<1x128xf32, #tpu.memory_space<vmem>> -> memref<128xf32, #tpu.memory_space<vmem>>
    %get3A_250 = arith.constant 80 : index
    %get3A_251 = tpu.vector_load %get3A_249[%get3A_250] {strides = array<i32>} : memref<128xf32, #tpu.memory_space<vmem>>, vector<16xf32>,
    %get3A_252 = vector.shape_cast %get3A_251 : vector<16xf32> to vector<16xf32>
    %get3A_253 = arith.constant 1 : i32
    %get3A_254 = arith.constant 0 : i32
    %get3A_255 = tpu.memref_slice %arg7[%get3A_253, %get3A_254] : memref<4x128xf32, #tpu.memory_space<vmem>> -> memref<1x128xf32, #tpu.memory_space<vmem>>
    %get3A_256 = tpu.memref_squeeze %get3A_255 : memref<1x128xf32, #tpu.memory_space<vmem>> -> memref<128xf32, #tpu.memory_space<vmem>>
    %get3A_257 = arith.constant 96 : index
    %get3A_258 = tpu.vector_load %get3A_256[%get3A_257] {strides = array<i32>} : memref<128xf32, #tpu.memory_space<vmem>>, vector<16xf32>,
    %get3A_259 = vector.shape_cast %get3A_258 : vector<16xf32> to vector<16xf32>
    %get3A_260 = arith.constant 1 : i32
    %get3A_261 = arith.constant 0 : i32
    %get3A_262 = tpu.memref_slice %arg7[%get3A_260, %get3A_261] : memref<4x128xf32, #tpu.memory_space<vmem>> -> memref<1x128xf32, #tpu.memory_space<vmem>>
    %get3A_263 = tpu.memref_squeeze %get3A_262 : memref<1x128xf32, #tpu.memory_space<vmem>> -> memref<128xf32, #tpu.memory_space<vmem>>
    %get3A_264 = arith.constant 112 : index
    %get3A_265 = tpu.vector_load %get3A_263[%get3A_264] {strides = array<i32>} : memref<128xf32, #tpu.memory_space<vmem>>, vector<16xf32>,
    %get3A_266 = vector.shape_cast %get3A_265 : vector<16xf32> to vector<16xf32>
    %mul3A_267 = arith.mulf %get3A_217, %get3A_217 : vector<16xf32>
    %mul3A_268 = arith.mulf %get3A_224, %get3A_224 : vector<16xf32>
    %add3A_269 = arith.addf %mul3A_267, %mul3A_268 : vector<16xf32>
    %mul3A_270 = arith.mulf %get3A_231, %get3A_231 : vector<16xf32>
    %add3A_271 = arith.addf %add3A_269, %mul3A_270 : vector<16xf32>
    %mul3A_272 = arith.mulf %get3A_238, %get3A_238 : vector<16xf32>
    %add3A_273 = arith.addf %add3A_271, %mul3A_272 : vector<16xf32>
    %mul3A_274 = arith.mulf %get3A_245, %get3A_245 : vector<16xf32>
    %add3A_275 = arith.addf %add3A_273, %mul3A_274 : vector<16xf32>
    %mul3A_276 = arith.mulf %get3A_252, %get3A_252 : vector<16xf32>
    %add3A_277 = arith.addf %add3A_275, %mul3A_276 : vector<16xf32>
    %mul3A_278 = arith.mulf %get3A_259, %get3A_259 : vector<16xf32>
    %add3A_279 = arith.addf %add3A_277, %mul3A_278 : vector<16xf32>
    %mul3A_280 = arith.mulf %get3A_266, %get3A_266 : vector<16xf32>
    %add3A_281 = arith.addf %add3A_279, %mul3A_280 : vector<16xf32>
    %iota3A_282 = tpu.iota {dimensions = array<i32: 0>} : vector<16xi32>
    %xor3A_283 = arith.constant 8 : i32
    %xor3A_284 = vector.broadcast %xor3A_283 : i32 to vector<16xi32>
    %xor3A_285 = arith.xori %iota3A_282, %xor3A_284 : vector<16xi32>
    %reshape3A_286 = vector.shape_cast %xor3A_285 : vector<16xi32> to vector<16x1xi32>
    %gather3A_287 = vector.shape_cast %reshape3A_286 : vector<16x1xi32> to vector<16xi32>
    %gather3A_288 = tpu.dynamic_gather %add3A_281[%gather3A_287] in [0] : vector<16xf32>, vector<16xi32> -> vector<16xf32>
    %add3A_289 = arith.addf %add3A_281, %gather3A_288 : vector<16xf32>
    %xor3A_290 = arith.constant 4 : i32
    %xor3A_291 = vector.broadcast %xor3A_290 : i32 to vector<16xi32>
    %xor3A_292 = arith.xori %iota3A_282, %xor3A_291 : vector<16xi32>
    %reshape3A_293 = vector.shape_cast %xor3A_292 : vector<16xi32> to vector<16x1xi32>
    %gather3A_294 = vector.shape_cast %reshape3A_293 : vector<16x1xi32> to vector<16xi32>
    %gather3A_295 = tpu.dynamic_gather %add3A_289[%gather3A_294] in [0] : vector<16xf32>, vector<16xi32> -> vector<16xf32>
    %add3A_296 = arith.addf %add3A_289, %gather3A_295 : vector<16xf32>
    %xor3A_297 = arith.constant 2 : i32
    %xor3A_298 = vector.broadcast %xor3A_297 : i32 to vector<16xi32>
    %xor3A_299 = arith.xori %iota3A_282, %xor3A_298 : vector<16xi32>
    %reshape3A_300 = vector.shape_cast %xor3A_299 : vector<16xi32> to vector<16x1xi32>
    %gather3A_301 = vector.shape_cast %reshape3A_300 : vector<16x1xi32> to vector<16xi32>
    %gather3A_302 = tpu.dynamic_gather %add3A_296[%gather3A_301] in [0] : vector<16xf32>, vector<16xi32> -> vector<16xf32>
    %add3A_303 = arith.addf %add3A_296, %gather3A_302 : vector<16xf32>
    %xor3A_304 = arith.constant 1 : i32
    %xor3A_305 = vector.broadcast %xor3A_304 : i32 to vector<16xi32>
    %xor3A_306 = arith.xori %iota3A_282, %xor3A_305 : vector<16xi32>
    %reshape3A_307 = vector.shape_cast %xor3A_306 : vector<16xi32> to vector<16x1xi32>
    %gather3A_308 = vector.shape_cast %reshape3A_307 : vector<16x1xi32> to vector<16xi32>
    %gather3A_309 = tpu.dynamic_gather %add3A_303[%gather3A_308] in [0] : vector<16xf32>, vector<16xi32> -> vector<16xf32>
    %add3A_310 = arith.addf %add3A_303, %gather3A_309 : vector<16xf32>
    %bitcast_convert_type3A_311 = tpu.bitcast %add3A_310 : vector<16xf32> -> vector<16xi32>
    %broadcast_in_dim3A_312 = arith.constant 1597463007 : i32
    %broadcast_in_dim3A_313 = vector.broadcast %broadcast_in_dim3A_312 : i32 to vector<16xi32>
    %shift_right_arithmetic3A_314 = arith.constant 1 : i32
    %shift_right_arithmetic3A_315 = vector.broadcast %shift_right_arithmetic3A_314 : i32 to vector<16xi32>
    %shift_right_arithmetic3A_316 = arith.shrsi %bitcast_convert_type3A_311, %shift_right_arithmetic3A_315 : vector<16xi32>
    %sub3A_317 = arith.subi %broadcast_in_dim3A_313, %shift_right_arithmetic3A_316 : vector<16xi32>
    %bitcast_convert_type3A_318 = tpu.bitcast %sub3A_317 : vector<16xi32> -> vector<16xf32>
    %mul3A_319 = arith.constant 5.000000e-01 : f32
    %mul3A_320 = vector.broadcast %mul3A_319 : f32 to vector<16xf32>
    %mul3A_321 = arith.mulf %mul3A_320, %add3A_310 : vector<16xf32>
    %mul3A_322 = arith.mulf %mul3A_321, %bitcast_convert_type3A_318 : vector<16xf32>
    %mul3A_323 = arith.mulf %mul3A_322, %bitcast_convert_type3A_318 : vector<16xf32>
    %sub3A_324 = arith.constant 1.500000e+00 : f32
    %sub3A_325 = vector.broadcast %sub3A_324 : f32 to vector<16xf32>
    %sub3A_326 = arith.subf %sub3A_325, %mul3A_323 : vector<16xf32>
    %mul3A_327 = arith.mulf %bitcast_convert_type3A_318, %sub3A_326 : vector<16xf32>
    %mul3A_328 = arith.constant 5.000000e-01 : f32
    %mul3A_329 = vector.broadcast %mul3A_328 : f32 to vector<16xf32>
    %mul3A_330 = arith.mulf %mul3A_329, %add3A_310 : vector<16xf32>
    %mul3A_331 = arith.mulf %mul3A_330, %mul3A_327 : vector<16xf32>
    %mul3A_332 = arith.mulf %mul3A_331, %mul3A_327 : vector<16xf32>
    %sub3A_333 = arith.constant 1.500000e+00 : f32
    %sub3A_334 = vector.broadcast %sub3A_333 : f32 to vector<16xf32>
    %sub3A_335 = arith.subf %sub3A_334, %mul3A_332 : vector<16xf32>
    %mul3A_336 = arith.mulf %mul3A_327, %sub3A_335 : vector<16xf32>
    %mul3A_337 = arith.constant 5.000000e-01 : f32
    %mul3A_338 = vector.broadcast %mul3A_337 : f32 to vector<16xf32>
    %mul3A_339 = arith.mulf %mul3A_338, %add3A_310 : vector<16xf32>
    %mul3A_340 = arith.mulf %mul3A_339, %mul3A_336 : vector<16xf32>
    %mul3A_341 = arith.mulf %mul3A_340, %mul3A_336 : vector<16xf32>
    %sub3A_342 = arith.constant 1.500000e+00 : f32
    %sub3A_343 = vector.broadcast %sub3A_342 : f32 to vector<16xf32>
    %sub3A_344 = arith.subf %sub3A_343, %mul3A_341 : vector<16xf32>
    %mul3A_345 = arith.mulf %mul3A_336, %sub3A_344 : vector<16xf32>
    %min3A_346 = arith.constant 9.99999995E+11 : f32
    %min3A_347 = vector.broadcast %min3A_346 : f32 to vector<16xf32>
    %min3A_348 = arith.minimumf %mul3A_345, %min3A_347 : vector<16xf32>
    %mul3A_349 = arith.mulf %get3A_217, %min3A_348 : vector<16xf32>
    %swap3A_350 = arith.constant 1 : i32
    %swap3A_351 = arith.constant 0 : i32
    %swap3A_352 = tpu.memref_slice %arg7[%swap3A_350, %swap3A_351] : memref<4x128xf32, #tpu.memory_space<vmem>> -> memref<1x128xf32, #tpu.memory_space<vmem>>
    %swap3A_353 = tpu.memref_squeeze %swap3A_352 : memref<1x128xf32, #tpu.memory_space<vmem>> -> memref<128xf32, #tpu.memory_space<vmem>>
    %swap3A_354 = arith.constant 0 : index
    %swap3A_355 = tpu.vector_load %swap3A_353[%swap3A_354] {strides = array<i32>} : memref<128xf32, #tpu.memory_space<vmem>>, vector<16xf32>,
    %swap3A_356 = vector.shape_cast %swap3A_355 : vector<16xf32> to vector<16xf32>
    %swap3A_357 = vector.shape_cast %mul3A_349 : vector<16xf32> to vector<16xf32>
    tpu.vector_store %swap3A_353[%swap3A_354], %swap3A_357 {strides = array<i32>} : memref<128xf32, #tpu.memory_space<vmem>>, vector<16xf32>,
    %mul3A_358 = arith.mulf %get3A_224, %min3A_348 : vector<16xf32>
    %swap3A_359 = arith.constant 1 : i32
    %swap3A_360 = arith.constant 0 : i32
    %swap3A_361 = tpu.memref_slice %arg7[%swap3A_359, %swap3A_360] : memref<4x128xf32, #tpu.memory_space<vmem>> -> memref<1x128xf32, #tpu.memory_space<vmem>>
    %swap3A_362 = tpu.memref_squeeze %swap3A_361 : memref<1x128xf32, #tpu.memory_space<vmem>> -> memref<128xf32, #tpu.memory_space<vmem>>
    %swap3A_363 = arith.constant 16 : index
    %swap3A_364 = tpu.vector_load %swap3A_362[%swap3A_363] {strides = array<i32>} : memref<128xf32, #tpu.memory_space<vmem>>, vector<16xf32>,
    %swap3A_365 = vector.shape_cast %swap3A_364 : vector<16xf32> to vector<16xf32>
    %swap3A_366 = vector.shape_cast %mul3A_358 : vector<16xf32> to vector<16xf32>
    tpu.vector_store %swap3A_362[%swap3A_363], %swap3A_366 {strides = array<i32>} : memref<128xf32, #tpu.memory_space<vmem>>, vector<16xf32>,
    %mul3A_367 = arith.mulf %get3A_231, %min3A_348 : vector<16xf32>
    %swap3A_368 = arith.constant 1 : i32
    %swap3A_369 = arith.constant 0 : i32
    %swap3A_370 = tpu.memref_slice %arg7[%swap3A_368, %swap3A_369] : memref<4x128xf32, #tpu.memory_space<vmem>> -> memref<1x128xf32, #tpu.memory_space<vmem>>
    %swap3A_371 = tpu.memref_squeeze %swap3A_370 : memref<1x128xf32, #tpu.memory_space<vmem>> -> memref<128xf32, #tpu.memory_space<vmem>>
    %swap3A_372 = arith.constant 32 : index
    %swap3A_373 = tpu.vector_load %swap3A_371[%swap3A_372] {strides = array<i32>} : memref<128xf32, #tpu.memory_space<vmem>>, vector<16xf32>,
    %swap3A_374 = vector.shape_cast %swap3A_373 : vector<16xf32> to vector<16xf32>
    %swap3A_375 = vector.shape_cast %mul3A_367 : vector<16xf32> to vector<16xf32>
    tpu.vector_store %swap3A_371[%swap3A_372], %swap3A_375 {strides = array<i32>} : memref<128xf32, #tpu.memory_space<vmem>>, vector<16xf32>,
    %mul3A_376 = arith.mulf %get3A_238, %min3A_348 : vector<16xf32>
    %swap3A_377 = arith.constant 1 : i32
    %swap3A_378 = arith.constant 0 : i32
    %swap3A_379 = tpu.memref_slice %arg7[%swap3A_377, %swap3A_378] : memref<4x128xf32, #tpu.memory_space<vmem>> -> memref<1x128xf32, #tpu.memory_space<vmem>>
    %swap3A_380 = tpu.memref_squeeze %swap3A_379 : memref<1x128xf32, #tpu.memory_space<vmem>> -> memref<128xf32, #tpu.memory_space<vmem>>
    %swap3A_381 = arith.constant 48 : index
    %swap3A_382 = tpu.vector_load %swap3A_380[%swap3A_381] {strides = array<i32>} : memref<128xf32, #tpu.memory_space<vmem>>, vector<16xf32>,
    %swap3A_383 = vector.shape_cast %swap3A_382 : vector<16xf32> to vector<16xf32>
    %swap3A_384 = vector.shape_cast %mul3A_376 : vector<16xf32> to vector<16xf32>
    tpu.vector_store %swap3A_380[%swap3A_381], %swap3A_384 {strides = array<i32>} : memref<128xf32, #tpu.memory_space<vmem>>, vector<16xf32>,
    %mul3A_385 = arith.mulf %get3A_245, %min3A_348 : vector<16xf32>
    %swap3A_386 = arith.constant 1 : i32
    %swap3A_387 = arith.constant 0 : i32
    %swap3A_388 = tpu.memref_slice %arg7[%swap3A_386, %swap3A_387] : memref<4x128xf32, #tpu.memory_space<vmem>> -> memref<1x128xf32, #tpu.memory_space<vmem>>
    %swap3A_389 = tpu.memref_squeeze %swap3A_388 : memref<1x128xf32, #tpu.memory_space<vmem>> -> memref<128xf32, #tpu.memory_space<vmem>>
    %swap3A_390 = arith.constant 64 : index
    %swap3A_391 = tpu.vector_load %swap3A_389[%swap3A_390] {strides = array<i32>} : memref<128xf32, #tpu.memory_space<vmem>>, vector<16xf32>,
    %swap3A_392 = vector.shape_cast %swap3A_391 : vector<16xf32> to vector<16xf32>
    %swap3A_393 = vector.shape_cast %mul3A_385 : vector<16xf32> to vector<16xf32>
    tpu.vector_store %swap3A_389[%swap3A_390], %swap3A_393 {strides = array<i32>} : memref<128xf32, #tpu.memory_space<vmem>>, vector<16xf32>,
    %mul3A_394 = arith.mulf %get3A_252, %min3A_348 : vector<16xf32>
    %swap3A_395 = arith.constant 1 : i32
    %swap3A_396 = arith.constant 0 : i32
    %swap3A_397 = tpu.memref_slice %arg7[%swap3A_395, %swap3A_396] : memref<4x128xf32, #tpu.memory_space<vmem>> -> memref<1x128xf32, #tpu.memory_space<vmem>>
    %swap3A_398 = tpu.memref_squeeze %swap3A_397 : memref<1x128xf32, #tpu.memory_space<vmem>> -> memref<128xf32, #tpu.memory_space<vmem>>
    %swap3A_399 = arith.constant 80 : index
    %swap3A_400 = tpu.vector_load %swap3A_398[%swap3A_399] {strides = array<i32>} : memref<128xf32, #tpu.memory_space<vmem>>, vector<16xf32>,
    %swap3A_401 = vector.shape_cast %swap3A_400 : vector<16xf32> to vector<16xf32>
    %swap3A_402 = vector.shape_cast %mul3A_394 : vector<16xf32> to vector<16xf32>
    tpu.vector_store %swap3A_398[%swap3A_399], %swap3A_402 {strides = array<i32>} : memref<128xf32, #tpu.memory_space<vmem>>, vector<16xf32>,
    %mul3A_403 = arith.mulf %get3A_259, %min3A_348 : vector<16xf32>
    %swap3A_404 = arith.constant 1 : i32
    %swap3A_405 = arith.constant 0 : i32
    %swap3A_406 = tpu.memref_slice %arg7[%swap3A_404, %swap3A_405] : memref<4x128xf32, #tpu.memory_space<vmem>> -> memref<1x128xf32, #tpu.memory_space<vmem>>
    %swap3A_407 = tpu.memref_squeeze %swap3A_406 : memref<1x128xf32, #tpu.memory_space<vmem>> -> memref<128xf32, #tpu.memory_space<vmem>>
    %swap3A_408 = arith.constant 96 : index
    %swap3A_409 = tpu.vector_load %swap3A_407[%swap3A_408] {strides = array<i32>} : memref<128xf32, #tpu.memory_space<vmem>>, vector<16xf32>,
    %swap3A_410 = vector.shape_cast %swap3A_409 : vector<16xf32> to vector<16xf32>
    %swap3A_411 = vector.shape_cast %mul3A_403 : vector<16xf32> to vector<16xf32>
    tpu.vector_store %swap3A_407[%swap3A_408], %swap3A_411 {strides = array<i32>} : memref<128xf32, #tpu.memory_space<vmem>>, vector<16xf32>,
    %mul3A_412 = arith.mulf %get3A_266, %min3A_348 : vector<16xf32>
    %swap3A_413 = arith.constant 1 : i32
    %swap3A_414 = arith.constant 0 : i32
    %swap3A_415 = tpu.memref_slice %arg7[%swap3A_413, %swap3A_414] : memref<4x128xf32, #tpu.memory_space<vmem>> -> memref<1x128xf32, #tpu.memory_space<vmem>>
    %swap3A_416 = tpu.memref_squeeze %swap3A_415 : memref<1x128xf32, #tpu.memory_space<vmem>> -> memref<128xf32, #tpu.memory_space<vmem>>
    %swap3A_417 = arith.constant 112 : index
    %swap3A_418 = tpu.vector_load %swap3A_416[%swap3A_417] {strides = array<i32>} : memref<128xf32, #tpu.memory_space<vmem>>, vector<16xf32>,
    %swap3A_419 = vector.shape_cast %swap3A_418 : vector<16xf32> to vector<16xf32>
    %swap3A_420 = vector.shape_cast %mul3A_412 : vector<16xf32> to vector<16xf32>
    tpu.vector_store %swap3A_416[%swap3A_417], %swap3A_420 {strides = array<i32>} : memref<128xf32, #tpu.memory_space<vmem>>, vector<16xf32>,
    %get3A_421 = arith.constant 2 : i32
    %get3A_422 = arith.constant 0 : i32
    %get3A_423 = tpu.memref_slice %arg7[%get3A_421, %get3A_422] : memref<4x128xf32, #tpu.memory_space<vmem>> -> memref<1x128xf32, #tpu.memory_space<vmem>>
    %get3A_424 = tpu.memref_squeeze %get3A_423 : memref<1x128xf32, #tpu.memory_space<vmem>> -> memref<128xf32, #tpu.memory_space<vmem>>
    %get3A_425 = arith.constant 0 : index
    %get3A_426 = tpu.vector_load %get3A_424[%get3A_425] {strides = array<i32>} : memref<128xf32, #tpu.memory_space<vmem>>, vector<16xf32>,
    %get3A_427 = vector.shape_cast %get3A_426 : vector<16xf32> to vector<16xf32>
    %get3A_428 = arith.constant 2 : i32
    %get3A_429 = arith.constant 0 : i32
    %get3A_430 = tpu.memref_slice %arg7[%get3A_428, %get3A_429] : memref<4x128xf32, #tpu.memory_space<vmem>> -> memref<1x128xf32, #tpu.memory_space<vmem>>
    %get3A_431 = tpu.memref_squeeze %get3A_430 : memref<1x128xf32, #tpu.memory_space<vmem>> -> memref<128xf32, #tpu.memory_space<vmem>>
    %get3A_432 = arith.constant 16 : index
    %get3A_433 = tpu.vector_load %get3A_431[%get3A_432] {strides = array<i32>} : memref<128xf32, #tpu.memory_space<vmem>>, vector<16xf32>,
    %get3A_434 = vector.shape_cast %get3A_433 : vector<16xf32> to vector<16xf32>
    %get3A_435 = arith.constant 2 : i32
    %get3A_436 = arith.constant 0 : i32
    %get3A_437 = tpu.memref_slice %arg7[%get3A_435, %get3A_436] : memref<4x128xf32, #tpu.memory_space<vmem>> -> memref<1x128xf32, #tpu.memory_space<vmem>>
    %get3A_438 = tpu.memref_squeeze %get3A_437 : memref<1x128xf32, #tpu.memory_space<vmem>> -> memref<128xf32, #tpu.memory_space<vmem>>
    %get3A_439 = arith.constant 32 : index
    %get3A_440 = tpu.vector_load %get3A_438[%get3A_439] {strides = array<i32>} : memref<128xf32, #tpu.memory_space<vmem>>, vector<16xf32>,
    %get3A_441 = vector.shape_cast %get3A_440 : vector<16xf32> to vector<16xf32>
    %get3A_442 = arith.constant 2 : i32
    %get3A_443 = arith.constant 0 : i32
    %get3A_444 = tpu.memref_slice %arg7[%get3A_442, %get3A_443] : memref<4x128xf32, #tpu.memory_space<vmem>> -> memref<1x128xf32, #tpu.memory_space<vmem>>
    %get3A_445 = tpu.memref_squeeze %get3A_444 : memref<1x128xf32, #tpu.memory_space<vmem>> -> memref<128xf32, #tpu.memory_space<vmem>>
    %get3A_446 = arith.constant 48 : index
    %get3A_447 = tpu.vector_load %get3A_445[%get3A_446] {strides = array<i32>} : memref<128xf32, #tpu.memory_space<vmem>>, vector<16xf32>,
    %get3A_448 = vector.shape_cast %get3A_447 : vector<16xf32> to vector<16xf32>
    %get3A_449 = arith.constant 2 : i32
    %get3A_450 = arith.constant 0 : i32
    %get3A_451 = tpu.memref_slice %arg7[%get3A_449, %get3A_450] : memref<4x128xf32, #tpu.memory_space<vmem>> -> memref<1x128xf32, #tpu.memory_space<vmem>>
    %get3A_452 = tpu.memref_squeeze %get3A_451 : memref<1x128xf32, #tpu.memory_space<vmem>> -> memref<128xf32, #tpu.memory_space<vmem>>
    %get3A_453 = arith.constant 64 : index
    %get3A_454 = tpu.vector_load %get3A_452[%get3A_453] {strides = array<i32>} : memref<128xf32, #tpu.memory_space<vmem>>, vector<16xf32>,
    %get3A_455 = vector.shape_cast %get3A_454 : vector<16xf32> to vector<16xf32>
    %get3A_456 = arith.constant 2 : i32
    %get3A_457 = arith.constant 0 : i32
    %get3A_458 = tpu.memref_slice %arg7[%get3A_456, %get3A_457] : memref<4x128xf32, #tpu.memory_space<vmem>> -> memref<1x128xf32, #tpu.memory_space<vmem>>
    %get3A_459 = tpu.memref_squeeze %get3A_458 : memref<1x128xf32, #tpu.memory_space<vmem>> -> memref<128xf32, #tpu.memory_space<vmem>>
    %get3A_460 = arith.constant 80 : index
    %get3A_461 = tpu.vector_load %get3A_459[%get3A_460] {strides = array<i32>} : memref<128xf32, #tpu.memory_space<vmem>>, vector<16xf32>,
    %get3A_462 = vector.shape_cast %get3A_461 : vector<16xf32> to vector<16xf32>
    %get3A_463 = arith.constant 2 : i32
    %get3A_464 = arith.constant 0 : i32
    %get3A_465 = tpu.memref_slice %arg7[%get3A_463, %get3A_464] : memref<4x128xf32, #tpu.memory_space<vmem>> -> memref<1x128xf32, #tpu.memory_space<vmem>>
    %get3A_466 = tpu.memref_squeeze %get3A_465 : memref<1x128xf32, #tpu.memory_space<vmem>> -> memref<128xf32, #tpu.memory_space<vmem>>
    %get3A_467 = arith.constant 96 : index
    %get3A_468 = tpu.vector_load %get3A_466[%get3A_467] {strides = array<i32>} : memref<128xf32, #tpu.memory_space<vmem>>, vector<16xf32>,
    %get3A_469 = vector.shape_cast %get3A_468 : vector<16xf32> to vector<16xf32>
    %get3A_470 = arith.constant 2 : i32
    %get3A_471 = arith.constant 0 : i32
    %get3A_472 = tpu.memref_slice %arg7[%get3A_470, %get3A_471] : memref<4x128xf32, #tpu.memory_space<vmem>> -> memref<1x128xf32, #tpu.memory_space<vmem>>
    %get3A_473 = tpu.memref_squeeze %get3A_472 : memref<1x128xf32, #tpu.memory_space<vmem>> -> memref<128xf32, #tpu.memory_space<vmem>>
    %get3A_474 = arith.constant 112 : index
    %get3A_475 = tpu.vector_load %get3A_473[%get3A_474] {strides = array<i32>} : memref<128xf32, #tpu.memory_space<vmem>>, vector<16xf32>,
    %get3A_476 = vector.shape_cast %get3A_475 : vector<16xf32> to vector<16xf32>
    %mul3A_477 = arith.mulf %get3A_427, %get3A_427 : vector<16xf32>
    %mul3A_478 = arith.mulf %get3A_434, %get3A_434 : vector<16xf32>
    %add3A_479 = arith.addf %mul3A_477, %mul3A_478 : vector<16xf32>
    %mul3A_480 = arith.mulf %get3A_441, %get3A_441 : vector<16xf32>
    %add3A_481 = arith.addf %add3A_479, %mul3A_480 : vector<16xf32>
    %mul3A_482 = arith.mulf %get3A_448, %get3A_448 : vector<16xf32>
    %add3A_483 = arith.addf %add3A_481, %mul3A_482 : vector<16xf32>
    %mul3A_484 = arith.mulf %get3A_455, %get3A_455 : vector<16xf32>
    %add3A_485 = arith.addf %add3A_483, %mul3A_484 : vector<16xf32>
    %mul3A_486 = arith.mulf %get3A_462, %get3A_462 : vector<16xf32>
    %add3A_487 = arith.addf %add3A_485, %mul3A_486 : vector<16xf32>
    %mul3A_488 = arith.mulf %get3A_469, %get3A_469 : vector<16xf32>
    %add3A_489 = arith.addf %add3A_487, %mul3A_488 : vector<16xf32>
    %mul3A_490 = arith.mulf %get3A_476, %get3A_476 : vector<16xf32>
    %add3A_491 = arith.addf %add3A_489, %mul3A_490 : vector<16xf32>
    %iota3A_492 = tpu.iota {dimensions = array<i32: 0>} : vector<16xi32>
    %xor3A_493 = arith.constant 8 : i32
    %xor3A_494 = vector.broadcast %xor3A_493 : i32 to vector<16xi32>
    %xor3A_495 = arith.xori %iota3A_492, %xor3A_494 : vector<16xi32>
    %reshape3A_496 = vector.shape_cast %xor3A_495 : vector<16xi32> to vector<16x1xi32>
    %gather3A_497 = vector.shape_cast %reshape3A_496 : vector<16x1xi32> to vector<16xi32>
    %gather3A_498 = tpu.dynamic_gather %add3A_491[%gather3A_497] in [0] : vector<16xf32>, vector<16xi32> -> vector<16xf32>
    %add3A_499 = arith.addf %add3A_491, %gather3A_498 : vector<16xf32>
    %xor3A_500 = arith.constant 4 : i32
    %xor3A_501 = vector.broadcast %xor3A_500 : i32 to vector<16xi32>
    %xor3A_502 = arith.xori %iota3A_492, %xor3A_501 : vector<16xi32>
    %reshape3A_503 = vector.shape_cast %xor3A_502 : vector<16xi32> to vector<16x1xi32>
    %gather3A_504 = vector.shape_cast %reshape3A_503 : vector<16x1xi32> to vector<16xi32>
    %gather3A_505 = tpu.dynamic_gather %add3A_499[%gather3A_504] in [0] : vector<16xf32>, vector<16xi32> -> vector<16xf32>
    %add3A_506 = arith.addf %add3A_499, %gather3A_505 : vector<16xf32>
    %xor3A_507 = arith.constant 2 : i32
    %xor3A_508 = vector.broadcast %xor3A_507 : i32 to vector<16xi32>
    %xor3A_509 = arith.xori %iota3A_492, %xor3A_508 : vector<16xi32>
    %reshape3A_510 = vector.shape_cast %xor3A_509 : vector<16xi32> to vector<16x1xi32>
    %gather3A_511 = vector.shape_cast %reshape3A_510 : vector<16x1xi32> to vector<16xi32>
    %gather3A_512 = tpu.dynamic_gather %add3A_506[%gather3A_511] in [0] : vector<16xf32>, vector<16xi32> -> vector<16xf32>
    %add3A_513 = arith.addf %add3A_506, %gather3A_512 : vector<16xf32>
    %xor3A_514 = arith.constant 1 : i32
    %xor3A_515 = vector.broadcast %xor3A_514 : i32 to vector<16xi32>
    %xor3A_516 = arith.xori %iota3A_492, %xor3A_515 : vector<16xi32>
    %reshape3A_517 = vector.shape_cast %xor3A_516 : vector<16xi32> to vector<16x1xi32>
    %gather3A_518 = vector.shape_cast %reshape3A_517 : vector<16x1xi32> to vector<16xi32>
    %gather3A_519 = tpu.dynamic_gather %add3A_513[%gather3A_518] in [0] : vector<16xf32>, vector<16xi32> -> vector<16xf32>
    %add3A_520 = arith.addf %add3A_513, %gather3A_519 : vector<16xf32>
    %bitcast_convert_type3A_521 = tpu.bitcast %add3A_520 : vector<16xf32> -> vector<16xi32>
    %broadcast_in_dim3A_522 = arith.constant 1597463007 : i32
    %broadcast_in_dim3A_523 = vector.broadcast %broadcast_in_dim3A_522 : i32 to vector<16xi32>
    %shift_right_arithmetic3A_524 = arith.constant 1 : i32
    %shift_right_arithmetic3A_525 = vector.broadcast %shift_right_arithmetic3A_524 : i32 to vector<16xi32>
    %shift_right_arithmetic3A_526 = arith.shrsi %bitcast_convert_type3A_521, %shift_right_arithmetic3A_525 : vector<16xi32>
    %sub3A_527 = arith.subi %broadcast_in_dim3A_523, %shift_right_arithmetic3A_526 : vector<16xi32>
    %bitcast_convert_type3A_528 = tpu.bitcast %sub3A_527 : vector<16xi32> -> vector<16xf32>
    %mul3A_529 = arith.constant 5.000000e-01 : f32
    %mul3A_530 = vector.broadcast %mul3A_529 : f32 to vector<16xf32>
    %mul3A_531 = arith.mulf %mul3A_530, %add3A_520 : vector<16xf32>
    %mul3A_532 = arith.mulf %mul3A_531, %bitcast_convert_type3A_528 : vector<16xf32>
    %mul3A_533 = arith.mulf %mul3A_532, %bitcast_convert_type3A_528 : vector<16xf32>
    %sub3A_534 = arith.constant 1.500000e+00 : f32
    %sub3A_535 = vector.broadcast %sub3A_534 : f32 to vector<16xf32>
    %sub3A_536 = arith.subf %sub3A_535, %mul3A_533 : vector<16xf32>
    %mul3A_537 = arith.mulf %bitcast_convert_type3A_528, %sub3A_536 : vector<16xf32>
    %mul3A_538 = arith.constant 5.000000e-01 : f32
    %mul3A_539 = vector.broadcast %mul3A_538 : f32 to vector<16xf32>
    %mul3A_540 = arith.mulf %mul3A_539, %add3A_520 : vector<16xf32>
    %mul3A_541 = arith.mulf %mul3A_540, %mul3A_537 : vector<16xf32>
    %mul3A_542 = arith.mulf %mul3A_541, %mul3A_537 : vector<16xf32>
    %sub3A_543 = arith.constant 1.500000e+00 : f32
    %sub3A_544 = vector.broadcast %sub3A_543 : f32 to vector<16xf32>
    %sub3A_545 = arith.subf %sub3A_544, %mul3A_542 : vector<16xf32>
    %mul3A_546 = arith.mulf %mul3A_537, %sub3A_545 : vector<16xf32>
    %mul3A_547 = arith.constant 5.000000e-01 : f32
    %mul3A_548 = vector.broadcast %mul3A_547 : f32 to vector<16xf32>
    %mul3A_549 = arith.mulf %mul3A_548, %add3A_520 : vector<16xf32>
    %mul3A_550 = arith.mulf %mul3A_549, %mul3A_546 : vector<16xf32>
    %mul3A_551 = arith.mulf %mul3A_550, %mul3A_546 : vector<16xf32>
    %sub3A_552 = arith.constant 1.500000e+00 : f32
    %sub3A_553 = vector.broadcast %sub3A_552 : f32 to vector<16xf32>
    %sub3A_554 = arith.subf %sub3A_553, %mul3A_551 : vector<16xf32>
    %mul3A_555 = arith.mulf %mul3A_546, %sub3A_554 : vector<16xf32>
    %min3A_556 = arith.constant 9.99999995E+11 : f32
    %min3A_557 = vector.broadcast %min3A_556 : f32 to vector<16xf32>
    %min3A_558 = arith.minimumf %mul3A_555, %min3A_557 : vector<16xf32>
    %mul3A_559 = arith.mulf %get3A_427, %min3A_558 : vector<16xf32>
    %swap3A_560 = arith.constant 2 : i32
    %swap3A_561 = arith.constant 0 : i32
    %swap3A_562 = tpu.memref_slice %arg7[%swap3A_560, %swap3A_561] : memref<4x128xf32, #tpu.memory_space<vmem>> -> memref<1x128xf32, #tpu.memory_space<vmem>>
    %swap3A_563 = tpu.memref_squeeze %swap3A_562 : memref<1x128xf32, #tpu.memory_space<vmem>> -> memref<128xf32, #tpu.memory_space<vmem>>
    %swap3A_564 = arith.constant 0 : index
    %swap3A_565 = tpu.vector_load %swap3A_563[%swap3A_564] {strides = array<i32>} : memref<128xf32, #tpu.memory_space<vmem>>, vector<16xf32>,
    %swap3A_566 = vector.shape_cast %swap3A_565 : vector<16xf32> to vector<16xf32>
    %swap3A_567 = vector.shape_cast %mul3A_559 : vector<16xf32> to vector<16xf32>
    tpu.vector_store %swap3A_563[%swap3A_564], %swap3A_567 {strides = array<i32>} : memref<128xf32, #tpu.memory_space<vmem>>, vector<16xf32>,
    %mul3A_568 = arith.mulf %get3A_434, %min3A_558 : vector<16xf32>
    %swap3A_569 = arith.constant 2 : i32
    %swap3A_570 = arith.constant 0 : i32
    %swap3A_571 = tpu.memref_slice %arg7[%swap3A_569, %swap3A_570] : memref<4x128xf32, #tpu.memory_space<vmem>> -> memref<1x128xf32, #tpu.memory_space<vmem>>
    %swap3A_572 = tpu.memref_squeeze %swap3A_571 : memref<1x128xf32, #tpu.memory_space<vmem>> -> memref<128xf32, #tpu.memory_space<vmem>>
    %swap3A_573 = arith.constant 16 : index
    %swap3A_574 = tpu.vector_load %swap3A_572[%swap3A_573] {strides = array<i32>} : memref<128xf32, #tpu.memory_space<vmem>>, vector<16xf32>,
    %swap3A_575 = vector.shape_cast %swap3A_574 : vector<16xf32> to vector<16xf32>
    %swap3A_576 = vector.shape_cast %mul3A_568 : vector<16xf32> to vector<16xf32>
    tpu.vector_store %swap3A_572[%swap3A_573], %swap3A_576 {strides = array<i32>} : memref<128xf32, #tpu.memory_space<vmem>>, vector<16xf32>,
    %mul3A_577 = arith.mulf %get3A_441, %min3A_558 : vector<16xf32>
    %swap3A_578 = arith.constant 2 : i32
    %swap3A_579 = arith.constant 0 : i32
    %swap3A_580 = tpu.memref_slice %arg7[%swap3A_578, %swap3A_579] : memref<4x128xf32, #tpu.memory_space<vmem>> -> memref<1x128xf32, #tpu.memory_space<vmem>>
    %swap3A_581 = tpu.memref_squeeze %swap3A_580 : memref<1x128xf32, #tpu.memory_space<vmem>> -> memref<128xf32, #tpu.memory_space<vmem>>
    %swap3A_582 = arith.constant 32 : index
    %swap3A_583 = tpu.vector_load %swap3A_581[%swap3A_582] {strides = array<i32>} : memref<128xf32, #tpu.memory_space<vmem>>, vector<16xf32>,
    %swap3A_584 = vector.shape_cast %swap3A_583 : vector<16xf32> to vector<16xf32>
    %swap3A_585 = vector.shape_cast %mul3A_577 : vector<16xf32> to vector<16xf32>
    tpu.vector_store %swap3A_581[%swap3A_582], %swap3A_585 {strides = array<i32>} : memref<128xf32, #tpu.memory_space<vmem>>, vector<16xf32>,
    %mul3A_586 = arith.mulf %get3A_448, %min3A_558 : vector<16xf32>
    %swap3A_587 = arith.constant 2 : i32
    %swap3A_588 = arith.constant 0 : i32
    %swap3A_589 = tpu.memref_slice %arg7[%swap3A_587, %swap3A_588] : memref<4x128xf32, #tpu.memory_space<vmem>> -> memref<1x128xf32, #tpu.memory_space<vmem>>
    %swap3A_590 = tpu.memref_squeeze %swap3A_589 : memref<1x128xf32, #tpu.memory_space<vmem>> -> memref<128xf32, #tpu.memory_space<vmem>>
    %swap3A_591 = arith.constant 48 : index
    %swap3A_592 = tpu.vector_load %swap3A_590[%swap3A_591] {strides = array<i32>} : memref<128xf32, #tpu.memory_space<vmem>>, vector<16xf32>,
    %swap3A_593 = vector.shape_cast %swap3A_592 : vector<16xf32> to vector<16xf32>
    %swap3A_594 = vector.shape_cast %mul3A_586 : vector<16xf32> to vector<16xf32>
    tpu.vector_store %swap3A_590[%swap3A_591], %swap3A_594 {strides = array<i32>} : memref<128xf32, #tpu.memory_space<vmem>>, vector<16xf32>,
    %mul3A_595 = arith.mulf %get3A_455, %min3A_558 : vector<16xf32>
    %swap3A_596 = arith.constant 2 : i32
    %swap3A_597 = arith.constant 0 : i32
    %swap3A_598 = tpu.memref_slice %arg7[%swap3A_596, %swap3A_597] : memref<4x128xf32, #tpu.memory_space<vmem>> -> memref<1x128xf32, #tpu.memory_space<vmem>>
    %swap3A_599 = tpu.memref_squeeze %swap3A_598 : memref<1x128xf32, #tpu.memory_space<vmem>> -> memref<128xf32, #tpu.memory_space<vmem>>
    %swap3A_600 = arith.constant 64 : index
    %swap3A_601 = tpu.vector_load %swap3A_599[%swap3A_600] {strides = array<i32>} : memref<128xf32, #tpu.memory_space<vmem>>, vector<16xf32>,
    %swap3A_602 = vector.shape_cast %swap3A_601 : vector<16xf32> to vector<16xf32>
    %swap3A_603 = vector.shape_cast %mul3A_595 : vector<16xf32> to vector<16xf32>
    tpu.vector_store %swap3A_599[%swap3A_600], %swap3A_603 {strides = array<i32>} : memref<128xf32, #tpu.memory_space<vmem>>, vector<16xf32>,
    %mul3A_604 = arith.mulf %get3A_462, %min3A_558 : vector<16xf32>
    %swap3A_605 = arith.constant 2 : i32
    %swap3A_606 = arith.constant 0 : i32
    %swap3A_607 = tpu.memref_slice %arg7[%swap3A_605, %swap3A_606] : memref<4x128xf32, #tpu.memory_space<vmem>> -> memref<1x128xf32, #tpu.memory_space<vmem>>
    %swap3A_608 = tpu.memref_squeeze %swap3A_607 : memref<1x128xf32, #tpu.memory_space<vmem>> -> memref<128xf32, #tpu.memory_space<vmem>>
    %swap3A_609 = arith.constant 80 : index
    %swap3A_610 = tpu.vector_load %swap3A_608[%swap3A_609] {strides = array<i32>} : memref<128xf32, #tpu.memory_space<vmem>>, vector<16xf32>,
    %swap3A_611 = vector.shape_cast %swap3A_610 : vector<16xf32> to vector<16xf32>
    %swap3A_612 = vector.shape_cast %mul3A_604 : vector<16xf32> to vector<16xf32>
    tpu.vector_store %swap3A_608[%swap3A_609], %swap3A_612 {strides = array<i32>} : memref<128xf32, #tpu.memory_space<vmem>>, vector<16xf32>,
    %mul3A_613 = arith.mulf %get3A_469, %min3A_558 : vector<16xf32>
    %swap3A_614 = arith.constant 2 : i32
    %swap3A_615 = arith.constant 0 : i32
    %swap3A_616 = tpu.memref_slice %arg7[%swap3A_614, %swap3A_615] : memref<4x128xf32, #tpu.memory_space<vmem>> -> memref<1x128xf32, #tpu.memory_space<vmem>>
    %swap3A_617 = tpu.memref_squeeze %swap3A_616 : memref<1x128xf32, #tpu.memory_space<vmem>> -> memref<128xf32, #tpu.memory_space<vmem>>
    %swap3A_618 = arith.constant 96 : index
    %swap3A_619 = tpu.vector_load %swap3A_617[%swap3A_618] {strides = array<i32>} : memref<128xf32, #tpu.memory_space<vmem>>, vector<16xf32>,
    %swap3A_620 = vector.shape_cast %swap3A_619 : vector<16xf32> to vector<16xf32>
    %swap3A_621 = vector.shape_cast %mul3A_613 : vector<16xf32> to vector<16xf32>
    tpu.vector_store %swap3A_617[%swap3A_618], %swap3A_621 {strides = array<i32>} : memref<128xf32, #tpu.memory_space<vmem>>, vector<16xf32>,
    %mul3A_622 = arith.mulf %get3A_476, %min3A_558 : vector<16xf32>
    %swap3A_623 = arith.constant 2 : i32
    %swap3A_624 = arith.constant 0 : i32
    %swap3A_625 = tpu.memref_slice %arg7[%swap3A_623, %swap3A_624] : memref<4x128xf32, #tpu.memory_space<vmem>> -> memref<1x128xf32, #tpu.memory_space<vmem>>
    %swap3A_626 = tpu.memref_squeeze %swap3A_625 : memref<1x128xf32, #tpu.memory_space<vmem>> -> memref<128xf32, #tpu.memory_space<vmem>>
    %swap3A_627 = arith.constant 112 : index
    %swap3A_628 = tpu.vector_load %swap3A_626[%swap3A_627] {strides = array<i32>} : memref<128xf32, #tpu.memory_space<vmem>>, vector<16xf32>,
    %swap3A_629 = vector.shape_cast %swap3A_628 : vector<16xf32> to vector<16xf32>
    %swap3A_630 = vector.shape_cast %mul3A_622 : vector<16xf32> to vector<16xf32>
    tpu.vector_store %swap3A_626[%swap3A_627], %swap3A_630 {strides = array<i32>} : memref<128xf32, #tpu.memory_space<vmem>>, vector<16xf32>,
    %get3A_631 = arith.constant 3 : i32
    %get3A_632 = arith.constant 0 : i32
    %get3A_633 = tpu.memref_slice %arg7[%get3A_631, %get3A_632] : memref<4x128xf32, #tpu.memory_space<vmem>> -> memref<1x128xf32, #tpu.memory_space<vmem>>
    %get3A_634 = tpu.memref_squeeze %get3A_633 : memref<1x128xf32, #tpu.memory_space<vmem>> -> memref<128xf32, #tpu.memory_space<vmem>>
    %get3A_635 = arith.constant 0 : index
    %get3A_636 = tpu.vector_load %get3A_634[%get3A_635] {strides = array<i32>} : memref<128xf32, #tpu.memory_space<vmem>>, vector<16xf32>,
    %get3A_637 = vector.shape_cast %get3A_636 : vector<16xf32> to vector<16xf32>
    %get3A_638 = arith.constant 3 : i32
    %get3A_639 = arith.constant 0 : i32
    %get3A_640 = tpu.memref_slice %arg7[%get3A_638, %get3A_639] : memref<4x128xf32, #tpu.memory_space<vmem>> -> memref<1x128xf32, #tpu.memory_space<vmem>>
    %get3A_641 = tpu.memref_squeeze %get3A_640 : memref<1x128xf32, #tpu.memory_space<vmem>> -> memref<128xf32, #tpu.memory_space<vmem>>
    %get3A_642 = arith.constant 16 : index
    %get3A_643 = tpu.vector_load %get3A_641[%get3A_642] {strides = array<i32>} : memref<128xf32, #tpu.memory_space<vmem>>, vector<16xf32>,
    %get3A_644 = vector.shape_cast %get3A_643 : vector<16xf32> to vector<16xf32>
    %get3A_645 = arith.constant 3 : i32
    %get3A_646 = arith.constant 0 : i32
    %get3A_647 = tpu.memref_slice %arg7[%get3A_645, %get3A_646] : memref<4x128xf32, #tpu.memory_space<vmem>> -> memref<1x128xf32, #tpu.memory_space<vmem>>
    %get3A_648 = tpu.memref_squeeze %get3A_647 : memref<1x128xf32, #tpu.memory_space<vmem>> -> memref<128xf32, #tpu.memory_space<vmem>>
    %get3A_649 = arith.constant 32 : index
    %get3A_650 = tpu.vector_load %get3A_648[%get3A_649] {strides = array<i32>} : memref<128xf32, #tpu.memory_space<vmem>>, vector<16xf32>,
    %get3A_651 = vector.shape_cast %get3A_650 : vector<16xf32> to vector<16xf32>
    %get3A_652 = arith.constant 3 : i32
    %get3A_653 = arith.constant 0 : i32
    %get3A_654 = tpu.memref_slice %arg7[%get3A_652, %get3A_653] : memref<4x128xf32, #tpu.memory_space<vmem>> -> memref<1x128xf32, #tpu.memory_space<vmem>>
    %get3A_655 = tpu.memref_squeeze %get3A_654 : memref<1x128xf32, #tpu.memory_space<vmem>> -> memref<128xf32, #tpu.memory_space<vmem>>
    %get3A_656 = arith.constant 48 : index
    %get3A_657 = tpu.vector_load %get3A_655[%get3A_656] {strides = array<i32>} : memref<128xf32, #tpu.memory_space<vmem>>, vector<16xf32>,
    %get3A_658 = vector.shape_cast %get3A_657 : vector<16xf32> to vector<16xf32>
    %get3A_659 = arith.constant 3 : i32
    %get3A_660 = arith.constant 0 : i32
    %get3A_661 = tpu.memref_slice %arg7[%get3A_659, %get3A_660] : memref<4x128xf32, #tpu.memory_space<vmem>> -> memref<1x128xf32, #tpu.memory_space<vmem>>
    %get3A_662 = tpu.memref_squeeze %get3A_661 : memref<1x128xf32, #tpu.memory_space<vmem>> -> memref<128xf32, #tpu.memory_space<vmem>>
    %get3A_663 = arith.constant 64 : index
    %get3A_664 = tpu.vector_load %get3A_662[%get3A_663] {strides = array<i32>} : memref<128xf32, #tpu.memory_space<vmem>>, vector<16xf32>,
    %get3A_665 = vector.shape_cast %get3A_664 : vector<16xf32> to vector<16xf32>
    %get3A_666 = arith.constant 3 : i32
    %get3A_667 = arith.constant 0 : i32
    %get3A_668 = tpu.memref_slice %arg7[%get3A_666, %get3A_667] : memref<4x128xf32, #tpu.memory_space<vmem>> -> memref<1x128xf32, #tpu.memory_space<vmem>>
    %get3A_669 = tpu.memref_squeeze %get3A_668 : memref<1x128xf32, #tpu.memory_space<vmem>> -> memref<128xf32, #tpu.memory_space<vmem>>
    %get3A_670 = arith.constant 80 : index
    %get3A_671 = tpu.vector_load %get3A_669[%get3A_670] {strides = array<i32>} : memref<128xf32, #tpu.memory_space<vmem>>, vector<16xf32>,
    %get3A_672 = vector.shape_cast %get3A_671 : vector<16xf32> to vector<16xf32>
    %get3A_673 = arith.constant 3 : i32
    %get3A_674 = arith.constant 0 : i32
    %get3A_675 = tpu.memref_slice %arg7[%get3A_673, %get3A_674] : memref<4x128xf32, #tpu.memory_space<vmem>> -> memref<1x128xf32, #tpu.memory_space<vmem>>
    %get3A_676 = tpu.memref_squeeze %get3A_675 : memref<1x128xf32, #tpu.memory_space<vmem>> -> memref<128xf32, #tpu.memory_space<vmem>>
    %get3A_677 = arith.constant 96 : index
    %get3A_678 = tpu.vector_load %get3A_676[%get3A_677] {strides = array<i32>} : memref<128xf32, #tpu.memory_space<vmem>>, vector<16xf32>,
    %get3A_679 = vector.shape_cast %get3A_678 : vector<16xf32> to vector<16xf32>
    %get3A_680 = arith.constant 3 : i32
    %get3A_681 = arith.constant 0 : i32
    %get3A_682 = tpu.memref_slice %arg7[%get3A_680, %get3A_681] : memref<4x128xf32, #tpu.memory_space<vmem>> -> memref<1x128xf32, #tpu.memory_space<vmem>>
    %get3A_683 = tpu.memref_squeeze %get3A_682 : memref<1x128xf32, #tpu.memory_space<vmem>> -> memref<128xf32, #tpu.memory_space<vmem>>
    %get3A_684 = arith.constant 112 : index
    %get3A_685 = tpu.vector_load %get3A_683[%get3A_684] {strides = array<i32>} : memref<128xf32, #tpu.memory_space<vmem>>, vector<16xf32>,
    %get3A_686 = vector.shape_cast %get3A_685 : vector<16xf32> to vector<16xf32>
    %mul3A_687 = arith.mulf %get3A_637, %get3A_637 : vector<16xf32>
    %mul3A_688 = arith.mulf %get3A_644, %get3A_644 : vector<16xf32>
    %add3A_689 = arith.addf %mul3A_687, %mul3A_688 : vector<16xf32>
    %mul3A_690 = arith.mulf %get3A_651, %get3A_651 : vector<16xf32>
    %add3A_691 = arith.addf %add3A_689, %mul3A_690 : vector<16xf32>
    %mul3A_692 = arith.mulf %get3A_658, %get3A_658 : vector<16xf32>
    %add3A_693 = arith.addf %add3A_691, %mul3A_692 : vector<16xf32>
    %mul3A_694 = arith.mulf %get3A_665, %get3A_665 : vector<16xf32>
    %add3A_695 = arith.addf %add3A_693, %mul3A_694 : vector<16xf32>
    %mul3A_696 = arith.mulf %get3A_672, %get3A_672 : vector<16xf32>
    %add3A_697 = arith.addf %add3A_695, %mul3A_696 : vector<16xf32>
    %mul3A_698 = arith.mulf %get3A_679, %get3A_679 : vector<16xf32>
    %add3A_699 = arith.addf %add3A_697, %mul3A_698 : vector<16xf32>
    %mul3A_700 = arith.mulf %get3A_686, %get3A_686 : vector<16xf32>
    %add3A_701 = arith.addf %add3A_699, %mul3A_700 : vector<16xf32>
    %iota3A_702 = tpu.iota {dimensions = array<i32: 0>} : vector<16xi32>
    %xor3A_703 = arith.constant 8 : i32
    %xor3A_704 = vector.broadcast %xor3A_703 : i32 to vector<16xi32>
    %xor3A_705 = arith.xori %iota3A_702, %xor3A_704 : vector<16xi32>
    %reshape3A_706 = vector.shape_cast %xor3A_705 : vector<16xi32> to vector<16x1xi32>
    %gather3A_707 = vector.shape_cast %reshape3A_706 : vector<16x1xi32> to vector<16xi32>
    %gather3A_708 = tpu.dynamic_gather %add3A_701[%gather3A_707] in [0] : vector<16xf32>, vector<16xi32> -> vector<16xf32>
    %add3A_709 = arith.addf %add3A_701, %gather3A_708 : vector<16xf32>
    %xor3A_710 = arith.constant 4 : i32
    %xor3A_711 = vector.broadcast %xor3A_710 : i32 to vector<16xi32>
    %xor3A_712 = arith.xori %iota3A_702, %xor3A_711 : vector<16xi32>
    %reshape3A_713 = vector.shape_cast %xor3A_712 : vector<16xi32> to vector<16x1xi32>
    %gather3A_714 = vector.shape_cast %reshape3A_713 : vector<16x1xi32> to vector<16xi32>
    %gather3A_715 = tpu.dynamic_gather %add3A_709[%gather3A_714] in [0] : vector<16xf32>, vector<16xi32> -> vector<16xf32>
    %add3A_716 = arith.addf %add3A_709, %gather3A_715 : vector<16xf32>
    %xor3A_717 = arith.constant 2 : i32
    %xor3A_718 = vector.broadcast %xor3A_717 : i32 to vector<16xi32>
    %xor3A_719 = arith.xori %iota3A_702, %xor3A_718 : vector<16xi32>
    %reshape3A_720 = vector.shape_cast %xor3A_719 : vector<16xi32> to vector<16x1xi32>
    %gather3A_721 = vector.shape_cast %reshape3A_720 : vector<16x1xi32> to vector<16xi32>
    %gather3A_722 = tpu.dynamic_gather %add3A_716[%gather3A_721] in [0] : vector<16xf32>, vector<16xi32> -> vector<16xf32>
    %add3A_723 = arith.addf %add3A_716, %gather3A_722 : vector<16xf32>
    %xor3A_724 = arith.constant 1 : i32
    %xor3A_725 = vector.broadcast %xor3A_724 : i32 to vector<16xi32>
    %xor3A_726 = arith.xori %iota3A_702, %xor3A_725 : vector<16xi32>
    %reshape3A_727 = vector.shape_cast %xor3A_726 : vector<16xi32> to vector<16x1xi32>
    %gather3A_728 = vector.shape_cast %reshape3A_727 : vector<16x1xi32> to vector<16xi32>
    %gather3A_729 = tpu.dynamic_gather %add3A_723[%gather3A_728] in [0] : vector<16xf32>, vector<16xi32> -> vector<16xf32>
    %add3A_730 = arith.addf %add3A_723, %gather3A_729 : vector<16xf32>
    %bitcast_convert_type3A_731 = tpu.bitcast %add3A_730 : vector<16xf32> -> vector<16xi32>
    %broadcast_in_dim3A_732 = arith.constant 1597463007 : i32
    %broadcast_in_dim3A_733 = vector.broadcast %broadcast_in_dim3A_732 : i32 to vector<16xi32>
    %shift_right_arithmetic3A_734 = arith.constant 1 : i32
    %shift_right_arithmetic3A_735 = vector.broadcast %shift_right_arithmetic3A_734 : i32 to vector<16xi32>
    %shift_right_arithmetic3A_736 = arith.shrsi %bitcast_convert_type3A_731, %shift_right_arithmetic3A_735 : vector<16xi32>
    %sub3A_737 = arith.subi %broadcast_in_dim3A_733, %shift_right_arithmetic3A_736 : vector<16xi32>
    %bitcast_convert_type3A_738 = tpu.bitcast %sub3A_737 : vector<16xi32> -> vector<16xf32>
    %mul3A_739 = arith.constant 5.000000e-01 : f32
    %mul3A_740 = vector.broadcast %mul3A_739 : f32 to vector<16xf32>
    %mul3A_741 = arith.mulf %mul3A_740, %add3A_730 : vector<16xf32>
    %mul3A_742 = arith.mulf %mul3A_741, %bitcast_convert_type3A_738 : vector<16xf32>
    %mul3A_743 = arith.mulf %mul3A_742, %bitcast_convert_type3A_738 : vector<16xf32>
    %sub3A_744 = arith.constant 1.500000e+00 : f32
    %sub3A_745 = vector.broadcast %sub3A_744 : f32 to vector<16xf32>
    %sub3A_746 = arith.subf %sub3A_745, %mul3A_743 : vector<16xf32>
    %mul3A_747 = arith.mulf %bitcast_convert_type3A_738, %sub3A_746 : vector<16xf32>
    %mul3A_748 = arith.constant 5.000000e-01 : f32
    %mul3A_749 = vector.broadcast %mul3A_748 : f32 to vector<16xf32>
    %mul3A_750 = arith.mulf %mul3A_749, %add3A_730 : vector<16xf32>
    %mul3A_751 = arith.mulf %mul3A_750, %mul3A_747 : vector<16xf32>
    %mul3A_752 = arith.mulf %mul3A_751, %mul3A_747 : vector<16xf32>
    %sub3A_753 = arith.constant 1.500000e+00 : f32
    %sub3A_754 = vector.broadcast %sub3A_753 : f32 to vector<16xf32>
    %sub3A_755 = arith.subf %sub3A_754, %mul3A_752 : vector<16xf32>
    %mul3A_756 = arith.mulf %mul3A_747, %sub3A_755 : vector<16xf32>
    %mul3A_757 = arith.constant 5.000000e-01 : f32
    %mul3A_758 = vector.broadcast %mul3A_757 : f32 to vector<16xf32>
    %mul3A_759 = arith.mulf %mul3A_758, %add3A_730 : vector<16xf32>
    %mul3A_760 = arith.mulf %mul3A_759, %mul3A_756 : vector<16xf32>
    %mul3A_761 = arith.mulf %mul3A_760, %mul3A_756 : vector<16xf32>
    %sub3A_762 = arith.constant 1.500000e+00 : f32
    %sub3A_763 = vector.broadcast %sub3A_762 : f32 to vector<16xf32>
    %sub3A_764 = arith.subf %sub3A_763, %mul3A_761 : vector<16xf32>
    %mul3A_765 = arith.mulf %mul3A_756, %sub3A_764 : vector<16xf32>
    %min3A_766 = arith.constant 9.99999995E+11 : f32
    %min3A_767 = vector.broadcast %min3A_766 : f32 to vector<16xf32>
    %min3A_768 = arith.minimumf %mul3A_765, %min3A_767 : vector<16xf32>
    %mul3A_769 = arith.mulf %get3A_637, %min3A_768 : vector<16xf32>
    %swap3A_770 = arith.constant 3 : i32
    %swap3A_771 = arith.constant 0 : i32
    %swap3A_772 = tpu.memref_slice %arg7[%swap3A_770, %swap3A_771] : memref<4x128xf32, #tpu.memory_space<vmem>> -> memref<1x128xf32, #tpu.memory_space<vmem>>
    %swap3A_773 = tpu.memref_squeeze %swap3A_772 : memref<1x128xf32, #tpu.memory_space<vmem>> -> memref<128xf32, #tpu.memory_space<vmem>>
    %swap3A_774 = arith.constant 0 : index
    %swap3A_775 = tpu.vector_load %swap3A_773[%swap3A_774] {strides = array<i32>} : memref<128xf32, #tpu.memory_space<vmem>>, vector<16xf32>,
    %swap3A_776 = vector.shape_cast %swap3A_775 : vector<16xf32> to vector<16xf32>
    %swap3A_777 = vector.shape_cast %mul3A_769 : vector<16xf32> to vector<16xf32>
    tpu.vector_store %swap3A_773[%swap3A_774], %swap3A_777 {strides = array<i32>} : memref<128xf32, #tpu.memory_space<vmem>>, vector<16xf32>,
    %mul3A_778 = arith.mulf %get3A_644, %min3A_768 : vector<16xf32>
    %swap3A_779 = arith.constant 3 : i32
    %swap3A_780 = arith.constant 0 : i32
    %swap3A_781 = tpu.memref_slice %arg7[%swap3A_779, %swap3A_780] : memref<4x128xf32, #tpu.memory_space<vmem>> -> memref<1x128xf32, #tpu.memory_space<vmem>>
    %swap3A_782 = tpu.memref_squeeze %swap3A_781 : memref<1x128xf32, #tpu.memory_space<vmem>> -> memref<128xf32, #tpu.memory_space<vmem>>
    %swap3A_783 = arith.constant 16 : index
    %swap3A_784 = tpu.vector_load %swap3A_782[%swap3A_783] {strides = array<i32>} : memref<128xf32, #tpu.memory_space<vmem>>, vector<16xf32>,
    %swap3A_785 = vector.shape_cast %swap3A_784 : vector<16xf32> to vector<16xf32>
    %swap3A_786 = vector.shape_cast %mul3A_778 : vector<16xf32> to vector<16xf32>
    tpu.vector_store %swap3A_782[%swap3A_783], %swap3A_786 {strides = array<i32>} : memref<128xf32, #tpu.memory_space<vmem>>, vector<16xf32>,
    %mul3A_787 = arith.mulf %get3A_651, %min3A_768 : vector<16xf32>
    %swap3A_788 = arith.constant 3 : i32
    %swap3A_789 = arith.constant 0 : i32
    %swap3A_790 = tpu.memref_slice %arg7[%swap3A_788, %swap3A_789] : memref<4x128xf32, #tpu.memory_space<vmem>> -> memref<1x128xf32, #tpu.memory_space<vmem>>
    %swap3A_791 = tpu.memref_squeeze %swap3A_790 : memref<1x128xf32, #tpu.memory_space<vmem>> -> memref<128xf32, #tpu.memory_space<vmem>>
    %swap3A_792 = arith.constant 32 : index
    %swap3A_793 = tpu.vector_load %swap3A_791[%swap3A_792] {strides = array<i32>} : memref<128xf32, #tpu.memory_space<vmem>>, vector<16xf32>,
    %swap3A_794 = vector.shape_cast %swap3A_793 : vector<16xf32> to vector<16xf32>
    %swap3A_795 = vector.shape_cast %mul3A_787 : vector<16xf32> to vector<16xf32>
    tpu.vector_store %swap3A_791[%swap3A_792], %swap3A_795 {strides = array<i32>} : memref<128xf32, #tpu.memory_space<vmem>>, vector<16xf32>,
    %mul3A_796 = arith.mulf %get3A_658, %min3A_768 : vector<16xf32>
    %swap3A_797 = arith.constant 3 : i32
    %swap3A_798 = arith.constant 0 : i32
    %swap3A_799 = tpu.memref_slice %arg7[%swap3A_797, %swap3A_798] : memref<4x128xf32, #tpu.memory_space<vmem>> -> memref<1x128xf32, #tpu.memory_space<vmem>>
    %swap3A_800 = tpu.memref_squeeze %swap3A_799 : memref<1x128xf32, #tpu.memory_space<vmem>> -> memref<128xf32, #tpu.memory_space<vmem>>
    %swap3A_801 = arith.constant 48 : index
    %swap3A_802 = tpu.vector_load %swap3A_800[%swap3A_801] {strides = array<i32>} : memref<128xf32, #tpu.memory_space<vmem>>, vector<16xf32>,
    %swap3A_803 = vector.shape_cast %swap3A_802 : vector<16xf32> to vector<16xf32>
    %swap3A_804 = vector.shape_cast %mul3A_796 : vector<16xf32> to vector<16xf32>
    tpu.vector_store %swap3A_800[%swap3A_801], %swap3A_804 {strides = array<i32>} : memref<128xf32, #tpu.memory_space<vmem>>, vector<16xf32>,
    %mul3A_805 = arith.mulf %get3A_665, %min3A_768 : vector<16xf32>
    %swap3A_806 = arith.constant 3 : i32
    %swap3A_807 = arith.constant 0 : i32
    %swap3A_808 = tpu.memref_slice %arg7[%swap3A_806, %swap3A_807] : memref<4x128xf32, #tpu.memory_space<vmem>> -> memref<1x128xf32, #tpu.memory_space<vmem>>
    %swap3A_809 = tpu.memref_squeeze %swap3A_808 : memref<1x128xf32, #tpu.memory_space<vmem>> -> memref<128xf32, #tpu.memory_space<vmem>>
    %swap3A_810 = arith.constant 64 : index
    %swap3A_811 = tpu.vector_load %swap3A_809[%swap3A_810] {strides = array<i32>} : memref<128xf32, #tpu.memory_space<vmem>>, vector<16xf32>,
    %swap3A_812 = vector.shape_cast %swap3A_811 : vector<16xf32> to vector<16xf32>
    %swap3A_813 = vector.shape_cast %mul3A_805 : vector<16xf32> to vector<16xf32>
    tpu.vector_store %swap3A_809[%swap3A_810], %swap3A_813 {strides = array<i32>} : memref<128xf32, #tpu.memory_space<vmem>>, vector<16xf32>,
    %mul3A_814 = arith.mulf %get3A_672, %min3A_768 : vector<16xf32>
    %swap3A_815 = arith.constant 3 : i32
    %swap3A_816 = arith.constant 0 : i32
    %swap3A_817 = tpu.memref_slice %arg7[%swap3A_815, %swap3A_816] : memref<4x128xf32, #tpu.memory_space<vmem>> -> memref<1x128xf32, #tpu.memory_space<vmem>>
    %swap3A_818 = tpu.memref_squeeze %swap3A_817 : memref<1x128xf32, #tpu.memory_space<vmem>> -> memref<128xf32, #tpu.memory_space<vmem>>
    %swap3A_819 = arith.constant 80 : index
    %swap3A_820 = tpu.vector_load %swap3A_818[%swap3A_819] {strides = array<i32>} : memref<128xf32, #tpu.memory_space<vmem>>, vector<16xf32>,
    %swap3A_821 = vector.shape_cast %swap3A_820 : vector<16xf32> to vector<16xf32>
    %swap3A_822 = vector.shape_cast %mul3A_814 : vector<16xf32> to vector<16xf32>
    tpu.vector_store %swap3A_818[%swap3A_819], %swap3A_822 {strides = array<i32>} : memref<128xf32, #tpu.memory_space<vmem>>, vector<16xf32>,
    %mul3A_823 = arith.mulf %get3A_679, %min3A_768 : vector<16xf32>
    %swap3A_824 = arith.constant 3 : i32
    %swap3A_825 = arith.constant 0 : i32
    %swap3A_826 = tpu.memref_slice %arg7[%swap3A_824, %swap3A_825] : memref<4x128xf32, #tpu.memory_space<vmem>> -> memref<1x128xf32, #tpu.memory_space<vmem>>
    %swap3A_827 = tpu.memref_squeeze %swap3A_826 : memref<1x128xf32, #tpu.memory_space<vmem>> -> memref<128xf32, #tpu.memory_space<vmem>>
    %swap3A_828 = arith.constant 96 : index
    %swap3A_829 = tpu.vector_load %swap3A_827[%swap3A_828] {strides = array<i32>} : memref<128xf32, #tpu.memory_space<vmem>>, vector<16xf32>,
    %swap3A_830 = vector.shape_cast %swap3A_829 : vector<16xf32> to vector<16xf32>
    %swap3A_831 = vector.shape_cast %mul3A_823 : vector<16xf32> to vector<16xf32>
    tpu.vector_store %swap3A_827[%swap3A_828], %swap3A_831 {strides = array<i32>} : memref<128xf32, #tpu.memory_space<vmem>>, vector<16xf32>,
    %mul3A_832 = arith.mulf %get3A_686, %min3A_768 : vector<16xf32>
    %swap3A_833 = arith.constant 3 : i32
    %swap3A_834 = arith.constant 0 : i32
    %swap3A_835 = tpu.memref_slice %arg7[%swap3A_833, %swap3A_834] : memref<4x128xf32, #tpu.memory_space<vmem>> -> memref<1x128xf32, #tpu.memory_space<vmem>>
    %swap3A_836 = tpu.memref_squeeze %swap3A_835 : memref<1x128xf32, #tpu.memory_space<vmem>> -> memref<128xf32, #tpu.memory_space<vmem>>
    %swap3A_837 = arith.constant 112 : index
    %swap3A_838 = tpu.vector_load %swap3A_836[%swap3A_837] {strides = array<i32>} : memref<128xf32, #tpu.memory_space<vmem>>, vector<16xf32>,
    %swap3A_839 = vector.shape_cast %swap3A_838 : vector<16xf32> to vector<16xf32>
    %swap3A_840 = vector.shape_cast %mul3A_832 : vector<16xf32> to vector<16xf32>
    tpu.vector_store %swap3A_836[%swap3A_837], %swap3A_840 {strides = array<i32>} : memref<128xf32, #tpu.memory_space<vmem>>, vector<16xf32>,
    %mul3A_841 = arith.constant 4 : i32
    %mul3A_842 = arith.muli %arg1, %mul3A_841 : i32
    "tpu.region"() ({
      %run_scoped3A = tpu.sem_alloc : memref<!tpu.dma_semaphore, #tpu.memory_space<semaphore_mem>>
      %dma_start3A_1618 = arith.constant 0 : i32
      %dma_start3A_1619 = tpu.memref_slice %arg8[%mul3A_842, %dma_start3A_1618] : memref<64x128xf32, #tpu.memory_space<vmem_shared>> -> memref<4x128xf32, #tpu.memory_space<vmem_shared>>
      %dma_start3A_1620 = arith.constant 0 : i32
      %dma_start3A_1621 = tpu.memref_slice %arg8[%mul3A_842, %dma_start3A_1620] : memref<64x128xf32, #tpu.memory_space<vmem_shared>> -> memref<4x128xf32, #tpu.memory_space<vmem_shared>>
      tpu.enqueue_dma source(%arg7 : memref<4x128xf32, #tpu.memory_space<vmem>>) target(%dma_start3A_1621 : memref<4x128xf32, #tpu.memory_space<vmem_shared>>) target_semaphore(%run_scoped3A : memref<!tpu.dma_semaphore, #tpu.memory_space<semaphore_mem>>)
      %dma_wait3A_1622 = arith.constant 0 : i32
      %dma_wait3A_1623 = tpu.memref_slice %arg8[%mul3A_842, %dma_wait3A_1622] : memref<64x128xf32, #tpu.memory_space<vmem_shared>> -> memref<4x128xf32, #tpu.memory_space<vmem_shared>>
      %dma_wait3A_1624 = arith.constant 0 : i32
      %dma_wait3A_1625 = tpu.memref_slice %arg8[%mul3A_842, %dma_wait3A_1624] : memref<64x128xf32, #tpu.memory_space<vmem_shared>> -> memref<4x128xf32, #tpu.memory_space<vmem_shared>>
      tpu.wait_dma2 semaphore(%run_scoped3A : memref<!tpu.dma_semaphore, #tpu.memory_space<semaphore_mem>>) src(%arg7 : memref<4x128xf32, #tpu.memory_space<vmem>>) dst(%dma_wait3A_1625 : memref<4x128xf32, #tpu.memory_space<vmem_shared>>)
      tpu.yield
    }) : () -> ()
    %barrier3A = arith.constant 0 : index
    tpu.barrier barrier_id(%barrier3A)
    %dma_wait3A = arith.constant 0 : i32
    %dma_wait3A_843 = arith.constant 0 : i32
    %dma_wait3A_844 = tpu.memref_slice %arg3[%add3A, %dma_wait3A, %dma_wait3A_843] : memref<32x16x32xi32, #tpu.memory_space<hbm>> -> memref<1x16x32xi32, #tpu.memory_space<hbm>>
    %dma_wait3A_845 = tpu.memref_squeeze %dma_wait3A_844 : memref<1x16x32xi32, #tpu.memory_space<hbm>> -> memref<16x32xi32, #tpu.memory_space<hbm>>
    %dma_wait3A_846 = arith.constant 0 : i32
    %dma_wait3A_847 = arith.constant 0 : i32
    %dma_wait3A_848 = tpu.memref_slice %arg3[%add3A, %dma_wait3A_846, %dma_wait3A_847] : memref<32x16x32xi32, #tpu.memory_space<hbm>> -> memref<1x16x32xi32, #tpu.memory_space<hbm>>
    %dma_wait3A_849 = tpu.memref_squeeze %dma_wait3A_848 : memref<1x16x32xi32, #tpu.memory_space<hbm>> -> memref<16x32xi32, #tpu.memory_space<hbm>>
    tpu.wait_dma2 semaphore(%arg11 : memref<!tpu.dma_semaphore, #tpu.memory_space<semaphore_mem>>) src(%dma_wait3A_849 : memref<16x32xi32, #tpu.memory_space<hbm>>) dst(%arg5 : memref<16x32xi32, #tpu.memory_space<vmem>>)
    %dma_start3A_850 = arith.constant 0 : i32
    %dma_start3A_851 = arith.constant 0 : i32
    %dma_start3A_852 = arith.constant 0 : i32
    %dma_start3A_853 = arith.constant 0 : i32
    %dma_start3A_854 = tpu.memref_slice %arg6[%dma_start3A_852, %dma_start3A_853] : memref<512x128xf32, #tpu.memory_space<vmem>> -> memref<32x128xf32, #tpu.memory_space<vmem>>
    %dma_start3A_855 = arith.constant 0 : i32
    %dma_start3A_856 = tpu.memref_slice %arg5[%dma_start3A_850, %dma_start3A_855] : memref<16x32xi32, #tpu.memory_space<vmem>> -> memref<1x32xi32, #tpu.memory_space<vmem>>
    %dma_start3A_857 = tpu.memref_squeeze %dma_start3A_856 : memref<1x32xi32, #tpu.memory_space<vmem>> -> memref<32xi32, #tpu.memory_space<vmem>>
    %dma_start3A_858 = arith.constant 0 : i32
    %dma_start3A_859 = arith.constant 0 : i32
    %dma_start3A_860 = tpu.memref_slice %arg8[%dma_start3A_858, %dma_start3A_859] : memref<64x128xf32, #tpu.memory_space<vmem_shared>> -> memref<64x128xf32, #tpu.memory_space<vmem_shared>>
    %dma_start3A_861 = tpu.memref_slice %arg9[%dma_start3A_851] : memref<16x!tpu.dma_semaphore, #tpu.memory_space<semaphore_mem>> -> memref<1x!tpu.dma_semaphore, #tpu.memory_space<semaphore_mem>>
    %dma_start3A_862 = tpu.memref_squeeze %dma_start3A_861 : memref<1x!tpu.dma_semaphore, #tpu.memory_space<semaphore_mem>> -> memref<!tpu.dma_semaphore, #tpu.memory_space<semaphore_mem>>
    tpu.enqueue_indirect_dma source(%dma_start3A_860 : memref<64x128xf32, #tpu.memory_space<vmem_shared>>) target(%dma_start3A_854 : memref<32x128xf32, #tpu.memory_space<vmem>>) offsets(%dma_start3A_857 : memref<32xi32, #tpu.memory_space<vmem>>) semaphore(%dma_start3A_862 : memref<!tpu.dma_semaphore, #tpu.memory_space<semaphore_mem>>)
    %dma_start3A_863 = arith.constant 1 : i32
    %dma_start3A_864 = arith.constant 1 : i32
    %dma_start3A_865 = arith.constant 32 : i32
    %dma_start3A_866 = arith.constant 0 : i32
    %dma_start3A_867 = tpu.memref_slice %arg6[%dma_start3A_865, %dma_start3A_866] : memref<512x128xf32, #tpu.memory_space<vmem>> -> memref<32x128xf32, #tpu.memory_space<vmem>>
    %dma_start3A_868 = arith.constant 0 : i32
    %dma_start3A_869 = tpu.memref_slice %arg5[%dma_start3A_863, %dma_start3A_868] : memref<16x32xi32, #tpu.memory_space<vmem>> -> memref<1x32xi32, #tpu.memory_space<vmem>>
    %dma_start3A_870 = tpu.memref_squeeze %dma_start3A_869 : memref<1x32xi32, #tpu.memory_space<vmem>> -> memref<32xi32, #tpu.memory_space<vmem>>
    %dma_start3A_871 = arith.constant 0 : i32
    %dma_start3A_872 = arith.constant 0 : i32
    %dma_start3A_873 = tpu.memref_slice %arg8[%dma_start3A_871, %dma_start3A_872] : memref<64x128xf32, #tpu.memory_space<vmem_shared>> -> memref<64x128xf32, #tpu.memory_space<vmem_shared>>
    %dma_start3A_874 = tpu.memref_slice %arg9[%dma_start3A_864] : memref<16x!tpu.dma_semaphore, #tpu.memory_space<semaphore_mem>> -> memref<1x!tpu.dma_semaphore, #tpu.memory_space<semaphore_mem>>
    %dma_start3A_875 = tpu.memref_squeeze %dma_start3A_874 : memref<1x!tpu.dma_semaphore, #tpu.memory_space<semaphore_mem>> -> memref<!tpu.dma_semaphore, #tpu.memory_space<semaphore_mem>>
    tpu.enqueue_indirect_dma source(%dma_start3A_873 : memref<64x128xf32, #tpu.memory_space<vmem_shared>>) target(%dma_start3A_867 : memref<32x128xf32, #tpu.memory_space<vmem>>) offsets(%dma_start3A_870 : memref<32xi32, #tpu.memory_space<vmem>>) semaphore(%dma_start3A_875 : memref<!tpu.dma_semaphore, #tpu.memory_space<semaphore_mem>>)
    %dma_start3A_876 = arith.constant 2 : i32
    %dma_start3A_877 = arith.constant 2 : i32
    %dma_start3A_878 = arith.constant 64 : i32
    %dma_start3A_879 = arith.constant 0 : i32
    %dma_start3A_880 = tpu.memref_slice %arg6[%dma_start3A_878, %dma_start3A_879] : memref<512x128xf32, #tpu.memory_space<vmem>> -> memref<32x128xf32, #tpu.memory_space<vmem>>
    %dma_start3A_881 = arith.constant 0 : i32
    %dma_start3A_882 = tpu.memref_slice %arg5[%dma_start3A_876, %dma_start3A_881] : memref<16x32xi32, #tpu.memory_space<vmem>> -> memref<1x32xi32, #tpu.memory_space<vmem>>
    %dma_start3A_883 = tpu.memref_squeeze %dma_start3A_882 : memref<1x32xi32, #tpu.memory_space<vmem>> -> memref<32xi32, #tpu.memory_space<vmem>>
    %dma_start3A_884 = arith.constant 0 : i32
    %dma_start3A_885 = arith.constant 0 : i32
    %dma_start3A_886 = tpu.memref_slice %arg8[%dma_start3A_884, %dma_start3A_885] : memref<64x128xf32, #tpu.memory_space<vmem_shared>> -> memref<64x128xf32, #tpu.memory_space<vmem_shared>>
    %dma_start3A_887 = tpu.memref_slice %arg9[%dma_start3A_877] : memref<16x!tpu.dma_semaphore, #tpu.memory_space<semaphore_mem>> -> memref<1x!tpu.dma_semaphore, #tpu.memory_space<semaphore_mem>>
    %dma_start3A_888 = tpu.memref_squeeze %dma_start3A_887 : memref<1x!tpu.dma_semaphore, #tpu.memory_space<semaphore_mem>> -> memref<!tpu.dma_semaphore, #tpu.memory_space<semaphore_mem>>
    tpu.enqueue_indirect_dma source(%dma_start3A_886 : memref<64x128xf32, #tpu.memory_space<vmem_shared>>) target(%dma_start3A_880 : memref<32x128xf32, #tpu.memory_space<vmem>>) offsets(%dma_start3A_883 : memref<32xi32, #tpu.memory_space<vmem>>) semaphore(%dma_start3A_888 : memref<!tpu.dma_semaphore, #tpu.memory_space<semaphore_mem>>)
    %dma_start3A_889 = arith.constant 3 : i32
    %dma_start3A_890 = arith.constant 3 : i32
    %dma_start3A_891 = arith.constant 96 : i32
    %dma_start3A_892 = arith.constant 0 : i32
    %dma_start3A_893 = tpu.memref_slice %arg6[%dma_start3A_891, %dma_start3A_892] : memref<512x128xf32, #tpu.memory_space<vmem>> -> memref<32x128xf32, #tpu.memory_space<vmem>>
    %dma_start3A_894 = arith.constant 0 : i32
    %dma_start3A_895 = tpu.memref_slice %arg5[%dma_start3A_889, %dma_start3A_894] : memref<16x32xi32, #tpu.memory_space<vmem>> -> memref<1x32xi32, #tpu.memory_space<vmem>>
    %dma_start3A_896 = tpu.memref_squeeze %dma_start3A_895 : memref<1x32xi32, #tpu.memory_space<vmem>> -> memref<32xi32, #tpu.memory_space<vmem>>
    %dma_start3A_897 = arith.constant 0 : i32
    %dma_start3A_898 = arith.constant 0 : i32
    %dma_start3A_899 = tpu.memref_slice %arg8[%dma_start3A_897, %dma_start3A_898] : memref<64x128xf32, #tpu.memory_space<vmem_shared>> -> memref<64x128xf32, #tpu.memory_space<vmem_shared>>
    %dma_start3A_900 = tpu.memref_slice %arg9[%dma_start3A_890] : memref<16x!tpu.dma_semaphore, #tpu.memory_space<semaphore_mem>> -> memref<1x!tpu.dma_semaphore, #tpu.memory_space<semaphore_mem>>
    %dma_start3A_901 = tpu.memref_squeeze %dma_start3A_900 : memref<1x!tpu.dma_semaphore, #tpu.memory_space<semaphore_mem>> -> memref<!tpu.dma_semaphore, #tpu.memory_space<semaphore_mem>>
    tpu.enqueue_indirect_dma source(%dma_start3A_899 : memref<64x128xf32, #tpu.memory_space<vmem_shared>>) target(%dma_start3A_893 : memref<32x128xf32, #tpu.memory_space<vmem>>) offsets(%dma_start3A_896 : memref<32xi32, #tpu.memory_space<vmem>>) semaphore(%dma_start3A_901 : memref<!tpu.dma_semaphore, #tpu.memory_space<semaphore_mem>>)
    %dma_start3A_902 = arith.constant 4 : i32
    %dma_start3A_903 = arith.constant 4 : i32
    %dma_start3A_904 = arith.constant 128 : i32
    %dma_start3A_905 = arith.constant 0 : i32
    %dma_start3A_906 = tpu.memref_slice %arg6[%dma_start3A_904, %dma_start3A_905] : memref<512x128xf32, #tpu.memory_space<vmem>> -> memref<32x128xf32, #tpu.memory_space<vmem>>
    %dma_start3A_907 = arith.constant 0 : i32
    %dma_start3A_908 = tpu.memref_slice %arg5[%dma_start3A_902, %dma_start3A_907] : memref<16x32xi32, #tpu.memory_space<vmem>> -> memref<1x32xi32, #tpu.memory_space<vmem>>
    %dma_start3A_909 = tpu.memref_squeeze %dma_start3A_908 : memref<1x32xi32, #tpu.memory_space<vmem>> -> memref<32xi32, #tpu.memory_space<vmem>>
    %dma_start3A_910 = arith.constant 0 : i32
    %dma_start3A_911 = arith.constant 0 : i32
    %dma_start3A_912 = tpu.memref_slice %arg8[%dma_start3A_910, %dma_start3A_911] : memref<64x128xf32, #tpu.memory_space<vmem_shared>> -> memref<64x128xf32, #tpu.memory_space<vmem_shared>>
    %dma_start3A_913 = tpu.memref_slice %arg9[%dma_start3A_903] : memref<16x!tpu.dma_semaphore, #tpu.memory_space<semaphore_mem>> -> memref<1x!tpu.dma_semaphore, #tpu.memory_space<semaphore_mem>>
    %dma_start3A_914 = tpu.memref_squeeze %dma_start3A_913 : memref<1x!tpu.dma_semaphore, #tpu.memory_space<semaphore_mem>> -> memref<!tpu.dma_semaphore, #tpu.memory_space<semaphore_mem>>
    tpu.enqueue_indirect_dma source(%dma_start3A_912 : memref<64x128xf32, #tpu.memory_space<vmem_shared>>) target(%dma_start3A_906 : memref<32x128xf32, #tpu.memory_space<vmem>>) offsets(%dma_start3A_909 : memref<32xi32, #tpu.memory_space<vmem>>) semaphore(%dma_start3A_914 : memref<!tpu.dma_semaphore, #tpu.memory_space<semaphore_mem>>)
    %dma_start3A_915 = arith.constant 5 : i32
    %dma_start3A_916 = arith.constant 5 : i32
    %dma_start3A_917 = arith.constant 160 : i32
    %dma_start3A_918 = arith.constant 0 : i32
    %dma_start3A_919 = tpu.memref_slice %arg6[%dma_start3A_917, %dma_start3A_918] : memref<512x128xf32, #tpu.memory_space<vmem>> -> memref<32x128xf32, #tpu.memory_space<vmem>>
    %dma_start3A_920 = arith.constant 0 : i32
    %dma_start3A_921 = tpu.memref_slice %arg5[%dma_start3A_915, %dma_start3A_920] : memref<16x32xi32, #tpu.memory_space<vmem>> -> memref<1x32xi32, #tpu.memory_space<vmem>>
    %dma_start3A_922 = tpu.memref_squeeze %dma_start3A_921 : memref<1x32xi32, #tpu.memory_space<vmem>> -> memref<32xi32, #tpu.memory_space<vmem>>
    %dma_start3A_923 = arith.constant 0 : i32
    %dma_start3A_924 = arith.constant 0 : i32
    %dma_start3A_925 = tpu.memref_slice %arg8[%dma_start3A_923, %dma_start3A_924] : memref<64x128xf32, #tpu.memory_space<vmem_shared>> -> memref<64x128xf32, #tpu.memory_space<vmem_shared>>
    %dma_start3A_926 = tpu.memref_slice %arg9[%dma_start3A_916] : memref<16x!tpu.dma_semaphore, #tpu.memory_space<semaphore_mem>> -> memref<1x!tpu.dma_semaphore, #tpu.memory_space<semaphore_mem>>
    %dma_start3A_927 = tpu.memref_squeeze %dma_start3A_926 : memref<1x!tpu.dma_semaphore, #tpu.memory_space<semaphore_mem>> -> memref<!tpu.dma_semaphore, #tpu.memory_space<semaphore_mem>>
    tpu.enqueue_indirect_dma source(%dma_start3A_925 : memref<64x128xf32, #tpu.memory_space<vmem_shared>>) target(%dma_start3A_919 : memref<32x128xf32, #tpu.memory_space<vmem>>) offsets(%dma_start3A_922 : memref<32xi32, #tpu.memory_space<vmem>>) semaphore(%dma_start3A_927 : memref<!tpu.dma_semaphore, #tpu.memory_space<semaphore_mem>>)
    %dma_start3A_928 = arith.constant 6 : i32
    %dma_start3A_929 = arith.constant 6 : i32
    %dma_start3A_930 = arith.constant 192 : i32
    %dma_start3A_931 = arith.constant 0 : i32
    %dma_start3A_932 = tpu.memref_slice %arg6[%dma_start3A_930, %dma_start3A_931] : memref<512x128xf32, #tpu.memory_space<vmem>> -> memref<32x128xf32, #tpu.memory_space<vmem>>
    %dma_start3A_933 = arith.constant 0 : i32
    %dma_start3A_934 = tpu.memref_slice %arg5[%dma_start3A_928, %dma_start3A_933] : memref<16x32xi32, #tpu.memory_space<vmem>> -> memref<1x32xi32, #tpu.memory_space<vmem>>
    %dma_start3A_935 = tpu.memref_squeeze %dma_start3A_934 : memref<1x32xi32, #tpu.memory_space<vmem>> -> memref<32xi32, #tpu.memory_space<vmem>>
    %dma_start3A_936 = arith.constant 0 : i32
    %dma_start3A_937 = arith.constant 0 : i32
    %dma_start3A_938 = tpu.memref_slice %arg8[%dma_start3A_936, %dma_start3A_937] : memref<64x128xf32, #tpu.memory_space<vmem_shared>> -> memref<64x128xf32, #tpu.memory_space<vmem_shared>>
    %dma_start3A_939 = tpu.memref_slice %arg9[%dma_start3A_929] : memref<16x!tpu.dma_semaphore, #tpu.memory_space<semaphore_mem>> -> memref<1x!tpu.dma_semaphore, #tpu.memory_space<semaphore_mem>>
    %dma_start3A_940 = tpu.memref_squeeze %dma_start3A_939 : memref<1x!tpu.dma_semaphore, #tpu.memory_space<semaphore_mem>> -> memref<!tpu.dma_semaphore, #tpu.memory_space<semaphore_mem>>
    tpu.enqueue_indirect_dma source(%dma_start3A_938 : memref<64x128xf32, #tpu.memory_space<vmem_shared>>) target(%dma_start3A_932 : memref<32x128xf32, #tpu.memory_space<vmem>>) offsets(%dma_start3A_935 : memref<32xi32, #tpu.memory_space<vmem>>) semaphore(%dma_start3A_940 : memref<!tpu.dma_semaphore, #tpu.memory_space<semaphore_mem>>)
    %dma_start3A_941 = arith.constant 7 : i32
    %dma_start3A_942 = arith.constant 7 : i32
    %dma_start3A_943 = arith.constant 224 : i32
    %dma_start3A_944 = arith.constant 0 : i32
    %dma_start3A_945 = tpu.memref_slice %arg6[%dma_start3A_943, %dma_start3A_944] : memref<512x128xf32, #tpu.memory_space<vmem>> -> memref<32x128xf32, #tpu.memory_space<vmem>>
    %dma_start3A_946 = arith.constant 0 : i32
    %dma_start3A_947 = tpu.memref_slice %arg5[%dma_start3A_941, %dma_start3A_946] : memref<16x32xi32, #tpu.memory_space<vmem>> -> memref<1x32xi32, #tpu.memory_space<vmem>>
    %dma_start3A_948 = tpu.memref_squeeze %dma_start3A_947 : memref<1x32xi32, #tpu.memory_space<vmem>> -> memref<32xi32, #tpu.memory_space<vmem>>
    %dma_start3A_949 = arith.constant 0 : i32
    %dma_start3A_950 = arith.constant 0 : i32
    %dma_start3A_951 = tpu.memref_slice %arg8[%dma_start3A_949, %dma_start3A_950] : memref<64x128xf32, #tpu.memory_space<vmem_shared>> -> memref<64x128xf32, #tpu.memory_space<vmem_shared>>
    %dma_start3A_952 = tpu.memref_slice %arg9[%dma_start3A_942] : memref<16x!tpu.dma_semaphore, #tpu.memory_space<semaphore_mem>> -> memref<1x!tpu.dma_semaphore, #tpu.memory_space<semaphore_mem>>
    %dma_start3A_953 = tpu.memref_squeeze %dma_start3A_952 : memref<1x!tpu.dma_semaphore, #tpu.memory_space<semaphore_mem>> -> memref<!tpu.dma_semaphore, #tpu.memory_space<semaphore_mem>>
    tpu.enqueue_indirect_dma source(%dma_start3A_951 : memref<64x128xf32, #tpu.memory_space<vmem_shared>>) target(%dma_start3A_945 : memref<32x128xf32, #tpu.memory_space<vmem>>) offsets(%dma_start3A_948 : memref<32xi32, #tpu.memory_space<vmem>>) semaphore(%dma_start3A_953 : memref<!tpu.dma_semaphore, #tpu.memory_space<semaphore_mem>>)
    %dma_start3A_954 = arith.constant 8 : i32
    %dma_start3A_955 = arith.constant 8 : i32
    %dma_start3A_956 = arith.constant 256 : i32
    %dma_start3A_957 = arith.constant 0 : i32
    %dma_start3A_958 = tpu.memref_slice %arg6[%dma_start3A_956, %dma_start3A_957] : memref<512x128xf32, #tpu.memory_space<vmem>> -> memref<32x128xf32, #tpu.memory_space<vmem>>
    %dma_start3A_959 = arith.constant 0 : i32
    %dma_start3A_960 = tpu.memref_slice %arg5[%dma_start3A_954, %dma_start3A_959] : memref<16x32xi32, #tpu.memory_space<vmem>> -> memref<1x32xi32, #tpu.memory_space<vmem>>
    %dma_start3A_961 = tpu.memref_squeeze %dma_start3A_960 : memref<1x32xi32, #tpu.memory_space<vmem>> -> memref<32xi32, #tpu.memory_space<vmem>>
    %dma_start3A_962 = arith.constant 0 : i32
    %dma_start3A_963 = arith.constant 0 : i32
    %dma_start3A_964 = tpu.memref_slice %arg8[%dma_start3A_962, %dma_start3A_963] : memref<64x128xf32, #tpu.memory_space<vmem_shared>> -> memref<64x128xf32, #tpu.memory_space<vmem_shared>>
    %dma_start3A_965 = tpu.memref_slice %arg9[%dma_start3A_955] : memref<16x!tpu.dma_semaphore, #tpu.memory_space<semaphore_mem>> -> memref<1x!tpu.dma_semaphore, #tpu.memory_space<semaphore_mem>>
    %dma_start3A_966 = tpu.memref_squeeze %dma_start3A_965 : memref<1x!tpu.dma_semaphore, #tpu.memory_space<semaphore_mem>> -> memref<!tpu.dma_semaphore, #tpu.memory_space<semaphore_mem>>
    tpu.enqueue_indirect_dma source(%dma_start3A_964 : memref<64x128xf32, #tpu.memory_space<vmem_shared>>) target(%dma_start3A_958 : memref<32x128xf32, #tpu.memory_space<vmem>>) offsets(%dma_start3A_961 : memref<32xi32, #tpu.memory_space<vmem>>) semaphore(%dma_start3A_966 : memref<!tpu.dma_semaphore, #tpu.memory_space<semaphore_mem>>)
    %dma_start3A_967 = arith.constant 9 : i32
    %dma_start3A_968 = arith.constant 9 : i32
    %dma_start3A_969 = arith.constant 288 : i32
    %dma_start3A_970 = arith.constant 0 : i32
    %dma_start3A_971 = tpu.memref_slice %arg6[%dma_start3A_969, %dma_start3A_970] : memref<512x128xf32, #tpu.memory_space<vmem>> -> memref<32x128xf32, #tpu.memory_space<vmem>>
    %dma_start3A_972 = arith.constant 0 : i32
    %dma_start3A_973 = tpu.memref_slice %arg5[%dma_start3A_967, %dma_start3A_972] : memref<16x32xi32, #tpu.memory_space<vmem>> -> memref<1x32xi32, #tpu.memory_space<vmem>>
    %dma_start3A_974 = tpu.memref_squeeze %dma_start3A_973 : memref<1x32xi32, #tpu.memory_space<vmem>> -> memref<32xi32, #tpu.memory_space<vmem>>
    %dma_start3A_975 = arith.constant 0 : i32
    %dma_start3A_976 = arith.constant 0 : i32
    %dma_start3A_977 = tpu.memref_slice %arg8[%dma_start3A_975, %dma_start3A_976] : memref<64x128xf32, #tpu.memory_space<vmem_shared>> -> memref<64x128xf32, #tpu.memory_space<vmem_shared>>
    %dma_start3A_978 = tpu.memref_slice %arg9[%dma_start3A_968] : memref<16x!tpu.dma_semaphore, #tpu.memory_space<semaphore_mem>> -> memref<1x!tpu.dma_semaphore, #tpu.memory_space<semaphore_mem>>
    %dma_start3A_979 = tpu.memref_squeeze %dma_start3A_978 : memref<1x!tpu.dma_semaphore, #tpu.memory_space<semaphore_mem>> -> memref<!tpu.dma_semaphore, #tpu.memory_space<semaphore_mem>>
    tpu.enqueue_indirect_dma source(%dma_start3A_977 : memref<64x128xf32, #tpu.memory_space<vmem_shared>>) target(%dma_start3A_971 : memref<32x128xf32, #tpu.memory_space<vmem>>) offsets(%dma_start3A_974 : memref<32xi32, #tpu.memory_space<vmem>>) semaphore(%dma_start3A_979 : memref<!tpu.dma_semaphore, #tpu.memory_space<semaphore_mem>>)
    %dma_start3A_980 = arith.constant 10 : i32
    %dma_start3A_981 = arith.constant 10 : i32
    %dma_start3A_982 = arith.constant 320 : i32
    %dma_start3A_983 = arith.constant 0 : i32
    %dma_start3A_984 = tpu.memref_slice %arg6[%dma_start3A_982, %dma_start3A_983] : memref<512x128xf32, #tpu.memory_space<vmem>> -> memref<32x128xf32, #tpu.memory_space<vmem>>
    %dma_start3A_985 = arith.constant 0 : i32
    %dma_start3A_986 = tpu.memref_slice %arg5[%dma_start3A_980, %dma_start3A_985] : memref<16x32xi32, #tpu.memory_space<vmem>> -> memref<1x32xi32, #tpu.memory_space<vmem>>
    %dma_start3A_987 = tpu.memref_squeeze %dma_start3A_986 : memref<1x32xi32, #tpu.memory_space<vmem>> -> memref<32xi32, #tpu.memory_space<vmem>>
    %dma_start3A_988 = arith.constant 0 : i32
    %dma_start3A_989 = arith.constant 0 : i32
    %dma_start3A_990 = tpu.memref_slice %arg8[%dma_start3A_988, %dma_start3A_989] : memref<64x128xf32, #tpu.memory_space<vmem_shared>> -> memref<64x128xf32, #tpu.memory_space<vmem_shared>>
    %dma_start3A_991 = tpu.memref_slice %arg9[%dma_start3A_981] : memref<16x!tpu.dma_semaphore, #tpu.memory_space<semaphore_mem>> -> memref<1x!tpu.dma_semaphore, #tpu.memory_space<semaphore_mem>>
    %dma_start3A_992 = tpu.memref_squeeze %dma_start3A_991 : memref<1x!tpu.dma_semaphore, #tpu.memory_space<semaphore_mem>> -> memref<!tpu.dma_semaphore, #tpu.memory_space<semaphore_mem>>
    tpu.enqueue_indirect_dma source(%dma_start3A_990 : memref<64x128xf32, #tpu.memory_space<vmem_shared>>) target(%dma_start3A_984 : memref<32x128xf32, #tpu.memory_space<vmem>>) offsets(%dma_start3A_987 : memref<32xi32, #tpu.memory_space<vmem>>) semaphore(%dma_start3A_992 : memref<!tpu.dma_semaphore, #tpu.memory_space<semaphore_mem>>)
    %dma_start3A_993 = arith.constant 11 : i32
    %dma_start3A_994 = arith.constant 11 : i32
    %dma_start3A_995 = arith.constant 352 : i32
    %dma_start3A_996 = arith.constant 0 : i32
    %dma_start3A_997 = tpu.memref_slice %arg6[%dma_start3A_995, %dma_start3A_996] : memref<512x128xf32, #tpu.memory_space<vmem>> -> memref<32x128xf32, #tpu.memory_space<vmem>>
    %dma_start3A_998 = arith.constant 0 : i32
    %dma_start3A_999 = tpu.memref_slice %arg5[%dma_start3A_993, %dma_start3A_998] : memref<16x32xi32, #tpu.memory_space<vmem>> -> memref<1x32xi32, #tpu.memory_space<vmem>>
    %dma_start3A_1000 = tpu.memref_squeeze %dma_start3A_999 : memref<1x32xi32, #tpu.memory_space<vmem>> -> memref<32xi32, #tpu.memory_space<vmem>>
    %dma_start3A_1001 = arith.constant 0 : i32
    %dma_start3A_1002 = arith.constant 0 : i32
    %dma_start3A_1003 = tpu.memref_slice %arg8[%dma_start3A_1001, %dma_start3A_1002] : memref<64x128xf32, #tpu.memory_space<vmem_shared>> -> memref<64x128xf32, #tpu.memory_space<vmem_shared>>
    %dma_start3A_1004 = tpu.memref_slice %arg9[%dma_start3A_994] : memref<16x!tpu.dma_semaphore, #tpu.memory_space<semaphore_mem>> -> memref<1x!tpu.dma_semaphore, #tpu.memory_space<semaphore_mem>>
    %dma_start3A_1005 = tpu.memref_squeeze %dma_start3A_1004 : memref<1x!tpu.dma_semaphore, #tpu.memory_space<semaphore_mem>> -> memref<!tpu.dma_semaphore, #tpu.memory_space<semaphore_mem>>
    tpu.enqueue_indirect_dma source(%dma_start3A_1003 : memref<64x128xf32, #tpu.memory_space<vmem_shared>>) target(%dma_start3A_997 : memref<32x128xf32, #tpu.memory_space<vmem>>) offsets(%dma_start3A_1000 : memref<32xi32, #tpu.memory_space<vmem>>) semaphore(%dma_start3A_1005 : memref<!tpu.dma_semaphore, #tpu.memory_space<semaphore_mem>>)
    %dma_start3A_1006 = arith.constant 12 : i32
    %dma_start3A_1007 = arith.constant 12 : i32
    %dma_start3A_1008 = arith.constant 384 : i32
    %dma_start3A_1009 = arith.constant 0 : i32
    %dma_start3A_1010 = tpu.memref_slice %arg6[%dma_start3A_1008, %dma_start3A_1009] : memref<512x128xf32, #tpu.memory_space<vmem>> -> memref<32x128xf32, #tpu.memory_space<vmem>>
    %dma_start3A_1011 = arith.constant 0 : i32
    %dma_start3A_1012 = tpu.memref_slice %arg5[%dma_start3A_1006, %dma_start3A_1011] : memref<16x32xi32, #tpu.memory_space<vmem>> -> memref<1x32xi32, #tpu.memory_space<vmem>>
    %dma_start3A_1013 = tpu.memref_squeeze %dma_start3A_1012 : memref<1x32xi32, #tpu.memory_space<vmem>> -> memref<32xi32, #tpu.memory_space<vmem>>
    %dma_start3A_1014 = arith.constant 0 : i32
    %dma_start3A_1015 = arith.constant 0 : i32
    %dma_start3A_1016 = tpu.memref_slice %arg8[%dma_start3A_1014, %dma_start3A_1015] : memref<64x128xf32, #tpu.memory_space<vmem_shared>> -> memref<64x128xf32, #tpu.memory_space<vmem_shared>>
    %dma_start3A_1017 = tpu.memref_slice %arg9[%dma_start3A_1007] : memref<16x!tpu.dma_semaphore, #tpu.memory_space<semaphore_mem>> -> memref<1x!tpu.dma_semaphore, #tpu.memory_space<semaphore_mem>>
    %dma_start3A_1018 = tpu.memref_squeeze %dma_start3A_1017 : memref<1x!tpu.dma_semaphore, #tpu.memory_space<semaphore_mem>> -> memref<!tpu.dma_semaphore, #tpu.memory_space<semaphore_mem>>
    tpu.enqueue_indirect_dma source(%dma_start3A_1016 : memref<64x128xf32, #tpu.memory_space<vmem_shared>>) target(%dma_start3A_1010 : memref<32x128xf32, #tpu.memory_space<vmem>>) offsets(%dma_start3A_1013 : memref<32xi32, #tpu.memory_space<vmem>>) semaphore(%dma_start3A_1018 : memref<!tpu.dma_semaphore, #tpu.memory_space<semaphore_mem>>)
    %dma_start3A_1019 = arith.constant 13 : i32
    %dma_start3A_1020 = arith.constant 13 : i32
    %dma_start3A_1021 = arith.constant 416 : i32
    %dma_start3A_1022 = arith.constant 0 : i32
    %dma_start3A_1023 = tpu.memref_slice %arg6[%dma_start3A_1021, %dma_start3A_1022] : memref<512x128xf32, #tpu.memory_space<vmem>> -> memref<32x128xf32, #tpu.memory_space<vmem>>
    %dma_start3A_1024 = arith.constant 0 : i32
    %dma_start3A_1025 = tpu.memref_slice %arg5[%dma_start3A_1019, %dma_start3A_1024] : memref<16x32xi32, #tpu.memory_space<vmem>> -> memref<1x32xi32, #tpu.memory_space<vmem>>
    %dma_start3A_1026 = tpu.memref_squeeze %dma_start3A_1025 : memref<1x32xi32, #tpu.memory_space<vmem>> -> memref<32xi32, #tpu.memory_space<vmem>>
    %dma_start3A_1027 = arith.constant 0 : i32
    %dma_start3A_1028 = arith.constant 0 : i32
    %dma_start3A_1029 = tpu.memref_slice %arg8[%dma_start3A_1027, %dma_start3A_1028] : memref<64x128xf32, #tpu.memory_space<vmem_shared>> -> memref<64x128xf32, #tpu.memory_space<vmem_shared>>
    %dma_start3A_1030 = tpu.memref_slice %arg9[%dma_start3A_1020] : memref<16x!tpu.dma_semaphore, #tpu.memory_space<semaphore_mem>> -> memref<1x!tpu.dma_semaphore, #tpu.memory_space<semaphore_mem>>
    %dma_start3A_1031 = tpu.memref_squeeze %dma_start3A_1030 : memref<1x!tpu.dma_semaphore, #tpu.memory_space<semaphore_mem>> -> memref<!tpu.dma_semaphore, #tpu.memory_space<semaphore_mem>>
    tpu.enqueue_indirect_dma source(%dma_start3A_1029 : memref<64x128xf32, #tpu.memory_space<vmem_shared>>) target(%dma_start3A_1023 : memref<32x128xf32, #tpu.memory_space<vmem>>) offsets(%dma_start3A_1026 : memref<32xi32, #tpu.memory_space<vmem>>) semaphore(%dma_start3A_1031 : memref<!tpu.dma_semaphore, #tpu.memory_space<semaphore_mem>>)
    %dma_start3A_1032 = arith.constant 14 : i32
    %dma_start3A_1033 = arith.constant 14 : i32
    %dma_start3A_1034 = arith.constant 448 : i32
    %dma_start3A_1035 = arith.constant 0 : i32
    %dma_start3A_1036 = tpu.memref_slice %arg6[%dma_start3A_1034, %dma_start3A_1035] : memref<512x128xf32, #tpu.memory_space<vmem>> -> memref<32x128xf32, #tpu.memory_space<vmem>>
    %dma_start3A_1037 = arith.constant 0 : i32
    %dma_start3A_1038 = tpu.memref_slice %arg5[%dma_start3A_1032, %dma_start3A_1037] : memref<16x32xi32, #tpu.memory_space<vmem>> -> memref<1x32xi32, #tpu.memory_space<vmem>>
    %dma_start3A_1039 = tpu.memref_squeeze %dma_start3A_1038 : memref<1x32xi32, #tpu.memory_space<vmem>> -> memref<32xi32, #tpu.memory_space<vmem>>
    %dma_start3A_1040 = arith.constant 0 : i32
    %dma_start3A_1041 = arith.constant 0 : i32
    %dma_start3A_1042 = tpu.memref_slice %arg8[%dma_start3A_1040, %dma_start3A_1041] : memref<64x128xf32, #tpu.memory_space<vmem_shared>> -> memref<64x128xf32, #tpu.memory_space<vmem_shared>>
    %dma_start3A_1043 = tpu.memref_slice %arg9[%dma_start3A_1033] : memref<16x!tpu.dma_semaphore, #tpu.memory_space<semaphore_mem>> -> memref<1x!tpu.dma_semaphore, #tpu.memory_space<semaphore_mem>>
    %dma_start3A_1044 = tpu.memref_squeeze %dma_start3A_1043 : memref<1x!tpu.dma_semaphore, #tpu.memory_space<semaphore_mem>> -> memref<!tpu.dma_semaphore, #tpu.memory_space<semaphore_mem>>
    tpu.enqueue_indirect_dma source(%dma_start3A_1042 : memref<64x128xf32, #tpu.memory_space<vmem_shared>>) target(%dma_start3A_1036 : memref<32x128xf32, #tpu.memory_space<vmem>>) offsets(%dma_start3A_1039 : memref<32xi32, #tpu.memory_space<vmem>>) semaphore(%dma_start3A_1044 : memref<!tpu.dma_semaphore, #tpu.memory_space<semaphore_mem>>)
    %dma_start3A_1045 = arith.constant 15 : i32
    %dma_start3A_1046 = arith.constant 15 : i32
    %dma_start3A_1047 = arith.constant 480 : i32
    %dma_start3A_1048 = arith.constant 0 : i32
    %dma_start3A_1049 = tpu.memref_slice %arg6[%dma_start3A_1047, %dma_start3A_1048] : memref<512x128xf32, #tpu.memory_space<vmem>> -> memref<32x128xf32, #tpu.memory_space<vmem>>
    %dma_start3A_1050 = arith.constant 0 : i32
    %dma_start3A_1051 = tpu.memref_slice %arg5[%dma_start3A_1045, %dma_start3A_1050] : memref<16x32xi32, #tpu.memory_space<vmem>> -> memref<1x32xi32, #tpu.memory_space<vmem>>
    %dma_start3A_1052 = tpu.memref_squeeze %dma_start3A_1051 : memref<1x32xi32, #tpu.memory_space<vmem>> -> memref<32xi32, #tpu.memory_space<vmem>>
    %dma_start3A_1053 = arith.constant 0 : i32
    %dma_start3A_1054 = arith.constant 0 : i32
    %dma_start3A_1055 = tpu.memref_slice %arg8[%dma_start3A_1053, %dma_start3A_1054] : memref<64x128xf32, #tpu.memory_space<vmem_shared>> -> memref<64x128xf32, #tpu.memory_space<vmem_shared>>
    %dma_start3A_1056 = tpu.memref_slice %arg9[%dma_start3A_1046] : memref<16x!tpu.dma_semaphore, #tpu.memory_space<semaphore_mem>> -> memref<1x!tpu.dma_semaphore, #tpu.memory_space<semaphore_mem>>
    %dma_start3A_1057 = tpu.memref_squeeze %dma_start3A_1056 : memref<1x!tpu.dma_semaphore, #tpu.memory_space<semaphore_mem>> -> memref<!tpu.dma_semaphore, #tpu.memory_space<semaphore_mem>>
    tpu.enqueue_indirect_dma source(%dma_start3A_1055 : memref<64x128xf32, #tpu.memory_space<vmem_shared>>) target(%dma_start3A_1049 : memref<32x128xf32, #tpu.memory_space<vmem>>) offsets(%dma_start3A_1052 : memref<32xi32, #tpu.memory_space<vmem>>) semaphore(%dma_start3A_1057 : memref<!tpu.dma_semaphore, #tpu.memory_space<semaphore_mem>>)
    %dma_wait3A_1058 = arith.constant 0 : i32
    %dma_wait3A_1059 = arith.constant 0 : i32
    %dma_wait3A_1060 = arith.constant 0 : i32
    %dma_wait3A_1061 = arith.constant 0 : i32
    %dma_wait3A_1062 = tpu.memref_slice %arg6[%dma_wait3A_1060, %dma_wait3A_1061] : memref<512x128xf32, #tpu.memory_space<vmem>> -> memref<32x128xf32, #tpu.memory_space<vmem>>
    %dma_wait3A_1063 = arith.constant 0 : i32
    %dma_wait3A_1064 = tpu.memref_slice %arg5[%dma_wait3A_1058, %dma_wait3A_1063] : memref<16x32xi32, #tpu.memory_space<vmem>> -> memref<1x32xi32, #tpu.memory_space<vmem>>
    %dma_wait3A_1065 = tpu.memref_squeeze %dma_wait3A_1064 : memref<1x32xi32, #tpu.memory_space<vmem>> -> memref<32xi32, #tpu.memory_space<vmem>>
    %dma_wait3A_1066 = arith.constant 0 : i32
    %dma_wait3A_1067 = arith.constant 0 : i32
    %dma_wait3A_1068 = tpu.memref_slice %arg8[%dma_wait3A_1066, %dma_wait3A_1067] : memref<64x128xf32, #tpu.memory_space<vmem_shared>> -> memref<64x128xf32, #tpu.memory_space<vmem_shared>>
    %dma_wait3A_1069 = tpu.memref_slice %arg9[%dma_wait3A_1059] : memref<16x!tpu.dma_semaphore, #tpu.memory_space<semaphore_mem>> -> memref<1x!tpu.dma_semaphore, #tpu.memory_space<semaphore_mem>>
    %dma_wait3A_1070 = tpu.memref_squeeze %dma_wait3A_1069 : memref<1x!tpu.dma_semaphore, #tpu.memory_space<semaphore_mem>> -> memref<!tpu.dma_semaphore, #tpu.memory_space<semaphore_mem>>
    tpu.wait_indirect_dma semaphore(%dma_wait3A_1070 : memref<!tpu.dma_semaphore, #tpu.memory_space<semaphore_mem>>) src(%dma_wait3A_1068 : memref<64x128xf32, #tpu.memory_space<vmem_shared>>) dst(%dma_wait3A_1062 : memref<32x128xf32, #tpu.memory_space<vmem>>)
    %add3A_1071 = arith.constant 0 : i32
    %add3A_1072 = arith.addi %mul3A_2, %add3A_1071 : i32
    %dma_start3A_1073 = arith.constant 0 : i32
    %dma_start3A_1074 = arith.constant 0 : i32
    %dma_start3A_1075 = tpu.memref_slice %arg6[%dma_start3A_1073, %dma_start3A_1074] : memref<512x128xf32, #tpu.memory_space<vmem>> -> memref<32x128xf32, #tpu.memory_space<vmem>>
    %dma_start3A_1076 = arith.constant 0 : i32
    %dma_start3A_1077 = tpu.memref_slice %arg4[%add3A_1072, %dma_start3A_1076] : memref<16384x128xf32, #tpu.memory_space<hbm>> -> memref<32x128xf32, #tpu.memory_space<hbm>>
    %dma_start3A_1078 = arith.constant 0 : i32
    %dma_start3A_1079 = tpu.memref_slice %arg4[%add3A_1072, %dma_start3A_1078] : memref<16384x128xf32, #tpu.memory_space<hbm>> -> memref<32x128xf32, #tpu.memory_space<hbm>>
    %dma_start3A_1080 = arith.constant 0 : i32
    %dma_start3A_1081 = arith.constant 0 : i32
    %dma_start3A_1082 = tpu.memref_slice %arg6[%dma_start3A_1080, %dma_start3A_1081] : memref<512x128xf32, #tpu.memory_space<vmem>> -> memref<32x128xf32, #tpu.memory_space<vmem>>
    tpu.enqueue_dma source(%dma_start3A_1082 : memref<32x128xf32, #tpu.memory_space<vmem>>) target(%dma_start3A_1079 : memref<32x128xf32, #tpu.memory_space<hbm>>) target_semaphore(%arg10 : memref<!tpu.dma_semaphore, #tpu.memory_space<semaphore_mem>>)
    %dma_wait3A_1083 = arith.constant 1 : i32
    %dma_wait3A_1084 = arith.constant 1 : i32
    %dma_wait3A_1085 = arith.constant 32 : i32
    %dma_wait3A_1086 = arith.constant 0 : i32
    %dma_wait3A_1087 = tpu.memref_slice %arg6[%dma_wait3A_1085, %dma_wait3A_1086] : memref<512x128xf32, #tpu.memory_space<vmem>> -> memref<32x128xf32, #tpu.memory_space<vmem>>
    %dma_wait3A_1088 = arith.constant 0 : i32
    %dma_wait3A_1089 = tpu.memref_slice %arg5[%dma_wait3A_1083, %dma_wait3A_1088] : memref<16x32xi32, #tpu.memory_space<vmem>> -> memref<1x32xi32, #tpu.memory_space<vmem>>
    %dma_wait3A_1090 = tpu.memref_squeeze %dma_wait3A_1089 : memref<1x32xi32, #tpu.memory_space<vmem>> -> memref<32xi32, #tpu.memory_space<vmem>>
    %dma_wait3A_1091 = arith.constant 0 : i32
    %dma_wait3A_1092 = arith.constant 0 : i32
    %dma_wait3A_1093 = tpu.memref_slice %arg8[%dma_wait3A_1091, %dma_wait3A_1092] : memref<64x128xf32, #tpu.memory_space<vmem_shared>> -> memref<64x128xf32, #tpu.memory_space<vmem_shared>>
    %dma_wait3A_1094 = tpu.memref_slice %arg9[%dma_wait3A_1084] : memref<16x!tpu.dma_semaphore, #tpu.memory_space<semaphore_mem>> -> memref<1x!tpu.dma_semaphore, #tpu.memory_space<semaphore_mem>>
    %dma_wait3A_1095 = tpu.memref_squeeze %dma_wait3A_1094 : memref<1x!tpu.dma_semaphore, #tpu.memory_space<semaphore_mem>> -> memref<!tpu.dma_semaphore, #tpu.memory_space<semaphore_mem>>
    tpu.wait_indirect_dma semaphore(%dma_wait3A_1095 : memref<!tpu.dma_semaphore, #tpu.memory_space<semaphore_mem>>) src(%dma_wait3A_1093 : memref<64x128xf32, #tpu.memory_space<vmem_shared>>) dst(%dma_wait3A_1087 : memref<32x128xf32, #tpu.memory_space<vmem>>)
    %add3A_1096 = arith.constant 32 : i32
    %add3A_1097 = arith.addi %mul3A_2, %add3A_1096 : i32
    %dma_start3A_1098 = arith.constant 32 : i32
    %dma_start3A_1099 = arith.constant 0 : i32
    %dma_start3A_1100 = tpu.memref_slice %arg6[%dma_start3A_1098, %dma_start3A_1099] : memref<512x128xf32, #tpu.memory_space<vmem>> -> memref<32x128xf32, #tpu.memory_space<vmem>>
    %dma_start3A_1101 = arith.constant 0 : i32
    %dma_start3A_1102 = tpu.memref_slice %arg4[%add3A_1097, %dma_start3A_1101] : memref<16384x128xf32, #tpu.memory_space<hbm>> -> memref<32x128xf32, #tpu.memory_space<hbm>>
    %dma_start3A_1103 = arith.constant 0 : i32
    %dma_start3A_1104 = tpu.memref_slice %arg4[%add3A_1097, %dma_start3A_1103] : memref<16384x128xf32, #tpu.memory_space<hbm>> -> memref<32x128xf32, #tpu.memory_space<hbm>>
    %dma_start3A_1105 = arith.constant 32 : i32
    %dma_start3A_1106 = arith.constant 0 : i32
    %dma_start3A_1107 = tpu.memref_slice %arg6[%dma_start3A_1105, %dma_start3A_1106] : memref<512x128xf32, #tpu.memory_space<vmem>> -> memref<32x128xf32, #tpu.memory_space<vmem>>
    tpu.enqueue_dma source(%dma_start3A_1107 : memref<32x128xf32, #tpu.memory_space<vmem>>) target(%dma_start3A_1104 : memref<32x128xf32, #tpu.memory_space<hbm>>) target_semaphore(%arg10 : memref<!tpu.dma_semaphore, #tpu.memory_space<semaphore_mem>>)
    %dma_wait3A_1108 = arith.constant 2 : i32
    %dma_wait3A_1109 = arith.constant 2 : i32
    %dma_wait3A_1110 = arith.constant 64 : i32
    %dma_wait3A_1111 = arith.constant 0 : i32
    %dma_wait3A_1112 = tpu.memref_slice %arg6[%dma_wait3A_1110, %dma_wait3A_1111] : memref<512x128xf32, #tpu.memory_space<vmem>> -> memref<32x128xf32, #tpu.memory_space<vmem>>
    %dma_wait3A_1113 = arith.constant 0 : i32
    %dma_wait3A_1114 = tpu.memref_slice %arg5[%dma_wait3A_1108, %dma_wait3A_1113] : memref<16x32xi32, #tpu.memory_space<vmem>> -> memref<1x32xi32, #tpu.memory_space<vmem>>
    %dma_wait3A_1115 = tpu.memref_squeeze %dma_wait3A_1114 : memref<1x32xi32, #tpu.memory_space<vmem>> -> memref<32xi32, #tpu.memory_space<vmem>>
    %dma_wait3A_1116 = arith.constant 0 : i32
    %dma_wait3A_1117 = arith.constant 0 : i32
    %dma_wait3A_1118 = tpu.memref_slice %arg8[%dma_wait3A_1116, %dma_wait3A_1117] : memref<64x128xf32, #tpu.memory_space<vmem_shared>> -> memref<64x128xf32, #tpu.memory_space<vmem_shared>>
    %dma_wait3A_1119 = tpu.memref_slice %arg9[%dma_wait3A_1109] : memref<16x!tpu.dma_semaphore, #tpu.memory_space<semaphore_mem>> -> memref<1x!tpu.dma_semaphore, #tpu.memory_space<semaphore_mem>>
    %dma_wait3A_1120 = tpu.memref_squeeze %dma_wait3A_1119 : memref<1x!tpu.dma_semaphore, #tpu.memory_space<semaphore_mem>> -> memref<!tpu.dma_semaphore, #tpu.memory_space<semaphore_mem>>
    tpu.wait_indirect_dma semaphore(%dma_wait3A_1120 : memref<!tpu.dma_semaphore, #tpu.memory_space<semaphore_mem>>) src(%dma_wait3A_1118 : memref<64x128xf32, #tpu.memory_space<vmem_shared>>) dst(%dma_wait3A_1112 : memref<32x128xf32, #tpu.memory_space<vmem>>)
    %add3A_1121 = arith.constant 64 : i32
    %add3A_1122 = arith.addi %mul3A_2, %add3A_1121 : i32
    %dma_start3A_1123 = arith.constant 64 : i32
    %dma_start3A_1124 = arith.constant 0 : i32
    %dma_start3A_1125 = tpu.memref_slice %arg6[%dma_start3A_1123, %dma_start3A_1124] : memref<512x128xf32, #tpu.memory_space<vmem>> -> memref<32x128xf32, #tpu.memory_space<vmem>>
    %dma_start3A_1126 = arith.constant 0 : i32
    %dma_start3A_1127 = tpu.memref_slice %arg4[%add3A_1122, %dma_start3A_1126] : memref<16384x128xf32, #tpu.memory_space<hbm>> -> memref<32x128xf32, #tpu.memory_space<hbm>>
    %dma_start3A_1128 = arith.constant 0 : i32
    %dma_start3A_1129 = tpu.memref_slice %arg4[%add3A_1122, %dma_start3A_1128] : memref<16384x128xf32, #tpu.memory_space<hbm>> -> memref<32x128xf32, #tpu.memory_space<hbm>>
    %dma_start3A_1130 = arith.constant 64 : i32
    %dma_start3A_1131 = arith.constant 0 : i32
    %dma_start3A_1132 = tpu.memref_slice %arg6[%dma_start3A_1130, %dma_start3A_1131] : memref<512x128xf32, #tpu.memory_space<vmem>> -> memref<32x128xf32, #tpu.memory_space<vmem>>
    tpu.enqueue_dma source(%dma_start3A_1132 : memref<32x128xf32, #tpu.memory_space<vmem>>) target(%dma_start3A_1129 : memref<32x128xf32, #tpu.memory_space<hbm>>) target_semaphore(%arg10 : memref<!tpu.dma_semaphore, #tpu.memory_space<semaphore_mem>>)
    %dma_wait3A_1133 = arith.constant 3 : i32
    %dma_wait3A_1134 = arith.constant 3 : i32
    %dma_wait3A_1135 = arith.constant 96 : i32
    %dma_wait3A_1136 = arith.constant 0 : i32
    %dma_wait3A_1137 = tpu.memref_slice %arg6[%dma_wait3A_1135, %dma_wait3A_1136] : memref<512x128xf32, #tpu.memory_space<vmem>> -> memref<32x128xf32, #tpu.memory_space<vmem>>
    %dma_wait3A_1138 = arith.constant 0 : i32
    %dma_wait3A_1139 = tpu.memref_slice %arg5[%dma_wait3A_1133, %dma_wait3A_1138] : memref<16x32xi32, #tpu.memory_space<vmem>> -> memref<1x32xi32, #tpu.memory_space<vmem>>
    %dma_wait3A_1140 = tpu.memref_squeeze %dma_wait3A_1139 : memref<1x32xi32, #tpu.memory_space<vmem>> -> memref<32xi32, #tpu.memory_space<vmem>>
    %dma_wait3A_1141 = arith.constant 0 : i32
    %dma_wait3A_1142 = arith.constant 0 : i32
    %dma_wait3A_1143 = tpu.memref_slice %arg8[%dma_wait3A_1141, %dma_wait3A_1142] : memref<64x128xf32, #tpu.memory_space<vmem_shared>> -> memref<64x128xf32, #tpu.memory_space<vmem_shared>>
    %dma_wait3A_1144 = tpu.memref_slice %arg9[%dma_wait3A_1134] : memref<16x!tpu.dma_semaphore, #tpu.memory_space<semaphore_mem>> -> memref<1x!tpu.dma_semaphore, #tpu.memory_space<semaphore_mem>>
    %dma_wait3A_1145 = tpu.memref_squeeze %dma_wait3A_1144 : memref<1x!tpu.dma_semaphore, #tpu.memory_space<semaphore_mem>> -> memref<!tpu.dma_semaphore, #tpu.memory_space<semaphore_mem>>
    tpu.wait_indirect_dma semaphore(%dma_wait3A_1145 : memref<!tpu.dma_semaphore, #tpu.memory_space<semaphore_mem>>) src(%dma_wait3A_1143 : memref<64x128xf32, #tpu.memory_space<vmem_shared>>) dst(%dma_wait3A_1137 : memref<32x128xf32, #tpu.memory_space<vmem>>)
    %add3A_1146 = arith.constant 96 : i32
    %add3A_1147 = arith.addi %mul3A_2, %add3A_1146 : i32
    %dma_start3A_1148 = arith.constant 96 : i32
    %dma_start3A_1149 = arith.constant 0 : i32
    %dma_start3A_1150 = tpu.memref_slice %arg6[%dma_start3A_1148, %dma_start3A_1149] : memref<512x128xf32, #tpu.memory_space<vmem>> -> memref<32x128xf32, #tpu.memory_space<vmem>>
    %dma_start3A_1151 = arith.constant 0 : i32
    %dma_start3A_1152 = tpu.memref_slice %arg4[%add3A_1147, %dma_start3A_1151] : memref<16384x128xf32, #tpu.memory_space<hbm>> -> memref<32x128xf32, #tpu.memory_space<hbm>>
    %dma_start3A_1153 = arith.constant 0 : i32
    %dma_start3A_1154 = tpu.memref_slice %arg4[%add3A_1147, %dma_start3A_1153] : memref<16384x128xf32, #tpu.memory_space<hbm>> -> memref<32x128xf32, #tpu.memory_space<hbm>>
    %dma_start3A_1155 = arith.constant 96 : i32
    %dma_start3A_1156 = arith.constant 0 : i32
    %dma_start3A_1157 = tpu.memref_slice %arg6[%dma_start3A_1155, %dma_start3A_1156] : memref<512x128xf32, #tpu.memory_space<vmem>> -> memref<32x128xf32, #tpu.memory_space<vmem>>
    tpu.enqueue_dma source(%dma_start3A_1157 : memref<32x128xf32, #tpu.memory_space<vmem>>) target(%dma_start3A_1154 : memref<32x128xf32, #tpu.memory_space<hbm>>) target_semaphore(%arg10 : memref<!tpu.dma_semaphore, #tpu.memory_space<semaphore_mem>>)
    %dma_wait3A_1158 = arith.constant 4 : i32
    %dma_wait3A_1159 = arith.constant 4 : i32
    %dma_wait3A_1160 = arith.constant 128 : i32
    %dma_wait3A_1161 = arith.constant 0 : i32
    %dma_wait3A_1162 = tpu.memref_slice %arg6[%dma_wait3A_1160, %dma_wait3A_1161] : memref<512x128xf32, #tpu.memory_space<vmem>> -> memref<32x128xf32, #tpu.memory_space<vmem>>
    %dma_wait3A_1163 = arith.constant 0 : i32
    %dma_wait3A_1164 = tpu.memref_slice %arg5[%dma_wait3A_1158, %dma_wait3A_1163] : memref<16x32xi32, #tpu.memory_space<vmem>> -> memref<1x32xi32, #tpu.memory_space<vmem>>
    %dma_wait3A_1165 = tpu.memref_squeeze %dma_wait3A_1164 : memref<1x32xi32, #tpu.memory_space<vmem>> -> memref<32xi32, #tpu.memory_space<vmem>>
    %dma_wait3A_1166 = arith.constant 0 : i32
    %dma_wait3A_1167 = arith.constant 0 : i32
    %dma_wait3A_1168 = tpu.memref_slice %arg8[%dma_wait3A_1166, %dma_wait3A_1167] : memref<64x128xf32, #tpu.memory_space<vmem_shared>> -> memref<64x128xf32, #tpu.memory_space<vmem_shared>>
    %dma_wait3A_1169 = tpu.memref_slice %arg9[%dma_wait3A_1159] : memref<16x!tpu.dma_semaphore, #tpu.memory_space<semaphore_mem>> -> memref<1x!tpu.dma_semaphore, #tpu.memory_space<semaphore_mem>>
    %dma_wait3A_1170 = tpu.memref_squeeze %dma_wait3A_1169 : memref<1x!tpu.dma_semaphore, #tpu.memory_space<semaphore_mem>> -> memref<!tpu.dma_semaphore, #tpu.memory_space<semaphore_mem>>
    tpu.wait_indirect_dma semaphore(%dma_wait3A_1170 : memref<!tpu.dma_semaphore, #tpu.memory_space<semaphore_mem>>) src(%dma_wait3A_1168 : memref<64x128xf32, #tpu.memory_space<vmem_shared>>) dst(%dma_wait3A_1162 : memref<32x128xf32, #tpu.memory_space<vmem>>)
    %add3A_1171 = arith.constant 128 : i32
    %add3A_1172 = arith.addi %mul3A_2, %add3A_1171 : i32
    %dma_start3A_1173 = arith.constant 128 : i32
    %dma_start3A_1174 = arith.constant 0 : i32
    %dma_start3A_1175 = tpu.memref_slice %arg6[%dma_start3A_1173, %dma_start3A_1174] : memref<512x128xf32, #tpu.memory_space<vmem>> -> memref<32x128xf32, #tpu.memory_space<vmem>>
    %dma_start3A_1176 = arith.constant 0 : i32
    %dma_start3A_1177 = tpu.memref_slice %arg4[%add3A_1172, %dma_start3A_1176] : memref<16384x128xf32, #tpu.memory_space<hbm>> -> memref<32x128xf32, #tpu.memory_space<hbm>>
    %dma_start3A_1178 = arith.constant 0 : i32
    %dma_start3A_1179 = tpu.memref_slice %arg4[%add3A_1172, %dma_start3A_1178] : memref<16384x128xf32, #tpu.memory_space<hbm>> -> memref<32x128xf32, #tpu.memory_space<hbm>>
    %dma_start3A_1180 = arith.constant 128 : i32
    %dma_start3A_1181 = arith.constant 0 : i32
    %dma_start3A_1182 = tpu.memref_slice %arg6[%dma_start3A_1180, %dma_start3A_1181] : memref<512x128xf32, #tpu.memory_space<vmem>> -> memref<32x128xf32, #tpu.memory_space<vmem>>
    tpu.enqueue_dma source(%dma_start3A_1182 : memref<32x128xf32, #tpu.memory_space<vmem>>) target(%dma_start3A_1179 : memref<32x128xf32, #tpu.memory_space<hbm>>) target_semaphore(%arg10 : memref<!tpu.dma_semaphore, #tpu.memory_space<semaphore_mem>>)
    %dma_wait3A_1183 = arith.constant 5 : i32
    %dma_wait3A_1184 = arith.constant 5 : i32
    %dma_wait3A_1185 = arith.constant 160 : i32
    %dma_wait3A_1186 = arith.constant 0 : i32
    %dma_wait3A_1187 = tpu.memref_slice %arg6[%dma_wait3A_1185, %dma_wait3A_1186] : memref<512x128xf32, #tpu.memory_space<vmem>> -> memref<32x128xf32, #tpu.memory_space<vmem>>
    %dma_wait3A_1188 = arith.constant 0 : i32
    %dma_wait3A_1189 = tpu.memref_slice %arg5[%dma_wait3A_1183, %dma_wait3A_1188] : memref<16x32xi32, #tpu.memory_space<vmem>> -> memref<1x32xi32, #tpu.memory_space<vmem>>
    %dma_wait3A_1190 = tpu.memref_squeeze %dma_wait3A_1189 : memref<1x32xi32, #tpu.memory_space<vmem>> -> memref<32xi32, #tpu.memory_space<vmem>>
    %dma_wait3A_1191 = arith.constant 0 : i32
    %dma_wait3A_1192 = arith.constant 0 : i32
    %dma_wait3A_1193 = tpu.memref_slice %arg8[%dma_wait3A_1191, %dma_wait3A_1192] : memref<64x128xf32, #tpu.memory_space<vmem_shared>> -> memref<64x128xf32, #tpu.memory_space<vmem_shared>>
    %dma_wait3A_1194 = tpu.memref_slice %arg9[%dma_wait3A_1184] : memref<16x!tpu.dma_semaphore, #tpu.memory_space<semaphore_mem>> -> memref<1x!tpu.dma_semaphore, #tpu.memory_space<semaphore_mem>>
    %dma_wait3A_1195 = tpu.memref_squeeze %dma_wait3A_1194 : memref<1x!tpu.dma_semaphore, #tpu.memory_space<semaphore_mem>> -> memref<!tpu.dma_semaphore, #tpu.memory_space<semaphore_mem>>
    tpu.wait_indirect_dma semaphore(%dma_wait3A_1195 : memref<!tpu.dma_semaphore, #tpu.memory_space<semaphore_mem>>) src(%dma_wait3A_1193 : memref<64x128xf32, #tpu.memory_space<vmem_shared>>) dst(%dma_wait3A_1187 : memref<32x128xf32, #tpu.memory_space<vmem>>)
    %add3A_1196 = arith.constant 160 : i32
    %add3A_1197 = arith.addi %mul3A_2, %add3A_1196 : i32
    %dma_start3A_1198 = arith.constant 160 : i32
    %dma_start3A_1199 = arith.constant 0 : i32
    %dma_start3A_1200 = tpu.memref_slice %arg6[%dma_start3A_1198, %dma_start3A_1199] : memref<512x128xf32, #tpu.memory_space<vmem>> -> memref<32x128xf32, #tpu.memory_space<vmem>>
    %dma_start3A_1201 = arith.constant 0 : i32
    %dma_start3A_1202 = tpu.memref_slice %arg4[%add3A_1197, %dma_start3A_1201] : memref<16384x128xf32, #tpu.memory_space<hbm>> -> memref<32x128xf32, #tpu.memory_space<hbm>>
    %dma_start3A_1203 = arith.constant 0 : i32
    %dma_start3A_1204 = tpu.memref_slice %arg4[%add3A_1197, %dma_start3A_1203] : memref<16384x128xf32, #tpu.memory_space<hbm>> -> memref<32x128xf32, #tpu.memory_space<hbm>>
    %dma_start3A_1205 = arith.constant 160 : i32
    %dma_start3A_1206 = arith.constant 0 : i32
    %dma_start3A_1207 = tpu.memref_slice %arg6[%dma_start3A_1205, %dma_start3A_1206] : memref<512x128xf32, #tpu.memory_space<vmem>> -> memref<32x128xf32, #tpu.memory_space<vmem>>
    tpu.enqueue_dma source(%dma_start3A_1207 : memref<32x128xf32, #tpu.memory_space<vmem>>) target(%dma_start3A_1204 : memref<32x128xf32, #tpu.memory_space<hbm>>) target_semaphore(%arg10 : memref<!tpu.dma_semaphore, #tpu.memory_space<semaphore_mem>>)
    %dma_wait3A_1208 = arith.constant 6 : i32
    %dma_wait3A_1209 = arith.constant 6 : i32
    %dma_wait3A_1210 = arith.constant 192 : i32
    %dma_wait3A_1211 = arith.constant 0 : i32
    %dma_wait3A_1212 = tpu.memref_slice %arg6[%dma_wait3A_1210, %dma_wait3A_1211] : memref<512x128xf32, #tpu.memory_space<vmem>> -> memref<32x128xf32, #tpu.memory_space<vmem>>
    %dma_wait3A_1213 = arith.constant 0 : i32
    %dma_wait3A_1214 = tpu.memref_slice %arg5[%dma_wait3A_1208, %dma_wait3A_1213] : memref<16x32xi32, #tpu.memory_space<vmem>> -> memref<1x32xi32, #tpu.memory_space<vmem>>
    %dma_wait3A_1215 = tpu.memref_squeeze %dma_wait3A_1214 : memref<1x32xi32, #tpu.memory_space<vmem>> -> memref<32xi32, #tpu.memory_space<vmem>>
    %dma_wait3A_1216 = arith.constant 0 : i32
    %dma_wait3A_1217 = arith.constant 0 : i32
    %dma_wait3A_1218 = tpu.memref_slice %arg8[%dma_wait3A_1216, %dma_wait3A_1217] : memref<64x128xf32, #tpu.memory_space<vmem_shared>> -> memref<64x128xf32, #tpu.memory_space<vmem_shared>>
    %dma_wait3A_1219 = tpu.memref_slice %arg9[%dma_wait3A_1209] : memref<16x!tpu.dma_semaphore, #tpu.memory_space<semaphore_mem>> -> memref<1x!tpu.dma_semaphore, #tpu.memory_space<semaphore_mem>>
    %dma_wait3A_1220 = tpu.memref_squeeze %dma_wait3A_1219 : memref<1x!tpu.dma_semaphore, #tpu.memory_space<semaphore_mem>> -> memref<!tpu.dma_semaphore, #tpu.memory_space<semaphore_mem>>
    tpu.wait_indirect_dma semaphore(%dma_wait3A_1220 : memref<!tpu.dma_semaphore, #tpu.memory_space<semaphore_mem>>) src(%dma_wait3A_1218 : memref<64x128xf32, #tpu.memory_space<vmem_shared>>) dst(%dma_wait3A_1212 : memref<32x128xf32, #tpu.memory_space<vmem>>)
    %add3A_1221 = arith.constant 192 : i32
    %add3A_1222 = arith.addi %mul3A_2, %add3A_1221 : i32
    %dma_start3A_1223 = arith.constant 192 : i32
    %dma_start3A_1224 = arith.constant 0 : i32
    %dma_start3A_1225 = tpu.memref_slice %arg6[%dma_start3A_1223, %dma_start3A_1224] : memref<512x128xf32, #tpu.memory_space<vmem>> -> memref<32x128xf32, #tpu.memory_space<vmem>>
    %dma_start3A_1226 = arith.constant 0 : i32
    %dma_start3A_1227 = tpu.memref_slice %arg4[%add3A_1222, %dma_start3A_1226] : memref<16384x128xf32, #tpu.memory_space<hbm>> -> memref<32x128xf32, #tpu.memory_space<hbm>>
    %dma_start3A_1228 = arith.constant 0 : i32
    %dma_start3A_1229 = tpu.memref_slice %arg4[%add3A_1222, %dma_start3A_1228] : memref<16384x128xf32, #tpu.memory_space<hbm>> -> memref<32x128xf32, #tpu.memory_space<hbm>>
    %dma_start3A_1230 = arith.constant 192 : i32
    %dma_start3A_1231 = arith.constant 0 : i32
    %dma_start3A_1232 = tpu.memref_slice %arg6[%dma_start3A_1230, %dma_start3A_1231] : memref<512x128xf32, #tpu.memory_space<vmem>> -> memref<32x128xf32, #tpu.memory_space<vmem>>
    tpu.enqueue_dma source(%dma_start3A_1232 : memref<32x128xf32, #tpu.memory_space<vmem>>) target(%dma_start3A_1229 : memref<32x128xf32, #tpu.memory_space<hbm>>) target_semaphore(%arg10 : memref<!tpu.dma_semaphore, #tpu.memory_space<semaphore_mem>>)
    %dma_wait3A_1233 = arith.constant 7 : i32
    %dma_wait3A_1234 = arith.constant 7 : i32
    %dma_wait3A_1235 = arith.constant 224 : i32
    %dma_wait3A_1236 = arith.constant 0 : i32
    %dma_wait3A_1237 = tpu.memref_slice %arg6[%dma_wait3A_1235, %dma_wait3A_1236] : memref<512x128xf32, #tpu.memory_space<vmem>> -> memref<32x128xf32, #tpu.memory_space<vmem>>
    %dma_wait3A_1238 = arith.constant 0 : i32
    %dma_wait3A_1239 = tpu.memref_slice %arg5[%dma_wait3A_1233, %dma_wait3A_1238] : memref<16x32xi32, #tpu.memory_space<vmem>> -> memref<1x32xi32, #tpu.memory_space<vmem>>
    %dma_wait3A_1240 = tpu.memref_squeeze %dma_wait3A_1239 : memref<1x32xi32, #tpu.memory_space<vmem>> -> memref<32xi32, #tpu.memory_space<vmem>>
    %dma_wait3A_1241 = arith.constant 0 : i32
    %dma_wait3A_1242 = arith.constant 0 : i32
    %dma_wait3A_1243 = tpu.memref_slice %arg8[%dma_wait3A_1241, %dma_wait3A_1242] : memref<64x128xf32, #tpu.memory_space<vmem_shared>> -> memref<64x128xf32, #tpu.memory_space<vmem_shared>>
    %dma_wait3A_1244 = tpu.memref_slice %arg9[%dma_wait3A_1234] : memref<16x!tpu.dma_semaphore, #tpu.memory_space<semaphore_mem>> -> memref<1x!tpu.dma_semaphore, #tpu.memory_space<semaphore_mem>>
    %dma_wait3A_1245 = tpu.memref_squeeze %dma_wait3A_1244 : memref<1x!tpu.dma_semaphore, #tpu.memory_space<semaphore_mem>> -> memref<!tpu.dma_semaphore, #tpu.memory_space<semaphore_mem>>
    tpu.wait_indirect_dma semaphore(%dma_wait3A_1245 : memref<!tpu.dma_semaphore, #tpu.memory_space<semaphore_mem>>) src(%dma_wait3A_1243 : memref<64x128xf32, #tpu.memory_space<vmem_shared>>) dst(%dma_wait3A_1237 : memref<32x128xf32, #tpu.memory_space<vmem>>)
    %add3A_1246 = arith.constant 224 : i32
    %add3A_1247 = arith.addi %mul3A_2, %add3A_1246 : i32
    %dma_start3A_1248 = arith.constant 224 : i32
    %dma_start3A_1249 = arith.constant 0 : i32
    %dma_start3A_1250 = tpu.memref_slice %arg6[%dma_start3A_1248, %dma_start3A_1249] : memref<512x128xf32, #tpu.memory_space<vmem>> -> memref<32x128xf32, #tpu.memory_space<vmem>>
    %dma_start3A_1251 = arith.constant 0 : i32
    %dma_start3A_1252 = tpu.memref_slice %arg4[%add3A_1247, %dma_start3A_1251] : memref<16384x128xf32, #tpu.memory_space<hbm>> -> memref<32x128xf32, #tpu.memory_space<hbm>>
    %dma_start3A_1253 = arith.constant 0 : i32
    %dma_start3A_1254 = tpu.memref_slice %arg4[%add3A_1247, %dma_start3A_1253] : memref<16384x128xf32, #tpu.memory_space<hbm>> -> memref<32x128xf32, #tpu.memory_space<hbm>>
    %dma_start3A_1255 = arith.constant 224 : i32
    %dma_start3A_1256 = arith.constant 0 : i32
    %dma_start3A_1257 = tpu.memref_slice %arg6[%dma_start3A_1255, %dma_start3A_1256] : memref<512x128xf32, #tpu.memory_space<vmem>> -> memref<32x128xf32, #tpu.memory_space<vmem>>
    tpu.enqueue_dma source(%dma_start3A_1257 : memref<32x128xf32, #tpu.memory_space<vmem>>) target(%dma_start3A_1254 : memref<32x128xf32, #tpu.memory_space<hbm>>) target_semaphore(%arg10 : memref<!tpu.dma_semaphore, #tpu.memory_space<semaphore_mem>>)
    %dma_wait3A_1258 = arith.constant 8 : i32
    %dma_wait3A_1259 = arith.constant 8 : i32
    %dma_wait3A_1260 = arith.constant 256 : i32
    %dma_wait3A_1261 = arith.constant 0 : i32
    %dma_wait3A_1262 = tpu.memref_slice %arg6[%dma_wait3A_1260, %dma_wait3A_1261] : memref<512x128xf32, #tpu.memory_space<vmem>> -> memref<32x128xf32, #tpu.memory_space<vmem>>
    %dma_wait3A_1263 = arith.constant 0 : i32
    %dma_wait3A_1264 = tpu.memref_slice %arg5[%dma_wait3A_1258, %dma_wait3A_1263] : memref<16x32xi32, #tpu.memory_space<vmem>> -> memref<1x32xi32, #tpu.memory_space<vmem>>
    %dma_wait3A_1265 = tpu.memref_squeeze %dma_wait3A_1264 : memref<1x32xi32, #tpu.memory_space<vmem>> -> memref<32xi32, #tpu.memory_space<vmem>>
    %dma_wait3A_1266 = arith.constant 0 : i32
    %dma_wait3A_1267 = arith.constant 0 : i32
    %dma_wait3A_1268 = tpu.memref_slice %arg8[%dma_wait3A_1266, %dma_wait3A_1267] : memref<64x128xf32, #tpu.memory_space<vmem_shared>> -> memref<64x128xf32, #tpu.memory_space<vmem_shared>>
    %dma_wait3A_1269 = tpu.memref_slice %arg9[%dma_wait3A_1259] : memref<16x!tpu.dma_semaphore, #tpu.memory_space<semaphore_mem>> -> memref<1x!tpu.dma_semaphore, #tpu.memory_space<semaphore_mem>>
    %dma_wait3A_1270 = tpu.memref_squeeze %dma_wait3A_1269 : memref<1x!tpu.dma_semaphore, #tpu.memory_space<semaphore_mem>> -> memref<!tpu.dma_semaphore, #tpu.memory_space<semaphore_mem>>
    tpu.wait_indirect_dma semaphore(%dma_wait3A_1270 : memref<!tpu.dma_semaphore, #tpu.memory_space<semaphore_mem>>) src(%dma_wait3A_1268 : memref<64x128xf32, #tpu.memory_space<vmem_shared>>) dst(%dma_wait3A_1262 : memref<32x128xf32, #tpu.memory_space<vmem>>)
    %add3A_1271 = arith.constant 256 : i32
    %add3A_1272 = arith.addi %mul3A_2, %add3A_1271 : i32
    %dma_start3A_1273 = arith.constant 256 : i32
    %dma_start3A_1274 = arith.constant 0 : i32
    %dma_start3A_1275 = tpu.memref_slice %arg6[%dma_start3A_1273, %dma_start3A_1274] : memref<512x128xf32, #tpu.memory_space<vmem>> -> memref<32x128xf32, #tpu.memory_space<vmem>>
    %dma_start3A_1276 = arith.constant 0 : i32
    %dma_start3A_1277 = tpu.memref_slice %arg4[%add3A_1272, %dma_start3A_1276] : memref<16384x128xf32, #tpu.memory_space<hbm>> -> memref<32x128xf32, #tpu.memory_space<hbm>>
    %dma_start3A_1278 = arith.constant 0 : i32
    %dma_start3A_1279 = tpu.memref_slice %arg4[%add3A_1272, %dma_start3A_1278] : memref<16384x128xf32, #tpu.memory_space<hbm>> -> memref<32x128xf32, #tpu.memory_space<hbm>>
    %dma_start3A_1280 = arith.constant 256 : i32
    %dma_start3A_1281 = arith.constant 0 : i32
    %dma_start3A_1282 = tpu.memref_slice %arg6[%dma_start3A_1280, %dma_start3A_1281] : memref<512x128xf32, #tpu.memory_space<vmem>> -> memref<32x128xf32, #tpu.memory_space<vmem>>
    tpu.enqueue_dma source(%dma_start3A_1282 : memref<32x128xf32, #tpu.memory_space<vmem>>) target(%dma_start3A_1279 : memref<32x128xf32, #tpu.memory_space<hbm>>) target_semaphore(%arg10 : memref<!tpu.dma_semaphore, #tpu.memory_space<semaphore_mem>>)
    %dma_wait3A_1283 = arith.constant 9 : i32
    %dma_wait3A_1284 = arith.constant 9 : i32
    %dma_wait3A_1285 = arith.constant 288 : i32
    %dma_wait3A_1286 = arith.constant 0 : i32
    %dma_wait3A_1287 = tpu.memref_slice %arg6[%dma_wait3A_1285, %dma_wait3A_1286] : memref<512x128xf32, #tpu.memory_space<vmem>> -> memref<32x128xf32, #tpu.memory_space<vmem>>
    %dma_wait3A_1288 = arith.constant 0 : i32
    %dma_wait3A_1289 = tpu.memref_slice %arg5[%dma_wait3A_1283, %dma_wait3A_1288] : memref<16x32xi32, #tpu.memory_space<vmem>> -> memref<1x32xi32, #tpu.memory_space<vmem>>
    %dma_wait3A_1290 = tpu.memref_squeeze %dma_wait3A_1289 : memref<1x32xi32, #tpu.memory_space<vmem>> -> memref<32xi32, #tpu.memory_space<vmem>>
    %dma_wait3A_1291 = arith.constant 0 : i32
    %dma_wait3A_1292 = arith.constant 0 : i32
    %dma_wait3A_1293 = tpu.memref_slice %arg8[%dma_wait3A_1291, %dma_wait3A_1292] : memref<64x128xf32, #tpu.memory_space<vmem_shared>> -> memref<64x128xf32, #tpu.memory_space<vmem_shared>>
    %dma_wait3A_1294 = tpu.memref_slice %arg9[%dma_wait3A_1284] : memref<16x!tpu.dma_semaphore, #tpu.memory_space<semaphore_mem>> -> memref<1x!tpu.dma_semaphore, #tpu.memory_space<semaphore_mem>>
    %dma_wait3A_1295 = tpu.memref_squeeze %dma_wait3A_1294 : memref<1x!tpu.dma_semaphore, #tpu.memory_space<semaphore_mem>> -> memref<!tpu.dma_semaphore, #tpu.memory_space<semaphore_mem>>
    tpu.wait_indirect_dma semaphore(%dma_wait3A_1295 : memref<!tpu.dma_semaphore, #tpu.memory_space<semaphore_mem>>) src(%dma_wait3A_1293 : memref<64x128xf32, #tpu.memory_space<vmem_shared>>) dst(%dma_wait3A_1287 : memref<32x128xf32, #tpu.memory_space<vmem>>)
    %add3A_1296 = arith.constant 288 : i32
    %add3A_1297 = arith.addi %mul3A_2, %add3A_1296 : i32
    %dma_start3A_1298 = arith.constant 288 : i32
    %dma_start3A_1299 = arith.constant 0 : i32
    %dma_start3A_1300 = tpu.memref_slice %arg6[%dma_start3A_1298, %dma_start3A_1299] : memref<512x128xf32, #tpu.memory_space<vmem>> -> memref<32x128xf32, #tpu.memory_space<vmem>>
    %dma_start3A_1301 = arith.constant 0 : i32
    %dma_start3A_1302 = tpu.memref_slice %arg4[%add3A_1297, %dma_start3A_1301] : memref<16384x128xf32, #tpu.memory_space<hbm>> -> memref<32x128xf32, #tpu.memory_space<hbm>>
    %dma_start3A_1303 = arith.constant 0 : i32
    %dma_start3A_1304 = tpu.memref_slice %arg4[%add3A_1297, %dma_start3A_1303] : memref<16384x128xf32, #tpu.memory_space<hbm>> -> memref<32x128xf32, #tpu.memory_space<hbm>>
    %dma_start3A_1305 = arith.constant 288 : i32
    %dma_start3A_1306 = arith.constant 0 : i32
    %dma_start3A_1307 = tpu.memref_slice %arg6[%dma_start3A_1305, %dma_start3A_1306] : memref<512x128xf32, #tpu.memory_space<vmem>> -> memref<32x128xf32, #tpu.memory_space<vmem>>
    tpu.enqueue_dma source(%dma_start3A_1307 : memref<32x128xf32, #tpu.memory_space<vmem>>) target(%dma_start3A_1304 : memref<32x128xf32, #tpu.memory_space<hbm>>) target_semaphore(%arg10 : memref<!tpu.dma_semaphore, #tpu.memory_space<semaphore_mem>>)
    %dma_wait3A_1308 = arith.constant 10 : i32
    %dma_wait3A_1309 = arith.constant 10 : i32
    %dma_wait3A_1310 = arith.constant 320 : i32
    %dma_wait3A_1311 = arith.constant 0 : i32
    %dma_wait3A_1312 = tpu.memref_slice %arg6[%dma_wait3A_1310, %dma_wait3A_1311] : memref<512x128xf32, #tpu.memory_space<vmem>> -> memref<32x128xf32, #tpu.memory_space<vmem>>
    %dma_wait3A_1313 = arith.constant 0 : i32
    %dma_wait3A_1314 = tpu.memref_slice %arg5[%dma_wait3A_1308, %dma_wait3A_1313] : memref<16x32xi32, #tpu.memory_space<vmem>> -> memref<1x32xi32, #tpu.memory_space<vmem>>
    %dma_wait3A_1315 = tpu.memref_squeeze %dma_wait3A_1314 : memref<1x32xi32, #tpu.memory_space<vmem>> -> memref<32xi32, #tpu.memory_space<vmem>>
    %dma_wait3A_1316 = arith.constant 0 : i32
    %dma_wait3A_1317 = arith.constant 0 : i32
    %dma_wait3A_1318 = tpu.memref_slice %arg8[%dma_wait3A_1316, %dma_wait3A_1317] : memref<64x128xf32, #tpu.memory_space<vmem_shared>> -> memref<64x128xf32, #tpu.memory_space<vmem_shared>>
    %dma_wait3A_1319 = tpu.memref_slice %arg9[%dma_wait3A_1309] : memref<16x!tpu.dma_semaphore, #tpu.memory_space<semaphore_mem>> -> memref<1x!tpu.dma_semaphore, #tpu.memory_space<semaphore_mem>>
    %dma_wait3A_1320 = tpu.memref_squeeze %dma_wait3A_1319 : memref<1x!tpu.dma_semaphore, #tpu.memory_space<semaphore_mem>> -> memref<!tpu.dma_semaphore, #tpu.memory_space<semaphore_mem>>
    tpu.wait_indirect_dma semaphore(%dma_wait3A_1320 : memref<!tpu.dma_semaphore, #tpu.memory_space<semaphore_mem>>) src(%dma_wait3A_1318 : memref<64x128xf32, #tpu.memory_space<vmem_shared>>) dst(%dma_wait3A_1312 : memref<32x128xf32, #tpu.memory_space<vmem>>)
    %add3A_1321 = arith.constant 320 : i32
    %add3A_1322 = arith.addi %mul3A_2, %add3A_1321 : i32
    %dma_start3A_1323 = arith.constant 320 : i32
    %dma_start3A_1324 = arith.constant 0 : i32
    %dma_start3A_1325 = tpu.memref_slice %arg6[%dma_start3A_1323, %dma_start3A_1324] : memref<512x128xf32, #tpu.memory_space<vmem>> -> memref<32x128xf32, #tpu.memory_space<vmem>>
    %dma_start3A_1326 = arith.constant 0 : i32
    %dma_start3A_1327 = tpu.memref_slice %arg4[%add3A_1322, %dma_start3A_1326] : memref<16384x128xf32, #tpu.memory_space<hbm>> -> memref<32x128xf32, #tpu.memory_space<hbm>>
    %dma_start3A_1328 = arith.constant 0 : i32
    %dma_start3A_1329 = tpu.memref_slice %arg4[%add3A_1322, %dma_start3A_1328] : memref<16384x128xf32, #tpu.memory_space<hbm>> -> memref<32x128xf32, #tpu.memory_space<hbm>>
    %dma_start3A_1330 = arith.constant 320 : i32
    %dma_start3A_1331 = arith.constant 0 : i32
    %dma_start3A_1332 = tpu.memref_slice %arg6[%dma_start3A_1330, %dma_start3A_1331] : memref<512x128xf32, #tpu.memory_space<vmem>> -> memref<32x128xf32, #tpu.memory_space<vmem>>
    tpu.enqueue_dma source(%dma_start3A_1332 : memref<32x128xf32, #tpu.memory_space<vmem>>) target(%dma_start3A_1329 : memref<32x128xf32, #tpu.memory_space<hbm>>) target_semaphore(%arg10 : memref<!tpu.dma_semaphore, #tpu.memory_space<semaphore_mem>>)
    %dma_wait3A_1333 = arith.constant 11 : i32
    %dma_wait3A_1334 = arith.constant 11 : i32
    %dma_wait3A_1335 = arith.constant 352 : i32
    %dma_wait3A_1336 = arith.constant 0 : i32
    %dma_wait3A_1337 = tpu.memref_slice %arg6[%dma_wait3A_1335, %dma_wait3A_1336] : memref<512x128xf32, #tpu.memory_space<vmem>> -> memref<32x128xf32, #tpu.memory_space<vmem>>
    %dma_wait3A_1338 = arith.constant 0 : i32
    %dma_wait3A_1339 = tpu.memref_slice %arg5[%dma_wait3A_1333, %dma_wait3A_1338] : memref<16x32xi32, #tpu.memory_space<vmem>> -> memref<1x32xi32, #tpu.memory_space<vmem>>
    %dma_wait3A_1340 = tpu.memref_squeeze %dma_wait3A_1339 : memref<1x32xi32, #tpu.memory_space<vmem>> -> memref<32xi32, #tpu.memory_space<vmem>>
    %dma_wait3A_1341 = arith.constant 0 : i32
    %dma_wait3A_1342 = arith.constant 0 : i32
    %dma_wait3A_1343 = tpu.memref_slice %arg8[%dma_wait3A_1341, %dma_wait3A_1342] : memref<64x128xf32, #tpu.memory_space<vmem_shared>> -> memref<64x128xf32, #tpu.memory_space<vmem_shared>>
    %dma_wait3A_1344 = tpu.memref_slice %arg9[%dma_wait3A_1334] : memref<16x!tpu.dma_semaphore, #tpu.memory_space<semaphore_mem>> -> memref<1x!tpu.dma_semaphore, #tpu.memory_space<semaphore_mem>>
    %dma_wait3A_1345 = tpu.memref_squeeze %dma_wait3A_1344 : memref<1x!tpu.dma_semaphore, #tpu.memory_space<semaphore_mem>> -> memref<!tpu.dma_semaphore, #tpu.memory_space<semaphore_mem>>
    tpu.wait_indirect_dma semaphore(%dma_wait3A_1345 : memref<!tpu.dma_semaphore, #tpu.memory_space<semaphore_mem>>) src(%dma_wait3A_1343 : memref<64x128xf32, #tpu.memory_space<vmem_shared>>) dst(%dma_wait3A_1337 : memref<32x128xf32, #tpu.memory_space<vmem>>)
    %add3A_1346 = arith.constant 352 : i32
    %add3A_1347 = arith.addi %mul3A_2, %add3A_1346 : i32
    %dma_start3A_1348 = arith.constant 352 : i32
    %dma_start3A_1349 = arith.constant 0 : i32
    %dma_start3A_1350 = tpu.memref_slice %arg6[%dma_start3A_1348, %dma_start3A_1349] : memref<512x128xf32, #tpu.memory_space<vmem>> -> memref<32x128xf32, #tpu.memory_space<vmem>>
    %dma_start3A_1351 = arith.constant 0 : i32
    %dma_start3A_1352 = tpu.memref_slice %arg4[%add3A_1347, %dma_start3A_1351] : memref<16384x128xf32, #tpu.memory_space<hbm>> -> memref<32x128xf32, #tpu.memory_space<hbm>>
    %dma_start3A_1353 = arith.constant 0 : i32
    %dma_start3A_1354 = tpu.memref_slice %arg4[%add3A_1347, %dma_start3A_1353] : memref<16384x128xf32, #tpu.memory_space<hbm>> -> memref<32x128xf32, #tpu.memory_space<hbm>>
    %dma_start3A_1355 = arith.constant 352 : i32
    %dma_start3A_1356 = arith.constant 0 : i32
    %dma_start3A_1357 = tpu.memref_slice %arg6[%dma_start3A_1355, %dma_start3A_1356] : memref<512x128xf32, #tpu.memory_space<vmem>> -> memref<32x128xf32, #tpu.memory_space<vmem>>
    tpu.enqueue_dma source(%dma_start3A_1357 : memref<32x128xf32, #tpu.memory_space<vmem>>) target(%dma_start3A_1354 : memref<32x128xf32, #tpu.memory_space<hbm>>) target_semaphore(%arg10 : memref<!tpu.dma_semaphore, #tpu.memory_space<semaphore_mem>>)
    %dma_wait3A_1358 = arith.constant 12 : i32
    %dma_wait3A_1359 = arith.constant 12 : i32
    %dma_wait3A_1360 = arith.constant 384 : i32
    %dma_wait3A_1361 = arith.constant 0 : i32
    %dma_wait3A_1362 = tpu.memref_slice %arg6[%dma_wait3A_1360, %dma_wait3A_1361] : memref<512x128xf32, #tpu.memory_space<vmem>> -> memref<32x128xf32, #tpu.memory_space<vmem>>
    %dma_wait3A_1363 = arith.constant 0 : i32
    %dma_wait3A_1364 = tpu.memref_slice %arg5[%dma_wait3A_1358, %dma_wait3A_1363] : memref<16x32xi32, #tpu.memory_space<vmem>> -> memref<1x32xi32, #tpu.memory_space<vmem>>
    %dma_wait3A_1365 = tpu.memref_squeeze %dma_wait3A_1364 : memref<1x32xi32, #tpu.memory_space<vmem>> -> memref<32xi32, #tpu.memory_space<vmem>>
    %dma_wait3A_1366 = arith.constant 0 : i32
    %dma_wait3A_1367 = arith.constant 0 : i32
    %dma_wait3A_1368 = tpu.memref_slice %arg8[%dma_wait3A_1366, %dma_wait3A_1367] : memref<64x128xf32, #tpu.memory_space<vmem_shared>> -> memref<64x128xf32, #tpu.memory_space<vmem_shared>>
    %dma_wait3A_1369 = tpu.memref_slice %arg9[%dma_wait3A_1359] : memref<16x!tpu.dma_semaphore, #tpu.memory_space<semaphore_mem>> -> memref<1x!tpu.dma_semaphore, #tpu.memory_space<semaphore_mem>>
    %dma_wait3A_1370 = tpu.memref_squeeze %dma_wait3A_1369 : memref<1x!tpu.dma_semaphore, #tpu.memory_space<semaphore_mem>> -> memref<!tpu.dma_semaphore, #tpu.memory_space<semaphore_mem>>
    tpu.wait_indirect_dma semaphore(%dma_wait3A_1370 : memref<!tpu.dma_semaphore, #tpu.memory_space<semaphore_mem>>) src(%dma_wait3A_1368 : memref<64x128xf32, #tpu.memory_space<vmem_shared>>) dst(%dma_wait3A_1362 : memref<32x128xf32, #tpu.memory_space<vmem>>)
    %add3A_1371 = arith.constant 384 : i32
    %add3A_1372 = arith.addi %mul3A_2, %add3A_1371 : i32
    %dma_start3A_1373 = arith.constant 384 : i32
    %dma_start3A_1374 = arith.constant 0 : i32
    %dma_start3A_1375 = tpu.memref_slice %arg6[%dma_start3A_1373, %dma_start3A_1374] : memref<512x128xf32, #tpu.memory_space<vmem>> -> memref<32x128xf32, #tpu.memory_space<vmem>>
    %dma_start3A_1376 = arith.constant 0 : i32
    %dma_start3A_1377 = tpu.memref_slice %arg4[%add3A_1372, %dma_start3A_1376] : memref<16384x128xf32, #tpu.memory_space<hbm>> -> memref<32x128xf32, #tpu.memory_space<hbm>>
    %dma_start3A_1378 = arith.constant 0 : i32
    %dma_start3A_1379 = tpu.memref_slice %arg4[%add3A_1372, %dma_start3A_1378] : memref<16384x128xf32, #tpu.memory_space<hbm>> -> memref<32x128xf32, #tpu.memory_space<hbm>>
    %dma_start3A_1380 = arith.constant 384 : i32
    %dma_start3A_1381 = arith.constant 0 : i32
    %dma_start3A_1382 = tpu.memref_slice %arg6[%dma_start3A_1380, %dma_start3A_1381] : memref<512x128xf32, #tpu.memory_space<vmem>> -> memref<32x128xf32, #tpu.memory_space<vmem>>
    tpu.enqueue_dma source(%dma_start3A_1382 : memref<32x128xf32, #tpu.memory_space<vmem>>) target(%dma_start3A_1379 : memref<32x128xf32, #tpu.memory_space<hbm>>) target_semaphore(%arg10 : memref<!tpu.dma_semaphore, #tpu.memory_space<semaphore_mem>>)
    %dma_wait3A_1383 = arith.constant 13 : i32
    %dma_wait3A_1384 = arith.constant 13 : i32
    %dma_wait3A_1385 = arith.constant 416 : i32
    %dma_wait3A_1386 = arith.constant 0 : i32
    %dma_wait3A_1387 = tpu.memref_slice %arg6[%dma_wait3A_1385, %dma_wait3A_1386] : memref<512x128xf32, #tpu.memory_space<vmem>> -> memref<32x128xf32, #tpu.memory_space<vmem>>
    %dma_wait3A_1388 = arith.constant 0 : i32
    %dma_wait3A_1389 = tpu.memref_slice %arg5[%dma_wait3A_1383, %dma_wait3A_1388] : memref<16x32xi32, #tpu.memory_space<vmem>> -> memref<1x32xi32, #tpu.memory_space<vmem>>
    %dma_wait3A_1390 = tpu.memref_squeeze %dma_wait3A_1389 : memref<1x32xi32, #tpu.memory_space<vmem>> -> memref<32xi32, #tpu.memory_space<vmem>>
    %dma_wait3A_1391 = arith.constant 0 : i32
    %dma_wait3A_1392 = arith.constant 0 : i32
    %dma_wait3A_1393 = tpu.memref_slice %arg8[%dma_wait3A_1391, %dma_wait3A_1392] : memref<64x128xf32, #tpu.memory_space<vmem_shared>> -> memref<64x128xf32, #tpu.memory_space<vmem_shared>>
    %dma_wait3A_1394 = tpu.memref_slice %arg9[%dma_wait3A_1384] : memref<16x!tpu.dma_semaphore, #tpu.memory_space<semaphore_mem>> -> memref<1x!tpu.dma_semaphore, #tpu.memory_space<semaphore_mem>>
    %dma_wait3A_1395 = tpu.memref_squeeze %dma_wait3A_1394 : memref<1x!tpu.dma_semaphore, #tpu.memory_space<semaphore_mem>> -> memref<!tpu.dma_semaphore, #tpu.memory_space<semaphore_mem>>
    tpu.wait_indirect_dma semaphore(%dma_wait3A_1395 : memref<!tpu.dma_semaphore, #tpu.memory_space<semaphore_mem>>) src(%dma_wait3A_1393 : memref<64x128xf32, #tpu.memory_space<vmem_shared>>) dst(%dma_wait3A_1387 : memref<32x128xf32, #tpu.memory_space<vmem>>)
    %add3A_1396 = arith.constant 416 : i32
    %add3A_1397 = arith.addi %mul3A_2, %add3A_1396 : i32
    %dma_start3A_1398 = arith.constant 416 : i32
    %dma_start3A_1399 = arith.constant 0 : i32
    %dma_start3A_1400 = tpu.memref_slice %arg6[%dma_start3A_1398, %dma_start3A_1399] : memref<512x128xf32, #tpu.memory_space<vmem>> -> memref<32x128xf32, #tpu.memory_space<vmem>>
    %dma_start3A_1401 = arith.constant 0 : i32
    %dma_start3A_1402 = tpu.memref_slice %arg4[%add3A_1397, %dma_start3A_1401] : memref<16384x128xf32, #tpu.memory_space<hbm>> -> memref<32x128xf32, #tpu.memory_space<hbm>>
    %dma_start3A_1403 = arith.constant 0 : i32
    %dma_start3A_1404 = tpu.memref_slice %arg4[%add3A_1397, %dma_start3A_1403] : memref<16384x128xf32, #tpu.memory_space<hbm>> -> memref<32x128xf32, #tpu.memory_space<hbm>>
    %dma_start3A_1405 = arith.constant 416 : i32
    %dma_start3A_1406 = arith.constant 0 : i32
    %dma_start3A_1407 = tpu.memref_slice %arg6[%dma_start3A_1405, %dma_start3A_1406] : memref<512x128xf32, #tpu.memory_space<vmem>> -> memref<32x128xf32, #tpu.memory_space<vmem>>
    tpu.enqueue_dma source(%dma_start3A_1407 : memref<32x128xf32, #tpu.memory_space<vmem>>) target(%dma_start3A_1404 : memref<32x128xf32, #tpu.memory_space<hbm>>) target_semaphore(%arg10 : memref<!tpu.dma_semaphore, #tpu.memory_space<semaphore_mem>>)
    %dma_wait3A_1408 = arith.constant 14 : i32
    %dma_wait3A_1409 = arith.constant 14 : i32
    %dma_wait3A_1410 = arith.constant 448 : i32
    %dma_wait3A_1411 = arith.constant 0 : i32
    %dma_wait3A_1412 = tpu.memref_slice %arg6[%dma_wait3A_1410, %dma_wait3A_1411] : memref<512x128xf32, #tpu.memory_space<vmem>> -> memref<32x128xf32, #tpu.memory_space<vmem>>
    %dma_wait3A_1413 = arith.constant 0 : i32
    %dma_wait3A_1414 = tpu.memref_slice %arg5[%dma_wait3A_1408, %dma_wait3A_1413] : memref<16x32xi32, #tpu.memory_space<vmem>> -> memref<1x32xi32, #tpu.memory_space<vmem>>
    %dma_wait3A_1415 = tpu.memref_squeeze %dma_wait3A_1414 : memref<1x32xi32, #tpu.memory_space<vmem>> -> memref<32xi32, #tpu.memory_space<vmem>>
    %dma_wait3A_1416 = arith.constant 0 : i32
    %dma_wait3A_1417 = arith.constant 0 : i32
    %dma_wait3A_1418 = tpu.memref_slice %arg8[%dma_wait3A_1416, %dma_wait3A_1417] : memref<64x128xf32, #tpu.memory_space<vmem_shared>> -> memref<64x128xf32, #tpu.memory_space<vmem_shared>>
    %dma_wait3A_1419 = tpu.memref_slice %arg9[%dma_wait3A_1409] : memref<16x!tpu.dma_semaphore, #tpu.memory_space<semaphore_mem>> -> memref<1x!tpu.dma_semaphore, #tpu.memory_space<semaphore_mem>>
    %dma_wait3A_1420 = tpu.memref_squeeze %dma_wait3A_1419 : memref<1x!tpu.dma_semaphore, #tpu.memory_space<semaphore_mem>> -> memref<!tpu.dma_semaphore, #tpu.memory_space<semaphore_mem>>
    tpu.wait_indirect_dma semaphore(%dma_wait3A_1420 : memref<!tpu.dma_semaphore, #tpu.memory_space<semaphore_mem>>) src(%dma_wait3A_1418 : memref<64x128xf32, #tpu.memory_space<vmem_shared>>) dst(%dma_wait3A_1412 : memref<32x128xf32, #tpu.memory_space<vmem>>)
    %add3A_1421 = arith.constant 448 : i32
    %add3A_1422 = arith.addi %mul3A_2, %add3A_1421 : i32
    %dma_start3A_1423 = arith.constant 448 : i32
    %dma_start3A_1424 = arith.constant 0 : i32
    %dma_start3A_1425 = tpu.memref_slice %arg6[%dma_start3A_1423, %dma_start3A_1424] : memref<512x128xf32, #tpu.memory_space<vmem>> -> memref<32x128xf32, #tpu.memory_space<vmem>>
    %dma_start3A_1426 = arith.constant 0 : i32
    %dma_start3A_1427 = tpu.memref_slice %arg4[%add3A_1422, %dma_start3A_1426] : memref<16384x128xf32, #tpu.memory_space<hbm>> -> memref<32x128xf32, #tpu.memory_space<hbm>>
    %dma_start3A_1428 = arith.constant 0 : i32
    %dma_start3A_1429 = tpu.memref_slice %arg4[%add3A_1422, %dma_start3A_1428] : memref<16384x128xf32, #tpu.memory_space<hbm>> -> memref<32x128xf32, #tpu.memory_space<hbm>>
    %dma_start3A_1430 = arith.constant 448 : i32
    %dma_start3A_1431 = arith.constant 0 : i32
    %dma_start3A_1432 = tpu.memref_slice %arg6[%dma_start3A_1430, %dma_start3A_1431] : memref<512x128xf32, #tpu.memory_space<vmem>> -> memref<32x128xf32, #tpu.memory_space<vmem>>
    tpu.enqueue_dma source(%dma_start3A_1432 : memref<32x128xf32, #tpu.memory_space<vmem>>) target(%dma_start3A_1429 : memref<32x128xf32, #tpu.memory_space<hbm>>) target_semaphore(%arg10 : memref<!tpu.dma_semaphore, #tpu.memory_space<semaphore_mem>>)
    %dma_wait3A_1433 = arith.constant 15 : i32
    %dma_wait3A_1434 = arith.constant 15 : i32
    %dma_wait3A_1435 = arith.constant 480 : i32
    %dma_wait3A_1436 = arith.constant 0 : i32
    %dma_wait3A_1437 = tpu.memref_slice %arg6[%dma_wait3A_1435, %dma_wait3A_1436] : memref<512x128xf32, #tpu.memory_space<vmem>> -> memref<32x128xf32, #tpu.memory_space<vmem>>
    %dma_wait3A_1438 = arith.constant 0 : i32
    %dma_wait3A_1439 = tpu.memref_slice %arg5[%dma_wait3A_1433, %dma_wait3A_1438] : memref<16x32xi32, #tpu.memory_space<vmem>> -> memref<1x32xi32, #tpu.memory_space<vmem>>
    %dma_wait3A_1440 = tpu.memref_squeeze %dma_wait3A_1439 : memref<1x32xi32, #tpu.memory_space<vmem>> -> memref<32xi32, #tpu.memory_space<vmem>>
    %dma_wait3A_1441 = arith.constant 0 : i32
    %dma_wait3A_1442 = arith.constant 0 : i32
    %dma_wait3A_1443 = tpu.memref_slice %arg8[%dma_wait3A_1441, %dma_wait3A_1442] : memref<64x128xf32, #tpu.memory_space<vmem_shared>> -> memref<64x128xf32, #tpu.memory_space<vmem_shared>>
    %dma_wait3A_1444 = tpu.memref_slice %arg9[%dma_wait3A_1434] : memref<16x!tpu.dma_semaphore, #tpu.memory_space<semaphore_mem>> -> memref<1x!tpu.dma_semaphore, #tpu.memory_space<semaphore_mem>>
    %dma_wait3A_1445 = tpu.memref_squeeze %dma_wait3A_1444 : memref<1x!tpu.dma_semaphore, #tpu.memory_space<semaphore_mem>> -> memref<!tpu.dma_semaphore, #tpu.memory_space<semaphore_mem>>
    tpu.wait_indirect_dma semaphore(%dma_wait3A_1445 : memref<!tpu.dma_semaphore, #tpu.memory_space<semaphore_mem>>) src(%dma_wait3A_1443 : memref<64x128xf32, #tpu.memory_space<vmem_shared>>) dst(%dma_wait3A_1437 : memref<32x128xf32, #tpu.memory_space<vmem>>)
    %add3A_1446 = arith.constant 480 : i32
    %add3A_1447 = arith.addi %mul3A_2, %add3A_1446 : i32
    %dma_start3A_1448 = arith.constant 480 : i32
    %dma_start3A_1449 = arith.constant 0 : i32
    %dma_start3A_1450 = tpu.memref_slice %arg6[%dma_start3A_1448, %dma_start3A_1449] : memref<512x128xf32, #tpu.memory_space<vmem>> -> memref<32x128xf32, #tpu.memory_space<vmem>>
    %dma_start3A_1451 = arith.constant 0 : i32
    %dma_start3A_1452 = tpu.memref_slice %arg4[%add3A_1447, %dma_start3A_1451] : memref<16384x128xf32, #tpu.memory_space<hbm>> -> memref<32x128xf32, #tpu.memory_space<hbm>>
    %dma_start3A_1453 = arith.constant 0 : i32
    %dma_start3A_1454 = tpu.memref_slice %arg4[%add3A_1447, %dma_start3A_1453] : memref<16384x128xf32, #tpu.memory_space<hbm>> -> memref<32x128xf32, #tpu.memory_space<hbm>>
    %dma_start3A_1455 = arith.constant 480 : i32
    %dma_start3A_1456 = arith.constant 0 : i32
    %dma_start3A_1457 = tpu.memref_slice %arg6[%dma_start3A_1455, %dma_start3A_1456] : memref<512x128xf32, #tpu.memory_space<vmem>> -> memref<32x128xf32, #tpu.memory_space<vmem>>
    tpu.enqueue_dma source(%dma_start3A_1457 : memref<32x128xf32, #tpu.memory_space<vmem>>) target(%dma_start3A_1454 : memref<32x128xf32, #tpu.memory_space<hbm>>) target_semaphore(%arg10 : memref<!tpu.dma_semaphore, #tpu.memory_space<semaphore_mem>>)
    %dma_wait3A_1458 = arith.constant 0 : i32
    %dma_wait3A_1459 = arith.constant 0 : i32
    %dma_wait3A_1460 = tpu.memref_slice %arg6[%dma_wait3A_1458, %dma_wait3A_1459] : memref<512x128xf32, #tpu.memory_space<vmem>> -> memref<32x128xf32, #tpu.memory_space<vmem>>
    %dma_wait3A_1461 = arith.constant 0 : i32
    %dma_wait3A_1462 = tpu.memref_slice %arg4[%add3A_1072, %dma_wait3A_1461] : memref<16384x128xf32, #tpu.memory_space<hbm>> -> memref<32x128xf32, #tpu.memory_space<hbm>>
    %dma_wait3A_1463 = arith.constant 0 : i32
    %dma_wait3A_1464 = tpu.memref_slice %arg4[%add3A_1072, %dma_wait3A_1463] : memref<16384x128xf32, #tpu.memory_space<hbm>> -> memref<32x128xf32, #tpu.memory_space<hbm>>
    %dma_wait3A_1465 = arith.constant 0 : i32
    %dma_wait3A_1466 = arith.constant 0 : i32
    %dma_wait3A_1467 = tpu.memref_slice %arg6[%dma_wait3A_1465, %dma_wait3A_1466] : memref<512x128xf32, #tpu.memory_space<vmem>> -> memref<32x128xf32, #tpu.memory_space<vmem>>
    tpu.wait_dma2 semaphore(%arg10 : memref<!tpu.dma_semaphore, #tpu.memory_space<semaphore_mem>>) src(%dma_wait3A_1467 : memref<32x128xf32, #tpu.memory_space<vmem>>) dst(%dma_wait3A_1464 : memref<32x128xf32, #tpu.memory_space<hbm>>)
    %dma_wait3A_1468 = arith.constant 32 : i32
    %dma_wait3A_1469 = arith.constant 0 : i32
    %dma_wait3A_1470 = tpu.memref_slice %arg6[%dma_wait3A_1468, %dma_wait3A_1469] : memref<512x128xf32, #tpu.memory_space<vmem>> -> memref<32x128xf32, #tpu.memory_space<vmem>>
    %dma_wait3A_1471 = arith.constant 0 : i32
    %dma_wait3A_1472 = tpu.memref_slice %arg4[%add3A_1097, %dma_wait3A_1471] : memref<16384x128xf32, #tpu.memory_space<hbm>> -> memref<32x128xf32, #tpu.memory_space<hbm>>
    %dma_wait3A_1473 = arith.constant 0 : i32
    %dma_wait3A_1474 = tpu.memref_slice %arg4[%add3A_1097, %dma_wait3A_1473] : memref<16384x128xf32, #tpu.memory_space<hbm>> -> memref<32x128xf32, #tpu.memory_space<hbm>>
    %dma_wait3A_1475 = arith.constant 32 : i32
    %dma_wait3A_1476 = arith.constant 0 : i32
    %dma_wait3A_1477 = tpu.memref_slice %arg6[%dma_wait3A_1475, %dma_wait3A_1476] : memref<512x128xf32, #tpu.memory_space<vmem>> -> memref<32x128xf32, #tpu.memory_space<vmem>>
    tpu.wait_dma2 semaphore(%arg10 : memref<!tpu.dma_semaphore, #tpu.memory_space<semaphore_mem>>) src(%dma_wait3A_1477 : memref<32x128xf32, #tpu.memory_space<vmem>>) dst(%dma_wait3A_1474 : memref<32x128xf32, #tpu.memory_space<hbm>>)
    %dma_wait3A_1478 = arith.constant 64 : i32
    %dma_wait3A_1479 = arith.constant 0 : i32
    %dma_wait3A_1480 = tpu.memref_slice %arg6[%dma_wait3A_1478, %dma_wait3A_1479] : memref<512x128xf32, #tpu.memory_space<vmem>> -> memref<32x128xf32, #tpu.memory_space<vmem>>
    %dma_wait3A_1481 = arith.constant 0 : i32
    %dma_wait3A_1482 = tpu.memref_slice %arg4[%add3A_1122, %dma_wait3A_1481] : memref<16384x128xf32, #tpu.memory_space<hbm>> -> memref<32x128xf32, #tpu.memory_space<hbm>>
    %dma_wait3A_1483 = arith.constant 0 : i32
    %dma_wait3A_1484 = tpu.memref_slice %arg4[%add3A_1122, %dma_wait3A_1483] : memref<16384x128xf32, #tpu.memory_space<hbm>> -> memref<32x128xf32, #tpu.memory_space<hbm>>
    %dma_wait3A_1485 = arith.constant 64 : i32
    %dma_wait3A_1486 = arith.constant 0 : i32
    %dma_wait3A_1487 = tpu.memref_slice %arg6[%dma_wait3A_1485, %dma_wait3A_1486] : memref<512x128xf32, #tpu.memory_space<vmem>> -> memref<32x128xf32, #tpu.memory_space<vmem>>
    tpu.wait_dma2 semaphore(%arg10 : memref<!tpu.dma_semaphore, #tpu.memory_space<semaphore_mem>>) src(%dma_wait3A_1487 : memref<32x128xf32, #tpu.memory_space<vmem>>) dst(%dma_wait3A_1484 : memref<32x128xf32, #tpu.memory_space<hbm>>)
    %dma_wait3A_1488 = arith.constant 96 : i32
    %dma_wait3A_1489 = arith.constant 0 : i32
    %dma_wait3A_1490 = tpu.memref_slice %arg6[%dma_wait3A_1488, %dma_wait3A_1489] : memref<512x128xf32, #tpu.memory_space<vmem>> -> memref<32x128xf32, #tpu.memory_space<vmem>>
    %dma_wait3A_1491 = arith.constant 0 : i32
    %dma_wait3A_1492 = tpu.memref_slice %arg4[%add3A_1147, %dma_wait3A_1491] : memref<16384x128xf32, #tpu.memory_space<hbm>> -> memref<32x128xf32, #tpu.memory_space<hbm>>
    %dma_wait3A_1493 = arith.constant 0 : i32
    %dma_wait3A_1494 = tpu.memref_slice %arg4[%add3A_1147, %dma_wait3A_1493] : memref<16384x128xf32, #tpu.memory_space<hbm>> -> memref<32x128xf32, #tpu.memory_space<hbm>>
    %dma_wait3A_1495 = arith.constant 96 : i32
    %dma_wait3A_1496 = arith.constant 0 : i32
    %dma_wait3A_1497 = tpu.memref_slice %arg6[%dma_wait3A_1495, %dma_wait3A_1496] : memref<512x128xf32, #tpu.memory_space<vmem>> -> memref<32x128xf32, #tpu.memory_space<vmem>>
    tpu.wait_dma2 semaphore(%arg10 : memref<!tpu.dma_semaphore, #tpu.memory_space<semaphore_mem>>) src(%dma_wait3A_1497 : memref<32x128xf32, #tpu.memory_space<vmem>>) dst(%dma_wait3A_1494 : memref<32x128xf32, #tpu.memory_space<hbm>>)
    %dma_wait3A_1498 = arith.constant 128 : i32
    %dma_wait3A_1499 = arith.constant 0 : i32
    %dma_wait3A_1500 = tpu.memref_slice %arg6[%dma_wait3A_1498, %dma_wait3A_1499] : memref<512x128xf32, #tpu.memory_space<vmem>> -> memref<32x128xf32, #tpu.memory_space<vmem>>
    %dma_wait3A_1501 = arith.constant 0 : i32
    %dma_wait3A_1502 = tpu.memref_slice %arg4[%add3A_1172, %dma_wait3A_1501] : memref<16384x128xf32, #tpu.memory_space<hbm>> -> memref<32x128xf32, #tpu.memory_space<hbm>>
    %dma_wait3A_1503 = arith.constant 0 : i32
    %dma_wait3A_1504 = tpu.memref_slice %arg4[%add3A_1172, %dma_wait3A_1503] : memref<16384x128xf32, #tpu.memory_space<hbm>> -> memref<32x128xf32, #tpu.memory_space<hbm>>
    %dma_wait3A_1505 = arith.constant 128 : i32
    %dma_wait3A_1506 = arith.constant 0 : i32
    %dma_wait3A_1507 = tpu.memref_slice %arg6[%dma_wait3A_1505, %dma_wait3A_1506] : memref<512x128xf32, #tpu.memory_space<vmem>> -> memref<32x128xf32, #tpu.memory_space<vmem>>
    tpu.wait_dma2 semaphore(%arg10 : memref<!tpu.dma_semaphore, #tpu.memory_space<semaphore_mem>>) src(%dma_wait3A_1507 : memref<32x128xf32, #tpu.memory_space<vmem>>) dst(%dma_wait3A_1504 : memref<32x128xf32, #tpu.memory_space<hbm>>)
    %dma_wait3A_1508 = arith.constant 160 : i32
    %dma_wait3A_1509 = arith.constant 0 : i32
    %dma_wait3A_1510 = tpu.memref_slice %arg6[%dma_wait3A_1508, %dma_wait3A_1509] : memref<512x128xf32, #tpu.memory_space<vmem>> -> memref<32x128xf32, #tpu.memory_space<vmem>>
    %dma_wait3A_1511 = arith.constant 0 : i32
    %dma_wait3A_1512 = tpu.memref_slice %arg4[%add3A_1197, %dma_wait3A_1511] : memref<16384x128xf32, #tpu.memory_space<hbm>> -> memref<32x128xf32, #tpu.memory_space<hbm>>
    %dma_wait3A_1513 = arith.constant 0 : i32
    %dma_wait3A_1514 = tpu.memref_slice %arg4[%add3A_1197, %dma_wait3A_1513] : memref<16384x128xf32, #tpu.memory_space<hbm>> -> memref<32x128xf32, #tpu.memory_space<hbm>>
    %dma_wait3A_1515 = arith.constant 160 : i32
    %dma_wait3A_1516 = arith.constant 0 : i32
    %dma_wait3A_1517 = tpu.memref_slice %arg6[%dma_wait3A_1515, %dma_wait3A_1516] : memref<512x128xf32, #tpu.memory_space<vmem>> -> memref<32x128xf32, #tpu.memory_space<vmem>>
    tpu.wait_dma2 semaphore(%arg10 : memref<!tpu.dma_semaphore, #tpu.memory_space<semaphore_mem>>) src(%dma_wait3A_1517 : memref<32x128xf32, #tpu.memory_space<vmem>>) dst(%dma_wait3A_1514 : memref<32x128xf32, #tpu.memory_space<hbm>>)
    %dma_wait3A_1518 = arith.constant 192 : i32
    %dma_wait3A_1519 = arith.constant 0 : i32
    %dma_wait3A_1520 = tpu.memref_slice %arg6[%dma_wait3A_1518, %dma_wait3A_1519] : memref<512x128xf32, #tpu.memory_space<vmem>> -> memref<32x128xf32, #tpu.memory_space<vmem>>
    %dma_wait3A_1521 = arith.constant 0 : i32
    %dma_wait3A_1522 = tpu.memref_slice %arg4[%add3A_1222, %dma_wait3A_1521] : memref<16384x128xf32, #tpu.memory_space<hbm>> -> memref<32x128xf32, #tpu.memory_space<hbm>>
    %dma_wait3A_1523 = arith.constant 0 : i32
    %dma_wait3A_1524 = tpu.memref_slice %arg4[%add3A_1222, %dma_wait3A_1523] : memref<16384x128xf32, #tpu.memory_space<hbm>> -> memref<32x128xf32, #tpu.memory_space<hbm>>
    %dma_wait3A_1525 = arith.constant 192 : i32
    %dma_wait3A_1526 = arith.constant 0 : i32
    %dma_wait3A_1527 = tpu.memref_slice %arg6[%dma_wait3A_1525, %dma_wait3A_1526] : memref<512x128xf32, #tpu.memory_space<vmem>> -> memref<32x128xf32, #tpu.memory_space<vmem>>
    tpu.wait_dma2 semaphore(%arg10 : memref<!tpu.dma_semaphore, #tpu.memory_space<semaphore_mem>>) src(%dma_wait3A_1527 : memref<32x128xf32, #tpu.memory_space<vmem>>) dst(%dma_wait3A_1524 : memref<32x128xf32, #tpu.memory_space<hbm>>)
    %dma_wait3A_1528 = arith.constant 224 : i32
    %dma_wait3A_1529 = arith.constant 0 : i32
    %dma_wait3A_1530 = tpu.memref_slice %arg6[%dma_wait3A_1528, %dma_wait3A_1529] : memref<512x128xf32, #tpu.memory_space<vmem>> -> memref<32x128xf32, #tpu.memory_space<vmem>>
    %dma_wait3A_1531 = arith.constant 0 : i32
    %dma_wait3A_1532 = tpu.memref_slice %arg4[%add3A_1247, %dma_wait3A_1531] : memref<16384x128xf32, #tpu.memory_space<hbm>> -> memref<32x128xf32, #tpu.memory_space<hbm>>
    %dma_wait3A_1533 = arith.constant 0 : i32
    %dma_wait3A_1534 = tpu.memref_slice %arg4[%add3A_1247, %dma_wait3A_1533] : memref<16384x128xf32, #tpu.memory_space<hbm>> -> memref<32x128xf32, #tpu.memory_space<hbm>>
    %dma_wait3A_1535 = arith.constant 224 : i32
    %dma_wait3A_1536 = arith.constant 0 : i32
    %dma_wait3A_1537 = tpu.memref_slice %arg6[%dma_wait3A_1535, %dma_wait3A_1536] : memref<512x128xf32, #tpu.memory_space<vmem>> -> memref<32x128xf32, #tpu.memory_space<vmem>>
    tpu.wait_dma2 semaphore(%arg10 : memref<!tpu.dma_semaphore, #tpu.memory_space<semaphore_mem>>) src(%dma_wait3A_1537 : memref<32x128xf32, #tpu.memory_space<vmem>>) dst(%dma_wait3A_1534 : memref<32x128xf32, #tpu.memory_space<hbm>>)
    %dma_wait3A_1538 = arith.constant 256 : i32
    %dma_wait3A_1539 = arith.constant 0 : i32
    %dma_wait3A_1540 = tpu.memref_slice %arg6[%dma_wait3A_1538, %dma_wait3A_1539] : memref<512x128xf32, #tpu.memory_space<vmem>> -> memref<32x128xf32, #tpu.memory_space<vmem>>
    %dma_wait3A_1541 = arith.constant 0 : i32
    %dma_wait3A_1542 = tpu.memref_slice %arg4[%add3A_1272, %dma_wait3A_1541] : memref<16384x128xf32, #tpu.memory_space<hbm>> -> memref<32x128xf32, #tpu.memory_space<hbm>>
    %dma_wait3A_1543 = arith.constant 0 : i32
    %dma_wait3A_1544 = tpu.memref_slice %arg4[%add3A_1272, %dma_wait3A_1543] : memref<16384x128xf32, #tpu.memory_space<hbm>> -> memref<32x128xf32, #tpu.memory_space<hbm>>
    %dma_wait3A_1545 = arith.constant 256 : i32
    %dma_wait3A_1546 = arith.constant 0 : i32
    %dma_wait3A_1547 = tpu.memref_slice %arg6[%dma_wait3A_1545, %dma_wait3A_1546] : memref<512x128xf32, #tpu.memory_space<vmem>> -> memref<32x128xf32, #tpu.memory_space<vmem>>
    tpu.wait_dma2 semaphore(%arg10 : memref<!tpu.dma_semaphore, #tpu.memory_space<semaphore_mem>>) src(%dma_wait3A_1547 : memref<32x128xf32, #tpu.memory_space<vmem>>) dst(%dma_wait3A_1544 : memref<32x128xf32, #tpu.memory_space<hbm>>)
    %dma_wait3A_1548 = arith.constant 288 : i32
    %dma_wait3A_1549 = arith.constant 0 : i32
    %dma_wait3A_1550 = tpu.memref_slice %arg6[%dma_wait3A_1548, %dma_wait3A_1549] : memref<512x128xf32, #tpu.memory_space<vmem>> -> memref<32x128xf32, #tpu.memory_space<vmem>>
    %dma_wait3A_1551 = arith.constant 0 : i32
    %dma_wait3A_1552 = tpu.memref_slice %arg4[%add3A_1297, %dma_wait3A_1551] : memref<16384x128xf32, #tpu.memory_space<hbm>> -> memref<32x128xf32, #tpu.memory_space<hbm>>
    %dma_wait3A_1553 = arith.constant 0 : i32
    %dma_wait3A_1554 = tpu.memref_slice %arg4[%add3A_1297, %dma_wait3A_1553] : memref<16384x128xf32, #tpu.memory_space<hbm>> -> memref<32x128xf32, #tpu.memory_space<hbm>>
    %dma_wait3A_1555 = arith.constant 288 : i32
    %dma_wait3A_1556 = arith.constant 0 : i32
    %dma_wait3A_1557 = tpu.memref_slice %arg6[%dma_wait3A_1555, %dma_wait3A_1556] : memref<512x128xf32, #tpu.memory_space<vmem>> -> memref<32x128xf32, #tpu.memory_space<vmem>>
    tpu.wait_dma2 semaphore(%arg10 : memref<!tpu.dma_semaphore, #tpu.memory_space<semaphore_mem>>) src(%dma_wait3A_1557 : memref<32x128xf32, #tpu.memory_space<vmem>>) dst(%dma_wait3A_1554 : memref<32x128xf32, #tpu.memory_space<hbm>>)
    %dma_wait3A_1558 = arith.constant 320 : i32
    %dma_wait3A_1559 = arith.constant 0 : i32
    %dma_wait3A_1560 = tpu.memref_slice %arg6[%dma_wait3A_1558, %dma_wait3A_1559] : memref<512x128xf32, #tpu.memory_space<vmem>> -> memref<32x128xf32, #tpu.memory_space<vmem>>
    %dma_wait3A_1561 = arith.constant 0 : i32
    %dma_wait3A_1562 = tpu.memref_slice %arg4[%add3A_1322, %dma_wait3A_1561] : memref<16384x128xf32, #tpu.memory_space<hbm>> -> memref<32x128xf32, #tpu.memory_space<hbm>>
    %dma_wait3A_1563 = arith.constant 0 : i32
    %dma_wait3A_1564 = tpu.memref_slice %arg4[%add3A_1322, %dma_wait3A_1563] : memref<16384x128xf32, #tpu.memory_space<hbm>> -> memref<32x128xf32, #tpu.memory_space<hbm>>
    %dma_wait3A_1565 = arith.constant 320 : i32
    %dma_wait3A_1566 = arith.constant 0 : i32
    %dma_wait3A_1567 = tpu.memref_slice %arg6[%dma_wait3A_1565, %dma_wait3A_1566] : memref<512x128xf32, #tpu.memory_space<vmem>> -> memref<32x128xf32, #tpu.memory_space<vmem>>
    tpu.wait_dma2 semaphore(%arg10 : memref<!tpu.dma_semaphore, #tpu.memory_space<semaphore_mem>>) src(%dma_wait3A_1567 : memref<32x128xf32, #tpu.memory_space<vmem>>) dst(%dma_wait3A_1564 : memref<32x128xf32, #tpu.memory_space<hbm>>)
    %dma_wait3A_1568 = arith.constant 352 : i32
    %dma_wait3A_1569 = arith.constant 0 : i32
    %dma_wait3A_1570 = tpu.memref_slice %arg6[%dma_wait3A_1568, %dma_wait3A_1569] : memref<512x128xf32, #tpu.memory_space<vmem>> -> memref<32x128xf32, #tpu.memory_space<vmem>>
    %dma_wait3A_1571 = arith.constant 0 : i32
    %dma_wait3A_1572 = tpu.memref_slice %arg4[%add3A_1347, %dma_wait3A_1571] : memref<16384x128xf32, #tpu.memory_space<hbm>> -> memref<32x128xf32, #tpu.memory_space<hbm>>
    %dma_wait3A_1573 = arith.constant 0 : i32
    %dma_wait3A_1574 = tpu.memref_slice %arg4[%add3A_1347, %dma_wait3A_1573] : memref<16384x128xf32, #tpu.memory_space<hbm>> -> memref<32x128xf32, #tpu.memory_space<hbm>>
    %dma_wait3A_1575 = arith.constant 352 : i32
    %dma_wait3A_1576 = arith.constant 0 : i32
    %dma_wait3A_1577 = tpu.memref_slice %arg6[%dma_wait3A_1575, %dma_wait3A_1576] : memref<512x128xf32, #tpu.memory_space<vmem>> -> memref<32x128xf32, #tpu.memory_space<vmem>>
    tpu.wait_dma2 semaphore(%arg10 : memref<!tpu.dma_semaphore, #tpu.memory_space<semaphore_mem>>) src(%dma_wait3A_1577 : memref<32x128xf32, #tpu.memory_space<vmem>>) dst(%dma_wait3A_1574 : memref<32x128xf32, #tpu.memory_space<hbm>>)
    %dma_wait3A_1578 = arith.constant 384 : i32
    %dma_wait3A_1579 = arith.constant 0 : i32
    %dma_wait3A_1580 = tpu.memref_slice %arg6[%dma_wait3A_1578, %dma_wait3A_1579] : memref<512x128xf32, #tpu.memory_space<vmem>> -> memref<32x128xf32, #tpu.memory_space<vmem>>
    %dma_wait3A_1581 = arith.constant 0 : i32
    %dma_wait3A_1582 = tpu.memref_slice %arg4[%add3A_1372, %dma_wait3A_1581] : memref<16384x128xf32, #tpu.memory_space<hbm>> -> memref<32x128xf32, #tpu.memory_space<hbm>>
    %dma_wait3A_1583 = arith.constant 0 : i32
    %dma_wait3A_1584 = tpu.memref_slice %arg4[%add3A_1372, %dma_wait3A_1583] : memref<16384x128xf32, #tpu.memory_space<hbm>> -> memref<32x128xf32, #tpu.memory_space<hbm>>
    %dma_wait3A_1585 = arith.constant 384 : i32
    %dma_wait3A_1586 = arith.constant 0 : i32
    %dma_wait3A_1587 = tpu.memref_slice %arg6[%dma_wait3A_1585, %dma_wait3A_1586] : memref<512x128xf32, #tpu.memory_space<vmem>> -> memref<32x128xf32, #tpu.memory_space<vmem>>
    tpu.wait_dma2 semaphore(%arg10 : memref<!tpu.dma_semaphore, #tpu.memory_space<semaphore_mem>>) src(%dma_wait3A_1587 : memref<32x128xf32, #tpu.memory_space<vmem>>) dst(%dma_wait3A_1584 : memref<32x128xf32, #tpu.memory_space<hbm>>)
    %dma_wait3A_1588 = arith.constant 416 : i32
    %dma_wait3A_1589 = arith.constant 0 : i32
    %dma_wait3A_1590 = tpu.memref_slice %arg6[%dma_wait3A_1588, %dma_wait3A_1589] : memref<512x128xf32, #tpu.memory_space<vmem>> -> memref<32x128xf32, #tpu.memory_space<vmem>>
    %dma_wait3A_1591 = arith.constant 0 : i32
    %dma_wait3A_1592 = tpu.memref_slice %arg4[%add3A_1397, %dma_wait3A_1591] : memref<16384x128xf32, #tpu.memory_space<hbm>> -> memref<32x128xf32, #tpu.memory_space<hbm>>
    %dma_wait3A_1593 = arith.constant 0 : i32
    %dma_wait3A_1594 = tpu.memref_slice %arg4[%add3A_1397, %dma_wait3A_1593] : memref<16384x128xf32, #tpu.memory_space<hbm>> -> memref<32x128xf32, #tpu.memory_space<hbm>>
    %dma_wait3A_1595 = arith.constant 416 : i32
    %dma_wait3A_1596 = arith.constant 0 : i32
    %dma_wait3A_1597 = tpu.memref_slice %arg6[%dma_wait3A_1595, %dma_wait3A_1596] : memref<512x128xf32, #tpu.memory_space<vmem>> -> memref<32x128xf32, #tpu.memory_space<vmem>>
    tpu.wait_dma2 semaphore(%arg10 : memref<!tpu.dma_semaphore, #tpu.memory_space<semaphore_mem>>) src(%dma_wait3A_1597 : memref<32x128xf32, #tpu.memory_space<vmem>>) dst(%dma_wait3A_1594 : memref<32x128xf32, #tpu.memory_space<hbm>>)
    %dma_wait3A_1598 = arith.constant 448 : i32
    %dma_wait3A_1599 = arith.constant 0 : i32
    %dma_wait3A_1600 = tpu.memref_slice %arg6[%dma_wait3A_1598, %dma_wait3A_1599] : memref<512x128xf32, #tpu.memory_space<vmem>> -> memref<32x128xf32, #tpu.memory_space<vmem>>
    %dma_wait3A_1601 = arith.constant 0 : i32
    %dma_wait3A_1602 = tpu.memref_slice %arg4[%add3A_1422, %dma_wait3A_1601] : memref<16384x128xf32, #tpu.memory_space<hbm>> -> memref<32x128xf32, #tpu.memory_space<hbm>>
    %dma_wait3A_1603 = arith.constant 0 : i32
    %dma_wait3A_1604 = tpu.memref_slice %arg4[%add3A_1422, %dma_wait3A_1603] : memref<16384x128xf32, #tpu.memory_space<hbm>> -> memref<32x128xf32, #tpu.memory_space<hbm>>
    %dma_wait3A_1605 = arith.constant 448 : i32
    %dma_wait3A_1606 = arith.constant 0 : i32
    %dma_wait3A_1607 = tpu.memref_slice %arg6[%dma_wait3A_1605, %dma_wait3A_1606] : memref<512x128xf32, #tpu.memory_space<vmem>> -> memref<32x128xf32, #tpu.memory_space<vmem>>
    tpu.wait_dma2 semaphore(%arg10 : memref<!tpu.dma_semaphore, #tpu.memory_space<semaphore_mem>>) src(%dma_wait3A_1607 : memref<32x128xf32, #tpu.memory_space<vmem>>) dst(%dma_wait3A_1604 : memref<32x128xf32, #tpu.memory_space<hbm>>)
    %dma_wait3A_1608 = arith.constant 480 : i32
    %dma_wait3A_1609 = arith.constant 0 : i32
    %dma_wait3A_1610 = tpu.memref_slice %arg6[%dma_wait3A_1608, %dma_wait3A_1609] : memref<512x128xf32, #tpu.memory_space<vmem>> -> memref<32x128xf32, #tpu.memory_space<vmem>>
    %dma_wait3A_1611 = arith.constant 0 : i32
    %dma_wait3A_1612 = tpu.memref_slice %arg4[%add3A_1447, %dma_wait3A_1611] : memref<16384x128xf32, #tpu.memory_space<hbm>> -> memref<32x128xf32, #tpu.memory_space<hbm>>
    %dma_wait3A_1613 = arith.constant 0 : i32
    %dma_wait3A_1614 = tpu.memref_slice %arg4[%add3A_1447, %dma_wait3A_1613] : memref<16384x128xf32, #tpu.memory_space<hbm>> -> memref<32x128xf32, #tpu.memory_space<hbm>>
    %dma_wait3A_1615 = arith.constant 480 : i32
    %dma_wait3A_1616 = arith.constant 0 : i32
    %dma_wait3A_1617 = tpu.memref_slice %arg6[%dma_wait3A_1615, %dma_wait3A_1616] : memref<512x128xf32, #tpu.memory_space<vmem>> -> memref<32x128xf32, #tpu.memory_space<vmem>>
    tpu.wait_dma2 semaphore(%arg10 : memref<!tpu.dma_semaphore, #tpu.memory_space<semaphore_mem>>) src(%dma_wait3A_1617 : memref<32x128xf32, #tpu.memory_space<vmem>>) dst(%dma_wait3A_1614 : memref<32x128xf32, #tpu.memory_space<hbm>>)
    return
  }
}

</mosaic_0001>

<sc_bundles>
// kernel: kernel.3.cloned.1.call-start
scs
__scs_entry_jumppad:
0x0: {  	(pc) =	sbr.rel $0x88, $3  }
0x1: {  	(tag) =	ssettag $0x0;
	lr =	simm.s32 $0x1  }
0x2: {  	[smem:$0x3F9F] =	sst lr;
	_ =	strace $0xD0000000  }
0x3: {  	_ = 	snop  }
0x4: {  	_ = 	snop  }
0x5: {  	_ = 	snop  }
0x6: {  	_ = 	snop  }
0x7: {  	_ = 	snop  }
__scs_overlays_trampoline_lowered:
0x8: {  	[smem:$0x3FAE] =	sst s0  }
0x9: {  	[smem:$0x3FAF] =	sst s1  }
0xa: {  	[smem:$0x3FB0] =	sst s2  }
0xb: {  	[smem:$0x3FB1] =	sst s3  }
0xc: {  	[smem:$0x3FB2] =	sst s4  }
0xd: {  	[smem:$0x3FB3] =	sst s5  }
0xe: {  	[smem:$0x3FB4] =	sst s6  }
0xf: {  	[smem:$0x3FB5] =	sst s7  }
0x10: {  	[smem:$0x3FB6] =	sst s8  }
0x11: {  	[smem:$0x3FB7] =	sst s9;
	s0 =	simm.s32 @!p0 $0x0  }
0x12: {  	s1 =	sld [smem:$0x3F9D];
	s0 =	simm.s32 @p0 $0x1  }
0x13: {  	[smem:$0x3FB8] =	sst s0;
	s0 =	simm.s32 @!p1 $0x0  }
0x14: {  	s2 =	sld [smem:$0x3F9C];
	s0 =	simm.s32 @p1 $0x1  }
0x15: {  	[smem:$0x3FB9] =	sst s0;
	s0 =	simm.s32 @!p2 $0x0  }
0x16: {  	s3 =	sld [smem:$0x3FDB];
	s0 =	simm.s32 @p2 $0x1  }
0x17: {  	s4 =	simm.s32 $0x1BF5;
	[smem:$0x3FBB] =	sst s0  }
0x18: {  	s0 =	sld [smem:$0x3F9E];
	_ =	swait.ge [sflag:s4], $0x0  }
0x19: {  	s7 =	sld [smem:$0x3F9F]  }
0x1a: {  	s8 =	sadd.s32 $0xFFFFE003, lr  }
0x1b: {  	s9 =	sadd.s32 $0xFFFFFEF7, lr;
	s5 =	simm.s32 $0xFFFFFFFF;
	p2 =	slt.u32 s8, $0xFFFFF086  }
0x1c: {  	p1 =	slt.u32 s9, $0xF7A;
	s5 =	simm.s32 @!p2 $0x0  }
0x1d: {  	s5 =	simm.s32 @p1 $0x1;
	p0 =	seq.s32 s7, s2  }
0x1e: {  	s7 =	smul.u32 @!p0 $0xF7A, s2;
	p2 =	seq.s32 @!p0 s5, $0x0  }
0x1f: {  	s9 =	smul.u32 $0xF7A, s1;
	s8 =	simm.s32 @!p0 $0x1BF5;
	p2 =	por !p2, p0  }
0x20: {  	[sflag:s8] =	ssyncset.s32 @!p0 $0xFFFFF086;
	s6 =	sadd.s32 @!p0 s3, s7;
	s7 =	simm.s32 @!p0 $0x108  }
0x21: {  	s3 =	sadd.s32 s3, s9;
	s6 =	sadd.s32 @!p0 $0x88, s6;
	s7 =	simm.s32 @p2 $0x1082  }
0x22: {  	[simem:s7], [sflag:s8] =	dma.local @!p0 [hbm:s6], $0xF7A  }
0x23: {  	s9 =	sor.u32 $0xD0000000, s2;
	s6 =	simm.s32 $0x108;
	_ =	swait.ge @!p0 [sflag:s8], $0x0  }
0x24: {  	s3 =	sadd.s32 $0x88, s3;
	s6 =	simm.s32 @!p1 $0x1082;
	[sflag:s4] =	ssyncset.s32 $0xFFFFF086  }
0x25: {  	[simem:s6], [sflag:s4] =	dma.local [hbm:s3], $0xF7A  }
0x26: {  	[smem:$0x3F9F] =	sst s1;
	(tag) =	ssettag s2;
	_ =	strace s9  }
0x27: {  	s1 =	sld [smem:$0x3FAF]  }
0x28: {  	s2 =	sld [smem:$0x3FB0]  }
0x29: {  	s4 =	sld [smem:$0x3FB2]  }
0x2a: {  	p0 =	seq.s32 s5, $0x0;
	s5 =	sld [smem:$0x3FB3]  }
0x2b: {  	s6 =	sld [smem:$0x3FB4]  }
0x2c: {  	s7 =	sld [smem:$0x3FB5]  }
0x2d: {  	s3 =	simm.s32 $0x108;
	s8 =	sld [smem:$0x3FB6]  }
0x2e: {  	s3 =	simm.s32 @!p0 $0x1082;
	s9 =	sld [smem:$0x3FB7]  }
0x2f: {  	lr =	sadd.s32 s0, s3;
	s0 =	sld [smem:$0x3FAE]  }
0x30: {  	s3 =	sld [smem:$0x3FB1]  }
0x31: {  	[smem:$0x3FBA] =	sst s10  }
0x32: {  	s10 =	sld [smem:$0x3FB8];
	_ =	sdelay $0x3  }
0x33: {  	p0 =	seq.s32 s10, $0x1;
	s10 =	sld [smem:$0x3FBA];
	_ =	sdelay $0x3  }
0x34: {  	[smem:$0x3FBA] =	sst s10  }
0x35: {  	s10 =	sld [smem:$0x3FB9];
	_ =	sdelay $0x3  }
0x36: {  	p1 =	seq.s32 s10, $0x1;
	s10 =	sld [smem:$0x3FBA];
	_ =	sdelay $0x3  }
0x37: {  	[smem:$0x3FBA] =	sst s10  }
0x38: {  	s10 =	sld [smem:$0x3FBB]  }
0x39: {  	_ = 	snop;
	(pc) =	sbr.ind lr, $3  }
0x3a: {  	_ = 	snop  }
0x3b: {  	_ = 	snop  }
0x3c: {  	p2 =	seq.s32 s10, $0x1;
	s10 =	sld [smem:$0x3FBA]  }
0x3d: {  	_ =	shalt  }
0x3e: {  	_ =	shalt  }
0x3f: {  	_ =	shalt  }
0x40: {  	_ =	shalt  }
0x41: {  	_ =	shalt  }
0x42: {  	_ =	shalt  }
0x43: {  	_ =	shalt  }
0x44: {  	_ =	shalt  }
0x45: {  	_ =	shalt  }
0x46: {  	_ =	shalt  }
0x47: {  	_ =	shalt  }
0x48: {  	_ =	shalt  }
0x49: {  	_ =	shalt  }
0x4a: {  	_ =	shalt  }
0x4b: {  	_ =	shalt  }
0x4c: {  	_ =	shalt  }
0x4d: {  	_ =	shalt  }
0x4e: {  	_ =	shalt  }
0x4f: {  	_ =	shalt  }
0x50: {  	_ =	shalt  }
0x51: {  	_ =	shalt  }
0x52: {  	_ =	shalt  }
0x53: {  	_ =	shalt  }
0x54: {  	_ =	shalt  }
0x55: {  	_ =	shalt  }
0x56: {  	_ =	shalt  }
0x57: {  	_ =	shalt  }
0x58: {  	_ =	shalt  }
0x59: {  	_ =	shalt  }
0x5a: {  	_ =	shalt  }
0x5b: {  	_ =	shalt  }
0x5c: {  	_ =	shalt  }
0x5d: {  	_ =	shalt  }
0x5e: {  	_ =	shalt  }
0x5f: {  	_ =	shalt  }
0x60: {  	_ =	shalt  }
0x61: {  	_ =	shalt  }
0x62: {  	_ =	shalt  }
0x63: {  	_ =	shalt  }
0x64: {  	_ =	shalt  }
0x65: {  	_ =	shalt  }
0x66: {  	_ =	shalt  }
0x67: {  	_ =	shalt  }
0x68: {  	_ =	shalt  }
0x69: {  	_ =	shalt  }
0x6a: {  	_ =	shalt  }
0x6b: {  	_ =	shalt  }
0x6c: {  	_ =	shalt  }
0x6d: {  	_ =	shalt  }
0x6e: {  	_ =	shalt  }
0x6f: {  	_ =	shalt  }
0x70: {  	_ =	shalt  }
0x71: {  	_ =	shalt  }
0x72: {  	_ =	shalt  }
0x73: {  	_ =	shalt  }
0x74: {  	_ =	shalt  }
0x75: {  	_ =	shalt  }
0x76: {  	_ =	shalt  }
0x77: {  	_ =	shalt  }
0x78: {  	_ =	shalt  }
0x79: {  	_ =	shalt  }
0x7a: {  	_ =	shalt  }
0x7b: {  	_ =	shalt  }
0x7c: {  	_ =	shalt  }
0x7d: {  	_ =	shalt  }
0x7e: {  	_ =	shalt  }
0x7f: {  	_ =	shalt  }
0x80: {  	_ =	shalt  }
0x81: {  	_ =	shalt  }
0x82: {  	_ =	shalt  }
0x83: {  	_ =	shalt  }
0x84: {  	_ =	shalt  }
0x85: {  	_ =	shalt  }
0x86: {  	_ =	shalt  }
0x87: {  	_ =	shalt  }
.Lfunc_end0:
.L_simem_size_0:
called_computation_lowered:
.L_overlay_start_0:
0x88: {  	s2 =	sld [smem:$0x3FD9]  }
0x89: {  	s3 =	sld [smem:$0x3FFE];
	_ =	sdelay $0x1  }
0x8a: {  	s1 =	srdreg.scid  }
0x8b: {  	s0 =	sand.u32 $0x1, s1  }
0x8c: {  	s17 =	sshll.u32 s0, $0xA;
	s2 =	sadd.s32 s3, s2  }
0x8d: {  	s2 =	sadd.s32 s2, s17  }
0x8e: {  	[smem:$0x3FC6] =	sst s2  }
0x8f: {  	_ = 	snop  }
0x90: {  	s2 =	sld [smem:$0x3FC8]  }
0x91: {  	s18 =	sld [smem:$0x3FD0];
	(tm) =	ssettm $0x1  }
0x92: {  	s4 =	sld [smem:$0x3FFB];
	_ =	sdelay $0x3  }
0x93: {  	_ =	strace s4  }
0x94: {  	s4 =	sld [smem:$0x3FFC];
	_ =	sdelay $0x3  }
0x95: {  	_ =	strace s4  }
0x96: {  	s4 =	sld [smem:$0x3FFD];
	_ =	sdelay $0x3  }
0x97: {  	_ =	strace s4  }
0x98: {  	_ =	strace $0x8FFFFFFF  }
0x99: {  	s19 =	sld [smem:$0x3FDB];
	_ =	sdelay $0x1  }
0x9a: {  	s5 =	simm.s32 $_scs_section_size  }
0x9b: {  	s6 =	simm.s32 $_size__tile_overlayer_lowered;
	s7 =	simm.s32 $_tile_overlayer_lowered  }
0x9c: {  	s22 =	simm.s32 $0x1BFF;
	s21 =	sshll.u32 s7, $0x1;
	s4 =	sadd.s32 s5, s19  }
0x9d: {  	s8 =	simm.s32 $0x0;
	s20 =	sshll.u32 s6, $0x1;
	s6 =	sadd.s32 s21, s4  }
0x9e: {  	[timem:s8], [sflag:s22] =	dma.local [hbm:s6], s20  }
0x9f: {  	_ =	swait.ge [sflag:s22], s20  }
0xa0: {  	s5 =	ssub.s32 $0x0, s20;
	[sflag:s22] =	ssyncset.done $0x0  }
0xa1: {  	[sflag:s22] =	ssyncadd.s32 s5;
	_ =	sdelay $0x1  }
0xa2: {  	s23 =	simm.s32 $0x1B8B  }
0xa3: {  	_ =	swait.ge [sflag:s23], $0x1  }
0xa4: {  	[sflag:s23] =	ssyncset.done $0x0  }
0xa5: {  	s25 =	simm.s32 $0x1B8E;
	s24 =	sld [smem:$0x3FFE];
	[sflag:s23] =	ssyncadd.s32 $0xFFFFFFFF  }
0xa6: {  	s26 =	simm.s32 $execute0_lowered;
	[smem:$0x3FD2] =	sst s25  }
0xa7: {  	s6 =	sshll.u32 s26, $0x1;
	_ =	strace $0x80000046;
	[dreg:$0x1] =	wrdreg $0xFFFFFFFF  }
0xa8: {  	s28 =	simm.s32 $_size_execute0_lowered;
	s4 =	sadd.s32 s4, s6;
	[dreg:$0x0] =	wrdreg $0x0  }
0xa9: {  	s6 =	sshll.u32 s28, $0x1;
	[dreg:$0x2] =	wrdreg s4  }
0xaa: {  	[dreg:$0x3] =	wrdreg s6  }
0xab: {  	[dreg:$0x4] =	wrdreg $0xC0  }
0xac: {  	_ =	task [dreg:s8], $0x5FFFF  }
0xad: {  	[dreg:$0x1] =	wrdreg $0xFFFFFFFF  }
0xae: {  	[dreg:$0x0] =	wrdreg $0x60  }
0xaf: {  	[dreg:$0x2] =	wrdreg s2  }
0xb0: {  	[dreg:$0x3] =	wrdreg s24  }
0xb1: {  	[dreg:$0x4] =	wrdreg s18  }
0xb2: {  	[dreg:$0x5] =	wrdreg $0x10A000  }
0xb3: {  	[dreg:$0x6] =	wrdreg $0x9  }
0xb4: {  	_ =	task.clear_ibuf [dreg:s8], $0x7FFFF;
	_ =	strace $0x90000046  }
0xb5: {  	s29 =	simm.s32 $0x9;
	_ =	strace $0x80000048  }
0xb6: {  	_ =	swait.ge [sflag:s29], $0x1  }
0xb7: {  	[sflag:s29] =	ssyncadd.s32 $0xFFFFFFFF  }
0xb8: {  	_ =	strace $0x90000048  }
0xb9: {  	_ =	sfence  }
0xba: {  	s30 =	sld [smem:$0x0];
	_ =	sdelay $0x2  }
0xbb: {  	s31 =	sshll.u32 s1, $0xD;
	s1 =	sshrl.u32 s1, $0x2  }
0xbc: {  	s3 =	sand.u32 $0x4000, s31;
	s1 =	sadd.s32 s1, s30  }
0xbd: {  	s0 =	sor.u32 s3, s0;
	s1 =	sshll.u32 s1, $0x11  }
0xbe: {  	s0 =	sor.u32 s1, s0  }
0xbf: {  	s0 =	sadd.s32 $0x8F2B, s0  }
0xc0: {  	[sflag:s0] =	ssyncadd.remote.s32 $0x1  }
0xc1: {  	_ =	sfence.sel $0xFFFF  }
0xc2: {  	[dreg:$0x0] =	wrdreg $0xFFFFFFFF;
	(pc) =	sbr.abs _section_cstart, $3  }
0xc3: {  	[dreg:$0x1] =	wrdreg $0xFFFFFFFF  }
0xc4: {  	_ =	task.clear_ibuf [dreg:s8], $0x2FFFF;
	_ =	strace $0x9FFFFFFF  }
0xc5: {  	(tm) =	ssettm $0x7FFFFFFF  }
tec
execute0_lowered:
.L_overlay_start_1:
0x0: {  	(tag) =	ssettag $0x1  }
0x1: {  	s0 =	rddreg [dreg:$0x0]  }
0x2: {  	s1 =	rddreg [dreg:$0x1];
	s2 =	srdreg.scid  }
0x3: {  	s8 =	stileid.u32;
	s4 =	rddreg [dreg:$0x2]  }
0x4: {  	s5 =	sand.u32 $0x1, s2;
	s3 =	sshll.u32 s8, $0x1;
	s2 =	rddreg [dreg:$0x3]  }
0x5: {  	s15 =	sshll.u32 s8, $0x6;
	s6 =	sor.u32 s5, s3;
	s3 =	simm.s32 $0x0  }
0x6: {  	s16 =	sshll.u32 s8, $0x9;
	s0 =	sadd.s32 s0, s15;
	[smem:$0x7FF] =	sst s3  }
0x7: {  	s17 =	sadd.s32 s16, s2;
	_ =	strace $0x80000047;
	[dreg:$0x6] =	wrdreg s0  }
0x8: {  	s12 =	simm.s32 $0x80;
	[dreg:$0x7] =	wrdreg s17  }
0x9: {  	s13 =	simm.s32 $0x100;
	[dreg:$0x17] =	wrdreg s12  }
0xa: {  	s14 =	simm.s32 $0x180;
	[dreg:$0x18] =	wrdreg s13  }
0xb: {  	s15 =	simm.s32 $0x200;
	s16 =	simm.s32 $0x280;
	[dreg:$0x19] =	wrdreg s14  }
0xc: {  	s7 =	sshll.u32 s6, $0x8;
	s6 =	sshll.u32 s6, $0xD;
	[dreg:$0x1a] =	wrdreg s15  }
0xd: {  	s4 =	sadd.s32 s4, s6;
	[dreg:$0x1b] =	wrdreg s16  }
0xe: {  	s1 =	sadd.s32 s7, s1;
	s17 =	simm.s32 $0x300;
	[smem:$0x7F7] =	sst s4  }
0xf: {  	s1 =	sadd.s32 $0x400, s1;
	[dreg:$0x1c] =	wrdreg s17  }
0x10: {  	s18 =	sadd.s32 $0x200, s4;
	[dreg:$0x5] =	wrdreg s1  }
0x11: {  	s19 =	sadd.s32 $0x400, s4;
	[dreg:$0x8] =	wrdreg s18  }
0x12: {  	s20 =	sadd.s32 $0x600, s4;
	[dreg:$0x9] =	wrdreg s19  }
0x13: {  	s21 =	sadd.s32 $0x800, s4;
	[dreg:$0xa] =	wrdreg s20  }
0x14: {  	s22 =	sadd.s32 $0xA00, s4;
	[dreg:$0xb] =	wrdreg s21  }
0x15: {  	s23 =	sadd.s32 $0xC00, s4;
	[dreg:$0xc] =	wrdreg s22  }
0x16: {  	s24 =	sadd.s32 $0xE00, s4;
	[dreg:$0xd] =	wrdreg s23  }
0x17: {  	s28 =	simm.s32 $0x8800;
	s25 =	sadd.s32 $0x1000, s4;
	[dreg:$0xe] =	wrdreg s24  }
0x18: {  	s29 =	simm.s32 $0x9800;
	s26 =	sadd.s32 $0x1200, s4;
	[dreg:$0xf] =	wrdreg s25  }
0x19: {  	s30 =	simm.s32 $0xA800;
	s6 =	sadd.s32 $0x1600, s4;
	[dreg:$0x10] =	wrdreg s26  }
0x1a: {  	s31 =	simm.s32 $0xB800;
	s7 =	sadd.s32 $0x1800, s4;
	[dreg:$0x12] =	wrdreg s6  }
0x1b: {  	s8 =	ssub.s32 $0x2, s5;
	s9 =	sadd.s32 $0x1A00, s4;
	[dreg:$0x13] =	wrdreg s7  }
0x1c: {  	s5 =	sshrl.u32 s8, $0x1;
	s10 =	sadd.s32 $0x1C00, s4;
	[dreg:$0x14] =	wrdreg s9  }
0x1d: {  	s12 =	simm.s32 $0xB;
	s11 =	sadd.s32 $0x1E00, s4;
	[dreg:$0x15] =	wrdreg s10  }
0x1e: {  	s13 =	simm.s32 $0xC;
	s1 =	sadd.s32 $0x1400, s4;
	[dreg:$0x16] =	wrdreg s11  }
0x1f: {  	v0 =	vimm.s32 $0xFEDCBA98;
	v1 =	vimm.s32 $0x76543210;
	s14 =	simm.s32 $0xD;
	s18 =	simm.s32 $0x380;
	[dreg:$0x11] =	wrdreg s1  }
0x20: {  	v2 =	vimm.s32 $0xBA98FEDC;
	v3 =	vimm.s32 $0x32107654;
	s15 =	simm.s32 $0xE;
	s19 =	simm.s32 $0x400;
	[dreg:$0x1d] =	wrdreg s18  }
0x21: {  	v4 =	vimm.s32 $0xDCFE98BA;
	v5 =	vimm.s32 $0x54761032;
	s16 =	simm.s32 $0xF;
	s20 =	simm.s32 $0x480;
	[dreg:$0x1e] =	wrdreg s19  }
0x22: {  	v6 =	vimm.s32 $0xEFCDAB89;
	v7 =	vimm.s32 $0x67452301;
	s0 =	simm.s32 $0xD800;
	s21 =	simm.s32 $0x500;
	[dreg:$0x1f] =	wrdreg s20  }
0x23: {  	v0 =	vunpack.c.l.s4.s8 v0;
	v1 =	vunpack.c.l.s4.s8 v1;
	v2 =	vunpack.c.l.s4.s8 v2;
	s17 =	simm.s32 $0x10;
	s22 =	simm.s32 $0x580;
	[smem:$0x7F8] =	sst s21  }
0x24: {  	v3 =	vunpack.c.l.s4.s8 v3;
	v4 =	vunpack.c.l.s4.s8 v4;
	v5 =	vunpack.c.l.s4.s8 v5;
	s7 =	simm.s32 $0x13;
	s23 =	simm.s32 $0x600;
	[smem:$0x7F9] =	sst s22  }
0x25: {  	v6 =	vunpack.c.l.s4.s8 v6;
	v7 =	vunpack.c.l.s4.s8 v7;
	v0 =	vunpack.c.0.s8.s32 v0;
	s9 =	simm.s32 $0x20;
	s24 =	simm.s32 $0x680;
	[smem:$0x7FA] =	sst s23  }
0x26: {  	v2 =	vunpack.c.0.s8.s32 v2;
	v3 =	vunpack.c.0.s8.s32 v3;
	v4 =	vunpack.c.0.s8.s32 v4;
	s25 =	simm.s32 $0x700;
	s26 =	simm.s32 $0x780;
	[smem:$0x7FB] =	sst s24  }
0x27: {  	v5 =	vunpack.c.0.s8.s32 v5;
	v6 =	vunpack.c.0.s8.s32 v6;
	v7 =	vunpack.c.0.s8.s32 v7;
	s10 =	simm.s32 $0x9;
	s11 =	simm.s32 $0xA;
	[smem:$0x7FC] =	sst s25  }
0x28: {  	v1 =	vunpack.c.0.s8.s32 v1;
	v2 =	vcombine.low v3, v2;
	s6 =	simm.s32 $0xE800;
	s1 =	ssub.s32 s8, s5;
	[smem:$0x7FD] =	sst s26  }
0x29: {  	v3 =	vcombine.low v5, v4;
	v4 =	vcombine.low v7, v6;
	v0 =	vand.u32 $0xF, v0;
	s18 =	simm.s32 $0x11;
	s22 =	simm.s32 $0x1800;
	s23 =	simm.s32 $0x2800  }
0x2a: {  	v0 =	vcombine.low v0, v1;
	s24 =	simm.s32 $0x3800;
	s25 =	simm.s32 $0x4800;
	s8 =	simm.s32 $0x6800  }
0x2b: {  	v1 =	vand.u32 $0xF, v2;
	v2 =	vand.u32 $0xF, v3;
	v3 =	vand.u32 $0xF, v4;
	s26 =	simm.s32 $0x7800;
	s5 =	smax.u32 s1, $0x1;
	s1 =	simm.s32 $0xC800  }
.LBB2_1:
0x2c: {  	s19 =	rddreg [dreg:$0x5]  }
0x2d: {  	[tilespmem:s3], [sflag:$0x12] =	stream.linear.gather [hbm4b:s19+s3], $0x800, $0x38;
	[tilespmem:$0x10C00] =	vst v63  }
0x2e: {  	s20 =	rddreg [dreg:$0x6];
	s21 =	simm.s32 $0x10800  }
0x2f: {  	[tilespmem:s21], [sflag:$0x13] =	stream.linear.gather [hbm4b:s20+s3], $0x200, $0x38;
	[tilespmem:$0x10C00] =	vst v63  }
0x30: {  	_ =	swait.ge [sflag:s7], $0x200  }
0x31: {  	[sflag:s7] =	ssyncset.done $0x0  }
0x32: {  	[sflag:s7] =	ssyncadd.s32 $0xFFFFFE00  }
0x33: {  	v30 =	vld [tilespmem:$0x10800]  }
0x34: {  	v28 =	vld [tilespmem:$0x10810];
	_ =	sdelay $0x1  }
0x35: {  	v24 =	vld [tilespmem:$0x10820];
	_ =	sdelay $0x1  }
0x36: {  	v20 =	vld [tilespmem:$0x10830]  }
0x37: {  	v19 =	vld [tilespmem:$0x10840];
	v4 =	vmul.f32 v30, v30;
	v5 =	vmul.f32 v28, v28  }
0x38: {  	v6 =	vld [tilespmem:$0x10880]  }
0x39: {  	v7 =	vld [tilespmem:$0x10890];
	v4 =	vadd.f32 v5, v4;
	v5 =	vmul.f32 v24, v24  }
0x3a: {  	v15 =	vld [tilespmem:$0x10850]  }
0x3b: {  	v8 =	vld [tilespmem:$0x108A0];
	v4 =	vadd.f32 v5, v4;
	v5 =	vmul.f32 v20, v20  }
0x3c: {  	v23 =	vld [tilespmem:$0x10860]  }
0x3d: {  	v11 =	vld [tilespmem:$0x108B0];
	v4 =	vadd.f32 v5, v4;
	v5 =	vmul.f32 v19, v19  }
0x3e: {  	v25 =	vld [tilespmem:$0x10870];
	v10 =	vmul.f32 v6, v6;
	v13 =	vmul.f32 v7, v7  }
0x3f: {  	v12 =	vld [tilespmem:$0x108C0];
	v4 =	vadd.f32 v5, v4;
	v5 =	vmul.f32 v15, v15  }
0x40: {  	v39 =	vmul.f32 v8, v8;
	v10 =	vadd.f32 v13, v10  }
0x41: {  	v9 =	vld [tilespmem:$0x108D0];
	v4 =	vadd.f32 v5, v4;
	v5 =	vmul.f32 v23, v23  }
0x42: {  	v21 =	vld [tilespmem:$0x108E0];
	v40 =	vmul.f32 v11, v11;
	v10 =	vadd.f32 v39, v10  }
0x43: {  	v16 =	vmul.f32 v25, v25;
	v14 =	vadd.f32 v5, v4;
	v4 =	vld [tilespmem:$0x10900]  }
0x44: {  	v41 =	vmul.f32 v12, v12;
	v13 =	vadd.f32 v40, v10;
	v5 =	vld [tilespmem:$0x10910]  }
0x45: {  	v26 =	vld [tilespmem:$0x108F0];
	v14 =	vadd.f32 v16, v14  }
0x46: {  	v18 =	vmul.f32 v9, v9;
	v10 =	vld [tilespmem:$0x10920];
	v16 =	vadd.f32 v41, v13  }
0x47: {  	v17 =	vperm.xlane v14, v0  }
0x48: {  	v29 =	vmul.f32 v21, v21;
	v13 =	vld [tilespmem:$0x10930];
	v27 =	vadd.f32 v18, v16  }
0x49: {  	v42 =	vmul.f32 v4, v4;
	v22 =	vmul.f32 v5, v5;
	v17 =	vadd.f32 v14, v17  }
0x4a: {  	v43 =	vmul.f32 v26, v26;
	v18 =	vld [tilespmem:$0x10940];
	v27 =	vadd.f32 v29, v27  }
0x4b: {  	v32 =	vmul.f32 v10, v10;
	v16 =	vld [tilespmem:$0x10950];
	v22 =	vadd.f32 v22, v42;
	v31 =	vperm.xlane v17, v1  }
0x4c: {  	v14 =	vld [tilespmem:$0x10980];
	v45 =	vadd.f32 v43, v27  }
0x4d: {  	v44 =	vmul.f32 v13, v13;
	v22 =	vadd.f32 v32, v22;
	v33 =	vadd.f32 v17, v31;
	v17 =	vld [tilespmem:$0x10990]  }
0x4e: {  	v29 =	vld [tilespmem:$0x10960];
	v36 =	vperm.xlane v45, v0  }
0x4f: {  	v35 =	vmul.f32 v18, v18;
	v34 =	vadd.f32 v44, v22;
	v22 =	vld [tilespmem:$0x109A0];
	v46 =	vperm.xlane v33, v2  }
0x50: {  	v47 =	vmul.f32 v16, v16;
	v31 =	vld [tilespmem:$0x10970];
	v36 =	vadd.f32 v45, v36  }
0x51: {  	v27 =	vld [tilespmem:$0x109B0];
	v37 =	vmul.f32 v14, v14;
	v34 =	vadd.f32 v35, v34;
	v33 =	vadd.f32 v33, v46  }
0x52: {  	v40 =	vperm.xlane v36, v1;
	v38 =	vmul.f32 v17, v17  }
0x53: {  	v32 =	vld [tilespmem:$0x109C0];
	v48 =	vmul.f32 v29, v29;
	v34 =	vadd.f32 v47, v34;
	v39 =	vperm.xlane v33, v3  }
0x54: {  	v49 =	vmul.f32 v22, v22;
	v36 =	vadd.f32 v36, v40;
	v37 =	vadd.f32 v38, v37  }
0x55: {  	v50 =	vmul.f32 v31, v31;
	v34 =	vadd.f32 v48, v34;
	v39 =	vadd.f32 v33, v39;
	v33 =	vld [tilespmem:$0x109D0]  }
0x56: {  	v51 =	vmul.f32 v27, v27;
	v37 =	vadd.f32 v49, v37  }
0x57: {  	v42 =	vperm.xlane v36, v2;
	v41 =	vadd.f32 v50, v34;
	v34 =	vld [tilespmem:$0x109E0]  }
0x58: {  	v53 =	vmul.f32 v32, v32;
	v52 =	vshra.s32 v39, $0x1;
	v37 =	vadd.f32 v51, v37  }
0x59: {  	v35 =	vld [tilespmem:$0x109F0];
	v39 =	vmul.f32 $5.000000000e-01, v39;
	v36 =	vadd.f32 v36, v42;
	v40 =	vsub.s32 $0x5F3759DF, v52  }
0x5a: {  	v43 =	vperm.xlane v41, v0;
	v37 =	vadd.f32 v53, v37;
	v54 =	vmul.f32 v33, v33  }
0x5b: {  	v55 =	vmul.f32 v40, v39;
	v56 =	vperm.xlane v36, v3  }
0x5c: {  	v41 =	vadd.f32 v41, v43;
	v57 =	vmul.f32 v34, v34;
	v37 =	vadd.f32 v54, v37  }
0x5d: {  	v42 =	vmul.f32 v40, v55;
	v36 =	vadd.f32 v36, v56  }
0x5e: {  	v58 =	vmul.f32 v35, v35;
	v44 =	vperm.xlane v41, v1;
	v37 =	vadd.f32 v57, v37  }
0x5f: {  	v42 =	vsub.f32 $1.500000000e+00, v42;
	v43 =	vshra.s32 v36, $0x1;
	v36 =	vmul.f32 $5.000000000e-01, v36  }
0x60: {  	v41 =	vadd.f32 v41, v44;
	v60 =	vsub.s32 $0x5F3759DF, v43;
	v37 =	vadd.f32 v58, v37  }
0x61: {  	v59 =	vmul.f32 v40, v42;
	v43 =	vmul.f32 v60, v36  }
0x62: {  	v61 =	vperm.xlane v41, v2;
	v62 =	vperm.xlane v37, v0  }
0x63: {  	v45 =	vmul.f32 v59, v39;
	v63 =	vmul.f32 v60, v43  }
0x64: {  	v41 =	vadd.f32 v41, v61;
	v37 =	vadd.f32 v37, v62  }
0x65: {  	v48 =	vmul.f32 v45, v59;
	v42 =	vsub.f32 $1.500000000e+00, v63  }
0x66: {  	v49 =	vperm.xlane v41, v3;
	v50 =	vperm.xlane v37, v1  }
0x67: {  	v43 =	vsub.f32 $1.500000000e+00, v48;
	v40 =	vmul.f32 v60, v42  }
0x68: {  	v41 =	vadd.f32 v41, v49;
	v37 =	vadd.f32 v37, v50  }
0x69: {  	v38 =	vmul.f32 v43, v59;
	v52 =	vmul.f32 v40, v36  }
0x6a: {  	v51 =	vshra.s32 v41, $0x1;
	v41 =	vmul.f32 $5.000000000e-01, v41;
	v53 =	vperm.xlane v37, v2  }
0x6b: {  	v42 =	vsub.s32 $0x5F3759DF, v51;
	v39 =	vmul.f32 v38, v39;
	v43 =	vmul.f32 v52, v40  }
0x6c: {  	v54 =	vmul.f32 v42, v41;
	v37 =	vadd.f32 v37, v53  }
0x6d: {  	v39 =	vmul.f32 v39, v38;
	v43 =	vsub.f32 $1.500000000e+00, v43  }
0x6e: {  	v55 =	vmul.f32 v42, v54;
	v56 =	vperm.xlane v37, v3  }
0x6f: {  	v39 =	vsub.f32 $1.500000000e+00, v39;
	v40 =	vmul.f32 v43, v40  }
0x70: {  	v44 =	vsub.f32 $1.500000000e+00, v55;
	v37 =	vadd.f32 v37, v56  }
0x71: {  	v38 =	vmul.f32 v39, v38;
	v36 =	vmul.f32 v40, v36  }
0x72: {  	v57 =	vmul.f32 v42, v44;
	v58 =	vshra.s32 v37, $0x1;
	v37 =	vmul.f32 $5.000000000e-01, v37  }
0x73: {  	v36 =	vmul.f32 v36, v40;
	v42 =	vsub.s32 $0x5F3759DF, v58  }
0x74: {  	v38 =	vmin.f32 v38, $9.999999950e+11;
	v59 =	vmul.f32 v57, v41;
	v60 =	vmul.f32 v42, v37  }
0x75: {  	v30 =	vmul.f32 v38, v30;
	v28 =	vmul.f32 v38, v28  }
0x76: {  	v43 =	vmul.f32 v59, v57;
	v44 =	vmul.f32 v42, v60  }
0x77: {  	v24 =	vmul.f32 v38, v24;
	v20 =	vmul.f32 v38, v20;
	v36 =	vsub.f32 $1.500000000e+00, v36;
	[tilespmem:$0x10800] =	vst v30  }
0x78: {  	v19 =	vmul.f32 v38, v19;
	[tilespmem:$0x10810] =	vst v28;
	v61 =	vsub.f32 $1.500000000e+00, v43;
	v63 =	vsub.f32 $1.500000000e+00, v44  }
0x79: {  	v15 =	vmul.f32 v38, v15;
	[tilespmem:$0x10820] =	vst v24;
	v62 =	vmul.f32 v36, v40  }
0x7a: {  	[tilespmem:$0x10830] =	vst v20;
	v40 =	vmul.f32 v61, v57;
	v42 =	vmul.f32 v42, v63  }
0x7b: {  	v45 =	vmul.f32 v38, v25;
	[tilespmem:$0x10840] =	vst v19;
	v43 =	vmul.f32 v38, v23  }
0x7c: {  	[tilespmem:$0x10850] =	vst v15;
	v46 =	vmin.f32 v62, $9.999999950e+11;
	v44 =	vmul.f32 v40, v41;
	v47 =	vmul.f32 v42, v37  }
0x7d: {  	[tilespmem:$0x10870] =	vst v45;
	v6 =	vmul.f32 v46, v6;
	v7 =	vmul.f32 v46, v7  }
0x7e: {  	[tilespmem:$0x10860] =	vst v43;
	v48 =	vmul.f32 v44, v40;
	v49 =	vmul.f32 v47, v42  }
0x7f: {  	v50 =	vmul.f32 v46, v8;
	[tilespmem:$0x10880] =	vst v6  }
0x80: {  	v52 =	vmul.f32 v46, v11;
	[tilespmem:$0x10890] =	vst v7;
	v51 =	vsub.f32 $1.500000000e+00, v48;
	v53 =	vsub.f32 $1.500000000e+00, v49  }
0x81: {  	v55 =	vmul.f32 v46, v12;
	v9 =	vmul.f32 v46, v9;
	[tilespmem:$0x108A0] =	vst v50  }
0x82: {  	[tilespmem:$0x108B0] =	vst v52;
	v54 =	vmul.f32 v51, v40;
	v56 =	vmul.f32 v53, v42  }
0x83: {  	v57 =	vmul.f32 v46, v21;
	[tilespmem:$0x108C0] =	vst v55  }
0x84: {  	v58 =	vmul.f32 v46, v26;
	[tilespmem:$0x108D0] =	vst v9;
	v6 =	vmin.f32 v54, $9.999999950e+11;
	v11 =	vmul.f32 v56, v37  }
0x85: {  	[tilespmem:$0x108E0] =	vst v57;
	v4 =	vmul.f32 v6, v4  }
0x86: {  	[tilespmem:$0x108F0] =	vst v58;
	v5 =	vmul.f32 v6, v5;
	v59 =	vmul.f32 v11, v56  }
0x87: {  	[tilespmem:$0x10900] =	vst v4;
	v4 =	vmul.f32 v6, v10  }
0x88: {  	[tilespmem:$0x10910] =	vst v5;
	v5 =	vmul.f32 v6, v13;
	v8 =	vsub.f32 $1.500000000e+00, v59  }
0x89: {  	[tilespmem:$0x10920] =	vst v4;
	v4 =	vmul.f32 v6, v18  }
0x8a: {  	v60 =	vmul.f32 v6, v16;
	[tilespmem:$0x10930] =	vst v5;
	v5 =	vmul.f32 v8, v56  }
0x8b: {  	[tilespmem:$0x10940] =	vst v4;
	v4 =	vmul.f32 v6, v29  }
0x8c: {  	[tilespmem:$0x10950] =	vst v60;
	v6 =	vmul.f32 v6, v31;
	v5 =	vmin.f32 v5, $9.999999950e+11  }
0x8d: {  	[tilespmem:$0x10960] =	vst v4;
	v4 =	vmul.f32 v5, v14  }
0x8e: {  	[tilespmem:$0x10970] =	vst v6;
	v61 =	vmul.f32 v5, v17  }
0x8f: {  	[tilespmem:$0x10980] =	vst v4;
	v4 =	vmul.f32 v5, v22  }
0x90: {  	v62 =	vmul.f32 v5, v27;
	[tilespmem:$0x10990] =	vst v61  }
0x91: {  	[tilespmem:$0x109A0] =	vst v4;
	v4 =	vmul.f32 v5, v32  }
0x92: {  	v63 =	vmul.f32 v5, v33;
	[tilespmem:$0x109B0] =	vst v62  }
0x93: {  	[tilespmem:$0x109C0] =	vst v4;
	v4 =	vmul.f32 v5, v34  }
0x94: {  	[tilespmem:$0x109D0] =	vst v63;
	v5 =	vmul.f32 v5, v35  }
0x95: {  	[tilespmem:$0x109E0] =	vst v4  }
0x96: {  	s4 =	rddreg [dreg:$0x7];
	[tilespmem:$0x109F0] =	vst v5  }
0x97: {  	[spmem:s4] =	stream.linear.scatter [tilespmem:s21], [sflag:$0x13], $0x200, $0x38;
	[tilespmem:$0x10C00] =	vst v63  }
0x98: {  	_ =	swait.ge [sflag:s7], $0x200  }
0x99: {  	[sflag:s7] =	ssyncset.done $0x0  }
0x9a: {  	[sflag:s7] =	ssyncadd.s32 $0xFFFFFE00  }
0x9b: {  	s4 =	simm.s32 $0x12;
	[bflag:$0x0] =	sbarrier.arrive $0xFFFF  }
0x9c: {  	_ =	swait.ge [sflag:s4], $0x800  }
0x9d: {  	[sflag:s4] =	ssyncset.done $0x0  }
0x9e: {  	s21 =	simm.s32 $0x800;
	s20 =	rddreg [dreg:$0x17];
	[sflag:s4] =	ssyncadd.s32 $0xFFFFF800  }
0x9f: {  	[tilespmem:s21], [sflag:$0x1] =	stream.indirect.gather [spmem:s2], $0x80, s3, s9, $0xb8;
	[tilespmem:$0x10C00] =	vst v63  }
0xa0: {  	s19 =	rddreg [dreg:$0x19]  }
0xa1: {  	[tilespmem:s22], [sflag:$0x2] =	stream.indirect.gather [spmem:s2], $0x80, s20, s9, $0xb8;
	[tilespmem:$0x10C00] =	vst v63  }
0xa2: {  	s4 =	rddreg [dreg:$0x18]  }
0xa3: {  	[tilespmem:s23], [sflag:$0x3] =	stream.indirect.gather [spmem:s2], $0x80, s4, s9, $0xb8;
	[tilespmem:$0x10C00] =	vst v63  }
0xa4: {  	s20 =	rddreg [dreg:$0x1c]  }
0xa5: {  	[tilespmem:s24], [sflag:$0x4] =	stream.indirect.gather [spmem:s2], $0x80, s19, s9, $0xb8;
	[tilespmem:$0x10C00] =	vst v63  }
0xa6: {  	s4 =	rddreg [dreg:$0x1a]  }
0xa7: {  	[tilespmem:s25], [sflag:$0x5] =	stream.indirect.gather [spmem:s2], $0x80, s4, s9, $0xb8;
	[tilespmem:$0x10C00] =	vst v63  }
0xa8: {  	s19 =	rddreg [dreg:$0x1b];
	s4 =	simm.s32 $0x5800  }
0xa9: {  	[tilespmem:s4], [sflag:$0x6] =	stream.indirect.gather [spmem:s2], $0x80, s19, s9, $0xb8;
	[tilespmem:$0x10C00] =	vst v63  }
0xaa: {  	s19 =	rddreg [dreg:$0x1d]  }
0xab: {  	[tilespmem:s8], [sflag:$0x7] =	stream.indirect.gather [spmem:s2], $0x80, s20, s9, $0xb8;
	[tilespmem:$0x10C00] =	vst v63  }
0xac: {  	s20 =	rddreg [dreg:$0x1e]  }
0xad: {  	[tilespmem:s26], [sflag:$0x8] =	stream.indirect.gather [spmem:s2], $0x80, s19, s9, $0xb8;
	[tilespmem:$0x10C00] =	vst v63  }
0xae: {  	s19 =	rddreg [dreg:$0x1f]  }
0xaf: {  	[tilespmem:s28], [sflag:$0x9] =	stream.indirect.gather [spmem:s2], $0x80, s20, s9, $0xb8;
	[tilespmem:$0x10C00] =	vst v63  }
0xb0: {  	s20 =	sld [smem:$0x7F8]  }
0xb1: {  	[tilespmem:s29], [sflag:$0xA] =	stream.indirect.gather [spmem:s2], $0x80, s19, s9, $0xb8;
	[tilespmem:$0x10C00] =	vst v63  }
0xb2: {  	s19 =	sld [smem:$0x7F9]  }
0xb3: {  	[tilespmem:s30], [sflag:$0xB] =	stream.indirect.gather [spmem:s2], $0x80, s20, s9, $0xb8;
	[tilespmem:$0x10C00] =	vst v63  }
0xb4: {  	s20 =	sld [smem:$0x7FA]  }
0xb5: {  	[tilespmem:s31], [sflag:$0xC] =	stream.indirect.gather [spmem:s2], $0x80, s19, s9, $0xb8;
	[tilespmem:$0x10C00] =	vst v63  }
0xb6: {  	s19 =	sld [smem:$0x7FB]  }
0xb7: {  	[tilespmem:s1], [sflag:$0xD] =	stream.indirect.gather [spmem:s2], $0x80, s20, s9, $0xb8;
	[tilespmem:$0x10C00] =	vst v63  }
0xb8: {  	s20 =	sld [smem:$0x7FC]  }
0xb9: {  	[tilespmem:s0], [sflag:$0xE] =	stream.indirect.gather [spmem:s2], $0x80, s19, s9, $0xb8;
	[tilespmem:$0x10C00] =	vst v63  }
0xba: {  	s19 =	sld [smem:$0x7FD]  }
0xbb: {  	[tilespmem:s6], [sflag:$0xF] =	stream.indirect.gather [spmem:s2], $0x80, s20, s9, $0xb8;
	[tilespmem:$0x10C00] =	vst v63  }
0xbc: {  	s20 =	simm.s32 $0xF800  }
0xbd: {  	[tilespmem:s20], [sflag:$0x10] =	stream.indirect.gather [spmem:s2], $0x80, s19, s9, $0xb8;
	[tilespmem:$0x10C00] =	vst v63  }
0xbe: {  	s19 =	simm.s32 $0x1  }
0xbf: {  	_ =	swait.ge [sflag:s19], $0x1000  }
0xc0: {  	[sflag:s19] =	ssyncset.done $0x0  }
0xc1: {  	[sflag:s19] =	ssyncadd.s32 $0xFFFFF000;
	s19 =	sld [smem:$0x7F7];
	_ =	sdelay $0x2  }
0xc2: {  	[hbm4b:s19+s3] =	stream.linear.scatter [tilespmem:s21], [sflag:$0x11], $0x1000, $0x38;
	[tilespmem:$0x10C00] =	vst v63  }
0xc3: {  	s21 =	simm.s32 $0x2  }
0xc4: {  	_ =	swait.ge [sflag:s21], $0x1000  }
0xc5: {  	[sflag:s21] =	ssyncset.done $0x0  }
0xc6: {  	s19 =	rddreg [dreg:$0x8];
	[sflag:s21] =	ssyncadd.s32 $0xFFFFF000;
	s21 =	simm.s32 $0x3  }
0xc7: {  	[hbm4b:s19+s3] =	stream.linear.scatter [tilespmem:s22], [sflag:$0x11], $0x1000, $0x38;
	[tilespmem:$0x10C00] =	vst v63  }
0xc8: {  	_ =	swait.ge [sflag:s21], $0x1000  }
0xc9: {  	[sflag:s21] =	ssyncset.done $0x0  }
0xca: {  	s19 =	rddreg [dreg:$0x9];
	[sflag:s21] =	ssyncadd.s32 $0xFFFFF000;
	s21 =	simm.s32 $0x4  }
0xcb: {  	[hbm4b:s19+s3] =	stream.linear.scatter [tilespmem:s23], [sflag:$0x11], $0x1000, $0x38;
	[tilespmem:$0x10C00] =	vst v63  }
0xcc: {  	_ =	swait.ge [sflag:s21], $0x1000  }
0xcd: {  	[sflag:s21] =	ssyncset.done $0x0  }
0xce: {  	s19 =	rddreg [dreg:$0xa];
	[sflag:s21] =	ssyncadd.s32 $0xFFFFF000;
	s21 =	simm.s32 $0x5  }
0xcf: {  	[hbm4b:s19+s3] =	stream.linear.scatter [tilespmem:s24], [sflag:$0x11], $0x1000, $0x38;
	[tilespmem:$0x10C00] =	vst v63  }
0xd0: {  	_ =	swait.ge [sflag:s21], $0x1000  }
0xd1: {  	[sflag:s21] =	ssyncset.done $0x0  }
0xd2: {  	s19 =	rddreg [dreg:$0xb];
	[sflag:s21] =	ssyncadd.s32 $0xFFFFF000;
	s21 =	simm.s32 $0x6  }
0xd3: {  	[hbm4b:s19+s3] =	stream.linear.scatter [tilespmem:s25], [sflag:$0x11], $0x1000, $0x38;
	[tilespmem:$0x10C00] =	vst v63  }
0xd4: {  	_ =	swait.ge [sflag:s21], $0x1000  }
0xd5: {  	[sflag:s21] =	ssyncset.done $0x0  }
0xd6: {  	s19 =	rddreg [dreg:$0xc];
	[sflag:s21] =	ssyncadd.s32 $0xFFFFF000  }
0xd7: {  	[hbm4b:s19+s3] =	stream.linear.scatter [tilespmem:s4], [sflag:$0x11], $0x1000, $0x38;
	[tilespmem:$0x10C00] =	vst v63  }
0xd8: {  	s19 =	simm.s32 $0x7  }
0xd9: {  	_ =	swait.ge [sflag:s19], $0x1000  }
0xda: {  	[sflag:s19] =	ssyncset.done $0x0  }
0xdb: {  	s21 =	rddreg [dreg:$0xd];
	[sflag:s19] =	ssyncadd.s32 $0xFFFFF000;
	s19 =	simm.s32 $0x8  }
0xdc: {  	[hbm4b:s21+s3] =	stream.linear.scatter [tilespmem:s8], [sflag:$0x11], $0x1000, $0x38;
	[tilespmem:$0x10C00] =	vst v63  }
0xdd: {  	_ =	swait.ge [sflag:s19], $0x1000  }
0xde: {  	[sflag:s19] =	ssyncset.done $0x0  }
0xdf: {  	s21 =	rddreg [dreg:$0xe];
	[sflag:s19] =	ssyncadd.s32 $0xFFFFF000  }
0xe0: {  	[hbm4b:s21+s3] =	stream.linear.scatter [tilespmem:s26], [sflag:$0x11], $0x1000, $0x38;
	[tilespmem:$0x10C00] =	vst v63  }
0xe1: {  	_ =	swait.ge [sflag:s10], $0x1000  }
0xe2: {  	[sflag:s10] =	ssyncset.done $0x0  }
0xe3: {  	s4 =	rddreg [dreg:$0xf];
	[sflag:s10] =	ssyncadd.s32 $0xFFFFF000  }
0xe4: {  	[hbm4b:s4+s3] =	stream.linear.scatter [tilespmem:s28], [sflag:$0x11], $0x1000, $0x38;
	[tilespmem:$0x10C00] =	vst v63  }
0xe5: {  	_ =	swait.ge [sflag:s11], $0x1000  }
0xe6: {  	[sflag:s11] =	ssyncset.done $0x0  }
0xe7: {  	s21 =	rddreg [dreg:$0x10];
	[sflag:s11] =	ssyncadd.s32 $0xFFFFF000  }
0xe8: {  	[hbm4b:s21+s3] =	stream.linear.scatter [tilespmem:s29], [sflag:$0x11], $0x1000, $0x38;
	[tilespmem:$0x10C00] =	vst v63  }
0xe9: {  	_ =	swait.ge [sflag:s12], $0x1000  }
0xea: {  	[sflag:s12] =	ssyncset.done $0x0  }
0xeb: {  	s4 =	rddreg [dreg:$0x11];
	[sflag:s12] =	ssyncadd.s32 $0xFFFFF000  }
0xec: {  	[hbm4b:s4+s3] =	stream.linear.scatter [tilespmem:s30], [sflag:$0x11], $0x1000, $0x38;
	[tilespmem:$0x10C00] =	vst v63  }
0xed: {  	_ =	swait.ge [sflag:s13], $0x1000  }
0xee: {  	[sflag:s13] =	ssyncset.done $0x0  }
0xef: {  	s21 =	rddreg [dreg:$0x12];
	[sflag:s13] =	ssyncadd.s32 $0xFFFFF000  }
0xf0: {  	[hbm4b:s21+s3] =	stream.linear.scatter [tilespmem:s31], [sflag:$0x11], $0x1000, $0x38;
	[tilespmem:$0x10C00] =	vst v63  }
0xf1: {  	_ =	swait.ge [sflag:s14], $0x1000  }
0xf2: {  	[sflag:s14] =	ssyncset.done $0x0  }
0xf3: {  	s4 =	rddreg [dreg:$0x13];
	[sflag:s14] =	ssyncadd.s32 $0xFFFFF000  }
0xf4: {  	[hbm4b:s4+s3] =	stream.linear.scatter [tilespmem:s1], [sflag:$0x11], $0x1000, $0x38;
	[tilespmem:$0x10C00] =	vst v63  }
0xf5: {  	_ =	swait.ge [sflag:s15], $0x1000  }
0xf6: {  	[sflag:s15] =	ssyncset.done $0x0  }
0xf7: {  	s21 =	rddreg [dreg:$0x14];
	[sflag:s15] =	ssyncadd.s32 $0xFFFFF000  }
0xf8: {  	[hbm4b:s21+s3] =	stream.linear.scatter [tilespmem:s0], [sflag:$0x11], $0x1000, $0x38;
	[tilespmem:$0x10C00] =	vst v63  }
0xf9: {  	_ =	swait.ge [sflag:s16], $0x1000  }
0xfa: {  	[sflag:s16] =	ssyncset.done $0x0  }
0xfb: {  	s4 =	rddreg [dreg:$0x15];
	[sflag:s16] =	ssyncadd.s32 $0xFFFFF000  }
0xfc: {  	[hbm4b:s4+s3] =	stream.linear.scatter [tilespmem:s6], [sflag:$0x11], $0x1000, $0x38;
	[tilespmem:$0x10C00] =	vst v63  }
0xfd: {  	_ =	swait.ge [sflag:s17], $0x1000  }
0xfe: {  	[sflag:s17] =	ssyncset.done $0x0  }
0xff: {  	s21 =	rddreg [dreg:$0x16];
	[sflag:s17] =	ssyncadd.s32 $0xFFFFF000  }
0x100: {  	[hbm4b:s21+s3] =	stream.linear.scatter [tilespmem:s20], [sflag:$0x11], $0x1000, $0x38;
	[tilespmem:$0x10C00] =	vst v63  }
0x101: {  	_ =	swait.ge [sflag:s18], $0x1000  }
0x102: {  	[sflag:s18] =	ssyncset.done $0x0  }
0x103: {  	[sflag:s18] =	ssyncadd.s32 $0xFFFFF000  }
0x104: {  	_ =	swait.ge [sflag:s18], $0x1000  }
0x105: {  	[sflag:s18] =	ssyncset.done $0x0  }
0x106: {  	[sflag:s18] =	ssyncadd.s32 $0xFFFFF000  }
0x107: {  	_ =	swait.ge [sflag:s18], $0x1000  }
0x108: {  	[sflag:s18] =	ssyncset.done $0x0  }
0x109: {  	[sflag:s18] =	ssyncadd.s32 $0xFFFFF000  }
0x10a: {  	_ =	swait.ge [sflag:s18], $0x1000  }
0x10b: {  	[sflag:s18] =	ssyncset.done $0x0  }
0x10c: {  	[sflag:s18] =	ssyncadd.s32 $0xFFFFF000  }
0x10d: {  	_ =	swait.ge [sflag:s18], $0x1000  }
0x10e: {  	[sflag:s18] =	ssyncset.done $0x0  }
0x10f: {  	[sflag:s18] =	ssyncadd.s32 $0xFFFFF000  }
0x110: {  	_ =	swait.ge [sflag:s18], $0x1000  }
0x111: {  	[sflag:s18] =	ssyncset.done $0x0  }
0x112: {  	[sflag:s18] =	ssyncadd.s32 $0xFFFFF000  }
0x113: {  	_ =	swait.ge [sflag:s18], $0x1000  }
0x114: {  	[sflag:s18] =	ssyncset.done $0x0  }
0x115: {  	[sflag:s18] =	ssyncadd.s32 $0xFFFFF000  }
0x116: {  	_ =	swait.ge [sflag:s18], $0x1000  }
0x117: {  	[sflag:s18] =	ssyncset.done $0x0  }
0x118: {  	[sflag:s18] =	ssyncadd.s32 $0xFFFFF000  }
0x119: {  	_ =	swait.ge [sflag:s18], $0x1000  }
0x11a: {  	[sflag:s18] =	ssyncset.done $0x0  }
0x11b: {  	[sflag:s18] =	ssyncadd.s32 $0xFFFFF000  }
0x11c: {  	_ =	swait.ge [sflag:s18], $0x1000  }
0x11d: {  	[sflag:s18] =	ssyncset.done $0x0  }
0x11e: {  	[sflag:s18] =	ssyncadd.s32 $0xFFFFF000  }
0x11f: {  	_ =	swait.ge [sflag:s18], $0x1000  }
0x120: {  	[sflag:s18] =	ssyncset.done $0x0  }
0x121: {  	[sflag:s18] =	ssyncadd.s32 $0xFFFFF000  }
0x122: {  	_ =	swait.ge [sflag:s18], $0x1000  }
0x123: {  	[sflag:s18] =	ssyncset.done $0x0  }
0x124: {  	[sflag:s18] =	ssyncadd.s32 $0xFFFFF000  }
0x125: {  	_ =	swait.ge [sflag:s18], $0x1000  }
0x126: {  	[sflag:s18] =	ssyncset.done $0x0  }
0x127: {  	[sflag:s18] =	ssyncadd.s32 $0xFFFFF000  }
0x128: {  	_ =	swait.ge [sflag:s18], $0x1000  }
0x129: {  	[sflag:s18] =	ssyncset.done $0x0  }
0x12a: {  	[sflag:s18] =	ssyncadd.s32 $0xFFFFF000  }
0x12b: {  	p0 =	sne.s32 s5, $0x1;
	_ =	swait.ge [sflag:s18], $0x1000  }
.Ltmp0:
0x12c: {  	[sflag:s18] =	ssyncset.done $0x0;
	(pc) =	sbr.rel @p0 .LBB2_1-.Ltmp0, $4  }
0x12d: {  	[sflag:s18] =	ssyncadd.s32 $0xFFFFF000  }
0x12e: {  	_ =	swait.ge [sflag:s18], $0x1000  }
0x12f: {  	[sflag:s18] =	ssyncset.done $0x0  }
0x130: {  	s5 =	sadd.s32 $0xFFFFFFFF, s5;
	[sflag:s18] =	ssyncadd.s32 $0xFFFFF000  }
0x131: {  	_ =	sfence.sel $0x180000  }
0x132: {  	[bflag:$0x0] =	sbarrier.arrive $0xFFFF  }
0x133: {  	_ =	strace $0x90000047  }
0x134: {  	s0 =	stileid.u32;
	[bflag:$0x2] =	sbarrier.arrive $0xFFFF  }
0x135: {  	p0 =	sne.s32 s0, $0x0;
	s0 =	rddreg [dreg:$0x4]  }
0x136: {  	s0 =	sadd.s32 @!p0 $0x100000, s0  }
0x137: {  	[sflag:s0] =	ssyncadd.tile.s32 @!p0 $0x1;
	_ =	shalt  }
.Lfunc_end2:
_tile_overlayer_lowered:
.L_overlay_start_2:
0x138: {  	(tag) =	ssettag $0x2  }
0x139: {  	s0 =	rddreg [dreg:$0x0];
	s2 =	stileid.u32  }
0x13a: {  	s1 =	rddreg [dreg:$0x1];
	p0 =	sne.s32 s2, $0x0  }
0x13b: {  	s3 =	rddreg [dreg:$0x2];
	[bflag:$0x3] =	sbarrier.arrive $0xFFFF;
	s2 =	simm.s32 @!p0 $0x1C13  }
0x13c: {  	[timem:s3], [sflag:s2] =	dma.local @!p0 [hbm:s0], s1  }
0x13d: {  	s0 =	simm.s32 @!p0 $0x13  }
0x13e: {  	_ =	swait.ge @!p0 [sflag:s0], s1  }
0x13f: {  	s1 =	ssub.s32 @!p0 $0x0, s1;
	[sflag:s0] =	ssyncset.done @!p0 $0x0  }
0x140: {  	[sflag:s0] =	ssyncadd.s32 @!p0 s1  }
0x141: {  	[bflag:$0x3] =	sbarrier.arrive $0xFFFF  }
0x142: {  	_ =	shalt  }

</sc_bundles>
